<compile_context>
chip_gen: v7x
topology: tpu7x:2x2x1
jax: 0.10.2.dev20260603
libtpu: 0.0.44.dev20260713+nightly
codegen_flags: <defaults>
</compile_context>

<pallas_src>
import functools

import jax
import jax.numpy as jnp
from jax import lax
from jax.experimental import pallas as pl
from jax.experimental.pallas import tpu as pltpu
from jax.experimental.pallas import tpu_sc as plsc

N_NODES = 10000
N_EDGES = 320000
NDIM_IN = 128
EDIMS = 16
NDIM_OUT = 128

NC = 2
NS = 16
HALF = NDIM_IN // NC
CHUNK = 128
GRP = 8
NGRP = 20
NCHUNK = GRP * NGRP
NCH2 = NCHUNK // NC
E_PAD = NS * NCHUNK * CHUNK
N_DUMMY = 10000
N_PAD = 10240
ROWS_PER_TILE = N_PAD // NS
NBUF = 4
PD = 2


def _sc_segment_sums(nf_halves, src_idx, dst_idx, ef, ones_blk,
                     zrow_a, zrow_e):
  mesh = plsc.VectorSubcoreMesh(core_axis_name="c", subcore_axis_name="s")

  @functools.partial(
      pl.kernel,
      out_type=[
          jax.ShapeDtypeStruct((NC, N_PAD, HALF), jnp.float32),
          jax.ShapeDtypeStruct((NC, N_PAD, EDIMS), jnp.float32),
          jax.ShapeDtypeStruct((NC, N_PAD, EDIMS), jnp.float32),
      ],
      mesh=mesh,
      scratch_types=[
          pltpu.VMEM_SHARED((N_PAD, HALF), jnp.float32),
          pltpu.VMEM_SHARED((N_PAD, EDIMS), jnp.float32),
          pltpu.VMEM_SHARED((N_PAD, EDIMS), jnp.float32),
          pltpu.VMEM((4, GRP, CHUNK), jnp.int32),
          pltpu.VMEM((4, GRP, CHUNK), jnp.int32),
          pltpu.VMEM((NBUF, CHUNK, HALF), jnp.float32),
          pltpu.VMEM((2, CHUNK, EDIMS), jnp.float32),
          pltpu.VMEM((CHUNK, EDIMS), jnp.float32),
          pltpu.SemaphoreType.DMA,
          pltpu.SemaphoreType.DMA((NBUF,)),
          pltpu.SemaphoreType.DMA((NBUF,)),
          pltpu.SemaphoreType.DMA((2,)),
          pltpu.SemaphoreType.DMA((2,)),
          pltpu.SemaphoreType.DMA,
      ],
      compiler_params=pltpu.CompilerParams(use_tc_tiling_on_sc=False),
  )
  def k(nf_hbm, sidx_hbm, didx_hbm, ef_hbm, ones_hbm, za_hbm, ze_hbm,
        a_out, bef_out, deg_out,
        a_sh, bef_sh, deg_sh, sidx_v, didx_v, rows_v, ef_v, ones_v,
        sem_i, sem_g, sem_s, sem_e, sem_f, sem_o):
    c = lax.axis_index("c")
    s = lax.axis_index("s")
    row0 = s * ROWS_PER_TILE
    pltpu.sync_copy(za_hbm, a_sh.at[pl.ds(row0, ROWS_PER_TILE)])
    pltpu.sync_copy(ze_hbm, bef_sh.at[pl.ds(row0, ROWS_PER_TILE)])
    pltpu.sync_copy(ze_hbm, deg_sh.at[pl.ds(row0, ROWS_PER_TILE)])
    pltpu.sync_copy(ones_hbm, ones_v)
    plsc.subcore_barrier()

    pltpu.sync_copy(sidx_hbm.at[s, pl.ds(0, GRP)], sidx_v.at[0])
    pltpu.sync_copy(didx_hbm.at[s, pl.ds(0, GRP)], didx_v.at[0])
    pltpu.async_copy(sidx_hbm.at[s, pl.ds(GRP, GRP)], sidx_v.at[1], sem_i)
    pltpu.async_copy(didx_hbm.at[s, pl.ds(GRP, GRP)], didx_v.at[1], sem_i)

    def p1_round(r, carry):
      for b in range(NBUF):
        if b == 0:

          @pl.when((lax.rem(r, 2) == 0) & (r > 0))
          def _():
            g = r // 2
            slot = lax.rem(g, 4)
            pltpu.make_async_copy(
                sidx_hbm.at[s, pl.ds(0, GRP)], sidx_v.at[slot], sem_i).wait()
            pltpu.make_async_copy(
                didx_hbm.at[s, pl.ds(0, GRP)], didx_v.at[slot], sem_i).wait()

            @pl.when(g + 1 < NGRP)
            def _():
              nslot = lax.rem(g + 1, 4)
              pltpu.async_copy(
                  sidx_hbm.at[s, pl.ds((g + 1) * GRP, GRP)], sidx_v.at[nslot],
                  sem_i)
              pltpu.async_copy(
                  didx_hbm.at[s, pl.ds((g + 1) * GRP, GRP)], didx_v.at[nslot],
                  sem_i)

        @pl.when(r >= 1)
        def _():
          pltpu.make_async_copy(
              rows_v.at[b], a_sh.at[pl.ds(0, CHUNK)], sem_s.at[b]).wait()

        idx = sidx_v.at[lax.rem(r // 2, 4), 4 * lax.rem(r, 2) + b]
        pltpu.async_copy(nf_hbm.at[c].at[idx], rows_v.at[b], sem_g.at[b])

        bs = (b + PD) % NBUF
        jj = r * NBUF + b - PD

        def scat(jj=jj, bs=bs):
          pltpu.make_async_copy(
              za_hbm.at[pl.ds(0, CHUNK)], rows_v.at[bs], sem_g.at[bs]).wait()
          idx2 = didx_v.at[lax.rem(jj // GRP, 4), lax.rem(jj, GRP)]
          pltpu.async_copy(rows_v.at[bs], a_sh.at[idx2], sem_s.at[bs],
                           add=True)

        if b < PD:
          pl.when(r >= 1)(scat)
        else:
          scat()

        efb = (b // 2) % 2

        @pl.when(c == (b % 2))
        def _():

          @pl.when(r >= 1)
          def _():
            pltpu.make_async_copy(
                ef_v.at[efb], bef_sh.at[pl.ds(0, CHUNK)], sem_f.at[efb]).wait()

          pltpu.async_copy(ef_hbm.at[s, r * NBUF + b], ef_v.at[efb],
                           sem_e.at[efb])

          def efscat(je=r * NBUF + b - 2, eb=1 - efb,
                     ones_lag=(r >= 2 if b < 2 else r >= 1)):
            pltpu.make_async_copy(
                ef_hbm.at[s, 0], ef_v.at[eb], sem_e.at[eb]).wait()
            idx3 = didx_v.at[lax.rem(je // GRP, 4), lax.rem(je, GRP)]
            pltpu.async_copy(ef_v.at[eb], bef_sh.at[idx3], sem_f.at[eb],
                             add=True)

            def ones_wait():
              pltpu.make_async_copy(
                  ones_hbm, deg_sh.at[pl.ds(0, CHUNK)], sem_o).wait()

            pl.when(ones_lag)(ones_wait)
            pltpu.async_copy(ones_v, deg_sh.at[idx3], sem_o, add=True)

          if b < 2:
            pl.when(r >= 1)(efscat)
          else:
            efscat()
      return carry

    lax.fori_loop(0, NCHUNK // NBUF, p1_round, 0)
    for b in range(PD):
      bs = (b + PD) % NBUF
      jj = NCHUNK + b - PD
      pltpu.make_async_copy(
          za_hbm.at[pl.ds(0, CHUNK)], rows_v.at[bs], sem_g.at[bs]).wait()
      idx2 = didx_v.at[(jj // GRP) % 4, jj % GRP]
      pltpu.async_copy(rows_v.at[bs], a_sh.at[idx2], sem_s.at[bs], add=True)
    for b in range(NBUF):
      pltpu.make_async_copy(
          rows_v.at[b], a_sh.at[pl.ds(0, CHUNK)], sem_s.at[b]).wait()

    je = NCHUNK - 2 + c
    pltpu.make_async_copy(ef_hbm.at[s, 0], ef_v.at[1], sem_e.at[1]).wait()
    idx5 = didx_v.at[lax.rem(je // GRP, 4), lax.rem(je, GRP)]
    pltpu.async_copy(ef_v.at[1], bef_sh.at[idx5], sem_f.at[1], add=True)
    pltpu.make_async_copy(ones_hbm, deg_sh.at[pl.ds(0, CHUNK)], sem_o).wait()
    pltpu.async_copy(ones_v, deg_sh.at[idx5], sem_o, add=True)
    for eb in range(2):
      pltpu.make_async_copy(
          ef_v.at[eb], bef_sh.at[pl.ds(0, CHUNK)], sem_f.at[eb]).wait()
      pltpu.make_async_copy(
          ones_hbm, deg_sh.at[pl.ds(0, CHUNK)], sem_o).wait()

    plsc.subcore_barrier()
    pltpu.sync_copy(a_sh.at[pl.ds(row0, ROWS_PER_TILE)],
                    a_out.at[c, pl.ds(row0, ROWS_PER_TILE)])
    pltpu.sync_copy(bef_sh.at[pl.ds(row0, ROWS_PER_TILE)],
                    bef_out.at[c, pl.ds(row0, ROWS_PER_TILE)])
    pltpu.sync_copy(deg_sh.at[pl.ds(row0, ROWS_PER_TILE)],
                    deg_out.at[c, pl.ds(row0, ROWS_PER_TILE)])

  return k(nf_halves, src_idx, dst_idx, ef, ones_blk, zrow_a, zrow_e)


def _tc_dense_body(a2, bef2, deg2, h, w1t, w2t, wa1t, wa2t, bm, bapp, out):
  a = jnp.concatenate([a2[0], a2[1]], axis=-1)
  bef = bef2[0] + bef2[1]
  deg = (deg2[0] + deg2[1])[:, :1]
  msum = (jnp.dot(a, w1t[...], preferred_element_type=jnp.float32)
          + jnp.dot(bef, w2t[...], preferred_element_type=jnp.float32)
          + deg * bm[...])
  hn = msum / jnp.maximum(deg, 1.0)
  comb = (jnp.dot(h[...], wa1t[...], preferred_element_type=jnp.float32)
          + jnp.dot(hn, wa2t[...], preferred_element_type=jnp.float32)
          + bapp[...])
  out[...] = jnp.maximum(comb, 0.0)


def _tc_dense(a2, bef2, deg2, h, w1t, w2t, wa1t, wa2t, bm, bapp):
  blk = 1000
  grid = N_NODES // blk
  return pl.pallas_call(
      _tc_dense_body,
      grid=(grid,),
      in_specs=[
          pl.BlockSpec((NC, blk, HALF), lambda i: (0, i, 0)),
          pl.BlockSpec((NC, blk, EDIMS), lambda i: (0, i, 0)),
          pl.BlockSpec((NC, blk, EDIMS), lambda i: (0, i, 0)),
          pl.BlockSpec((blk, NDIM_IN), lambda i: (i, 0)),
          pl.BlockSpec((NDIM_IN, NDIM_OUT), lambda i: (0, 0)),
          pl.BlockSpec((EDIMS, NDIM_OUT), lambda i: (0, 0)),
          pl.BlockSpec((NDIM_IN, NDIM_OUT), lambda i: (0, 0)),
          pl.BlockSpec((NDIM_OUT, NDIM_OUT), lambda i: (0, 0)),
          pl.BlockSpec((1, NDIM_OUT), lambda i: (0, 0)),
          pl.BlockSpec((1, NDIM_OUT), lambda i: (0, 0)),
      ],
      out_specs=pl.BlockSpec((blk, NDIM_OUT), lambda i: (i, 0)),
      out_shape=jax.ShapeDtypeStruct((N_NODES, NDIM_OUT), jnp.float32),
  )(a2, bef2, deg2, h, w1t, w2t, wa1t, wa2t, bm, bapp)


def kernel(nfeats, efeats, edge_index, W_msg_w, W_msg_b, W_apply_w, W_apply_b):
  h = nfeats[:, 0, :]
  nf_halves = h.reshape(N_NODES, NC, HALF).transpose(1, 0, 2)
  pad = E_PAD - N_EDGES
  src = jnp.concatenate(
      [edge_index[0].astype(jnp.int32), jnp.zeros((pad,), jnp.int32)])
  src = src.reshape(NS, NCHUNK, CHUNK)
  dst = jnp.concatenate(
      [edge_index[1].astype(jnp.int32),
       jnp.full((pad,), N_DUMMY, jnp.int32)])
  dst = dst.reshape(NS, NCHUNK, CHUNK)
  ef = jnp.concatenate(
      [efeats[:, 0, :], jnp.zeros((pad, EDIMS), jnp.float32)], axis=0)
  ef = ef.reshape(NS, NCHUNK, CHUNK, EDIMS)
  ones_blk = jnp.ones((CHUNK, EDIMS), jnp.float32)
  zrow_a = jnp.zeros((ROWS_PER_TILE, HALF), jnp.float32)
  zrow_e = jnp.zeros((ROWS_PER_TILE, EDIMS), jnp.float32)

  a2, bef2, deg2 = _sc_segment_sums(nf_halves, src, dst, ef, ones_blk,
                                    zrow_a, zrow_e)

  w1t = W_msg_w[:, :NDIM_IN].T
  w2t = W_msg_w[:, NDIM_IN:].T
  wa1t = W_apply_w[:, :NDIM_IN].T
  wa2t = W_apply_w[:, NDIM_IN:].T
  out = _tc_dense(a2, bef2, deg2, h, w1t, w2t, wa1t, wa2t,
                  W_msg_b[None, :], W_apply_b[None, :])
  return out[:, None, :]

# --- scband reference (transcript-rebuilt; emitter-appended) ---
"""Pipeline reference for scband-sagelayer-53712861004559 (READ-ONLY COPY).

The authoritative reference and input builder live on the scoring server;
editing this copy changes nothing except your own understanding.
"""

import jax, jax.numpy as jnp
import numpy as np

N_NODES = 10000
N_EDGES = 320000
NDIM_IN = 128
EDIMS = 16
NDIM_OUT = 128

def setup_inputs(seed: int = 0) -> dict:
    key = jax.random.key(seed)
    k1, k2, k3, k4, k5, k6, k7 = jax.random.split(key, 7)
    nfeats = jax.random.normal(k1, (N_NODES, 1, NDIM_IN), dtype=jnp.float32)
    efeats = jax.random.normal(k2, (N_EDGES, 1, EDIMS), dtype=jnp.float32)
    edge_index = jax.random.randint(k3, (2, N_EDGES), 0, N_NODES, dtype=jnp.int64)
    # W_msg: Linear(ndim_in + edims, ndim_out)
    bound_msg = 1.0 / np.sqrt(NDIM_IN + EDIMS)
    W_msg_w = jax.random.uniform(k4, (NDIM_OUT, NDIM_IN + EDIMS), dtype=jnp.float32, minval=-bound_msg, maxval=bound_msg)
    W_msg_b = jax.random.uniform(k5, (NDIM_OUT,), dtype=jnp.float32, minval=-bound_msg, maxval=bound_msg)
    # W_apply: Linear(ndim_in + ndim_out, ndim_out)
    bound_app = 1.0 / np.sqrt(NDIM_IN + NDIM_OUT)
    W_apply_w = jax.random.uniform(k6, (NDIM_OUT, NDIM_IN + NDIM_OUT), dtype=jnp.float32, minval=-bound_app, maxval=bound_app)
    W_apply_b = jax.random.uniform(k7, (NDIM_OUT,), dtype=jnp.float32, minval=-bound_app, maxval=bound_app)
    return {"nfeats": nfeats, "efeats": efeats, "edge_index": edge_index,
            "W_msg_w": W_msg_w, "W_msg_b": W_msg_b,
            "W_apply_w": W_apply_w, "W_apply_b": W_apply_b}

def reference(nfeats, efeats, edge_index, W_msg_w, W_msg_b, W_apply_w, W_apply_b):
    src = edge_index[0]
    dst = edge_index[1]
    # message_func: src_h = edges.src['h'].squeeze(1); edge_h = edges.data['h'].squeeze(1)
    src_h = jnp.take(nfeats[:, 0, :], src, axis=0)        # [E, ndim_in]
    edge_h = efeats[:, 0, :]                                # [E, edims]
    msg = jnp.concatenate([src_h, edge_h], axis=1) @ W_msg_w.T + W_msg_b  # [E, ndim_out]
    # dgl.function.mean('m', 'h_neigh'): mean over incoming edges at dst
    msg_sum = jax.ops.segment_sum(msg, dst, num_segments=N_NODES)
    deg = jax.ops.segment_sum(jnp.ones((msg.shape[0],), dtype=jnp.float32), dst, num_segments=N_NODES)
    h_neigh = msg_sum / jnp.maximum(deg, 1.0)[:, None]      # zero-in-degree nodes get 0
    h = nfeats[:, 0, :]
    combined = jnp.concatenate([h, h_neigh], axis=1) @ W_apply_w.T + W_apply_b
    out = jax.nn.relu(combined)[:, None, :]                 # unsqueeze(1)
    return out

if __name__ == "__main__":
    import jax
    _d = setup_inputs()
    print(jax.jit(kernel)(*tuple(_d.values())))

</pallas_src>

<mosaic_0001>
#map = affine_map<(d0, d1) -> (0, 0, 0)>
#map1 = affine_map<(d0, d1) -> (0, 0, 0, 0)>
#map2 = affine_map<(d0, d1) -> (0, 0)>
module attributes {stable_mosaic.version = 14 : i64} {
  func.func @k(%arg0: i32, %arg1: i32, %arg2: memref<2x10000x64xf32, #tpu.memory_space<hbm>>, %arg3: memref<16x160x128xi32, #tpu.memory_space<hbm>>, %arg4: memref<16x160x128xi32, #tpu.memory_space<hbm>>, %arg5: memref<16x160x128x16xf32, #tpu.memory_space<hbm>>, %arg6: memref<128x16xf32, #tpu.memory_space<hbm>>, %arg7: memref<640x64xf32, #tpu.memory_space<hbm>>, %arg8: memref<640x16xf32, #tpu.memory_space<hbm>>, %arg9: memref<2x10240x64xf32, #tpu.memory_space<hbm>>, %arg10: memref<2x10240x16xf32, #tpu.memory_space<hbm>>, %arg11: memref<2x10240x16xf32, #tpu.memory_space<hbm>>, %arg12: memref<10240x64xf32, #tpu.memory_space<vmem_shared>>, %arg13: memref<10240x16xf32, #tpu.memory_space<vmem_shared>>, %arg14: memref<10240x16xf32, #tpu.memory_space<vmem_shared>>, %arg15: memref<4x8x128xi32, #tpu.memory_space<vmem>>, %arg16: memref<4x8x128xi32, #tpu.memory_space<vmem>>, %arg17: memref<4x128x64xf32, #tpu.memory_space<vmem>>, %arg18: memref<2x128x16xf32, #tpu.memory_space<vmem>>, %arg19: memref<128x16xf32, #tpu.memory_space<vmem>>, %arg20: memref<!tpu.dma_semaphore, #tpu.memory_space<semaphore_mem>>, %arg21: memref<4x!tpu.dma_semaphore, #tpu.memory_space<semaphore_mem>>, %arg22: memref<4x!tpu.dma_semaphore, #tpu.memory_space<semaphore_mem>>, %arg23: memref<2x!tpu.dma_semaphore, #tpu.memory_space<semaphore_mem>>, %arg24: memref<2x!tpu.dma_semaphore, #tpu.memory_space<semaphore_mem>>, %arg25: memref<!tpu.dma_semaphore, #tpu.memory_space<semaphore_mem>>) attributes {dimension_semantics = [#tpu.dimension_semantics<core_parallel>, #tpu.dimension_semantics<subcore_parallel>], iteration_bounds = array<i64: 2, 16>, scalar_prefetch = 0 : i64, scratch_operands = 14 : i64, tpu.core_type = #tpu.core_type<sc_vector_subcore>, window_params = [{transform_indices = #map}, {transform_indices = #map}, {transform_indices = #map}, {transform_indices = #map1}, {transform_indices = #map2}, {transform_indices = #map2}, {transform_indices = #map2}, {transform_indices = #map}, {transform_indices = #map}, {transform_indices = #map}]} {
    %mul3A = arith.constant 640 : i32
    %mul3A_0 = arith.muli %arg1, %mul3A : i32
    "tpu.region"() ({
      %run_scoped3A_287 = tpu.sem_alloc : memref<!tpu.dma_semaphore, #tpu.memory_space<semaphore_mem>>
      %dma_start3A_288 = arith.constant 0 : i32
      %dma_start3A_289 = tpu.memref_slice %arg12[%mul3A_0, %dma_start3A_288] : memref<10240x64xf32, #tpu.memory_space<vmem_shared>> -> memref<640x64xf32, #tpu.memory_space<vmem_shared>>
      tpu.enqueue_dma source(%arg7 : memref<640x64xf32, #tpu.memory_space<hbm>>) target(%dma_start3A_289 : memref<640x64xf32, #tpu.memory_space<vmem_shared>>) target_semaphore(%run_scoped3A_287 : memref<!tpu.dma_semaphore, #tpu.memory_space<semaphore_mem>>)
      %dma_wait3A_290 = arith.constant 0 : i32
      %dma_wait3A_291 = tpu.memref_slice %arg12[%mul3A_0, %dma_wait3A_290] : memref<10240x64xf32, #tpu.memory_space<vmem_shared>> -> memref<640x64xf32, #tpu.memory_space<vmem_shared>>
      tpu.wait_dma2 semaphore(%run_scoped3A_287 : memref<!tpu.dma_semaphore, #tpu.memory_space<semaphore_mem>>) src(%arg7 : memref<640x64xf32, #tpu.memory_space<hbm>>) dst(%dma_wait3A_291 : memref<640x64xf32, #tpu.memory_space<vmem_shared>>)
      tpu.yield
    }) : () -> ()
    "tpu.region"() ({
      %run_scoped3A_287 = tpu.sem_alloc : memref<!tpu.dma_semaphore, #tpu.memory_space<semaphore_mem>>
      %dma_start3A_288 = arith.constant 0 : i32
      %dma_start3A_289 = tpu.memref_slice %arg13[%mul3A_0, %dma_start3A_288] : memref<10240x16xf32, #tpu.memory_space<vmem_shared>> -> memref<640x16xf32, #tpu.memory_space<vmem_shared>>
      tpu.enqueue_dma source(%arg8 : memref<640x16xf32, #tpu.memory_space<hbm>>) target(%dma_start3A_289 : memref<640x16xf32, #tpu.memory_space<vmem_shared>>) target_semaphore(%run_scoped3A_287 : memref<!tpu.dma_semaphore, #tpu.memory_space<semaphore_mem>>)
      %dma_wait3A_290 = arith.constant 0 : i32
      %dma_wait3A_291 = tpu.memref_slice %arg13[%mul3A_0, %dma_wait3A_290] : memref<10240x16xf32, #tpu.memory_space<vmem_shared>> -> memref<640x16xf32, #tpu.memory_space<vmem_shared>>
      tpu.wait_dma2 semaphore(%run_scoped3A_287 : memref<!tpu.dma_semaphore, #tpu.memory_space<semaphore_mem>>) src(%arg8 : memref<640x16xf32, #tpu.memory_space<hbm>>) dst(%dma_wait3A_291 : memref<640x16xf32, #tpu.memory_space<vmem_shared>>)
      tpu.yield
    }) : () -> ()
    "tpu.region"() ({
      %run_scoped3A_287 = tpu.sem_alloc : memref<!tpu.dma_semaphore, #tpu.memory_space<semaphore_mem>>
      %dma_start3A_288 = arith.constant 0 : i32
      %dma_start3A_289 = tpu.memref_slice %arg14[%mul3A_0, %dma_start3A_288] : memref<10240x16xf32, #tpu.memory_space<vmem_shared>> -> memref<640x16xf32, #tpu.memory_space<vmem_shared>>
      tpu.enqueue_dma source(%arg8 : memref<640x16xf32, #tpu.memory_space<hbm>>) target(%dma_start3A_289 : memref<640x16xf32, #tpu.memory_space<vmem_shared>>) target_semaphore(%run_scoped3A_287 : memref<!tpu.dma_semaphore, #tpu.memory_space<semaphore_mem>>)
      %dma_wait3A_290 = arith.constant 0 : i32
      %dma_wait3A_291 = tpu.memref_slice %arg14[%mul3A_0, %dma_wait3A_290] : memref<10240x16xf32, #tpu.memory_space<vmem_shared>> -> memref<640x16xf32, #tpu.memory_space<vmem_shared>>
      tpu.wait_dma2 semaphore(%run_scoped3A_287 : memref<!tpu.dma_semaphore, #tpu.memory_space<semaphore_mem>>) src(%arg8 : memref<640x16xf32, #tpu.memory_space<hbm>>) dst(%dma_wait3A_291 : memref<640x16xf32, #tpu.memory_space<vmem_shared>>)
      tpu.yield
    }) : () -> ()
    "tpu.region"() ({
      %run_scoped3A_287 = tpu.sem_alloc : memref<!tpu.dma_semaphore, #tpu.memory_space<semaphore_mem>>
      tpu.enqueue_dma source(%arg6 : memref<128x16xf32, #tpu.memory_space<hbm>>) target(%arg19 : memref<128x16xf32, #tpu.memory_space<vmem>>) target_semaphore(%run_scoped3A_287 : memref<!tpu.dma_semaphore, #tpu.memory_space<semaphore_mem>>)
      tpu.wait_dma2 semaphore(%run_scoped3A_287 : memref<!tpu.dma_semaphore, #tpu.memory_space<semaphore_mem>>) src(%arg6 : memref<128x16xf32, #tpu.memory_space<hbm>>) dst(%arg19 : memref<128x16xf32, #tpu.memory_space<vmem>>)
      tpu.yield
    }) : () -> ()
    %barrier3A = arith.constant 0 : index
    tpu.barrier barrier_id(%barrier3A)
    %run_scoped3A = arith.constant 0 : i32
    "tpu.region"() ({
      %run_scoped3A_287 = tpu.sem_alloc : memref<!tpu.dma_semaphore, #tpu.memory_space<semaphore_mem>>
      %dma_start3A_288 = arith.constant 0 : i32
      %dma_start3A_289 = arith.constant 0 : i32
      %dma_start3A_290 = tpu.memref_slice %arg15[%run_scoped3A, %dma_start3A_288, %dma_start3A_289] : memref<4x8x128xi32, #tpu.memory_space<vmem>> -> memref<1x8x128xi32, #tpu.memory_space<vmem>>
      %dma_start3A_291 = tpu.memref_squeeze %dma_start3A_290 : memref<1x8x128xi32, #tpu.memory_space<vmem>> -> memref<8x128xi32, #tpu.memory_space<vmem>>
      %dma_start3A_292 = arith.constant 0 : i32
      %dma_start3A_293 = arith.constant 0 : i32
      %dma_start3A_294 = tpu.memref_slice %arg3[%arg1, %dma_start3A_292, %dma_start3A_293] : memref<16x160x128xi32, #tpu.memory_space<hbm>> -> memref<1x8x128xi32, #tpu.memory_space<hbm>>
      %dma_start3A_295 = tpu.memref_squeeze %dma_start3A_294 : memref<1x8x128xi32, #tpu.memory_space<hbm>> -> memref<8x128xi32, #tpu.memory_space<hbm>>
      %dma_start3A_296 = arith.constant 0 : i32
      %dma_start3A_297 = arith.constant 0 : i32
      %dma_start3A_298 = tpu.memref_slice %arg15[%run_scoped3A, %dma_start3A_296, %dma_start3A_297] : memref<4x8x128xi32, #tpu.memory_space<vmem>> -> memref<1x8x128xi32, #tpu.memory_space<vmem>>
      %dma_start3A_299 = tpu.memref_squeeze %dma_start3A_298 : memref<1x8x128xi32, #tpu.memory_space<vmem>> -> memref<8x128xi32, #tpu.memory_space<vmem>>
      %dma_start3A_300 = arith.constant 0 : i32
      %dma_start3A_301 = arith.constant 0 : i32
      %dma_start3A_302 = tpu.memref_slice %arg3[%arg1, %dma_start3A_300, %dma_start3A_301] : memref<16x160x128xi32, #tpu.memory_space<hbm>> -> memref<1x8x128xi32, #tpu.memory_space<hbm>>
      %dma_start3A_303 = tpu.memref_squeeze %dma_start3A_302 : memref<1x8x128xi32, #tpu.memory_space<hbm>> -> memref<8x128xi32, #tpu.memory_space<hbm>>
      tpu.enqueue_dma source(%dma_start3A_303 : memref<8x128xi32, #tpu.memory_space<hbm>>) target(%dma_start3A_299 : memref<8x128xi32, #tpu.memory_space<vmem>>) target_semaphore(%run_scoped3A_287 : memref<!tpu.dma_semaphore, #tpu.memory_space<semaphore_mem>>)
      %dma_wait3A_304 = arith.constant 0 : i32
      %dma_wait3A_305 = arith.constant 0 : i32
      %dma_wait3A_306 = tpu.memref_slice %arg15[%run_scoped3A, %dma_wait3A_304, %dma_wait3A_305] : memref<4x8x128xi32, #tpu.memory_space<vmem>> -> memref<1x8x128xi32, #tpu.memory_space<vmem>>
      %dma_wait3A_307 = tpu.memref_squeeze %dma_wait3A_306 : memref<1x8x128xi32, #tpu.memory_space<vmem>> -> memref<8x128xi32, #tpu.memory_space<vmem>>
      %dma_wait3A_308 = arith.constant 0 : i32
      %dma_wait3A_309 = arith.constant 0 : i32
      %dma_wait3A_310 = tpu.memref_slice %arg3[%arg1, %dma_wait3A_308, %dma_wait3A_309] : memref<16x160x128xi32, #tpu.memory_space<hbm>> -> memref<1x8x128xi32, #tpu.memory_space<hbm>>
      %dma_wait3A_311 = tpu.memref_squeeze %dma_wait3A_310 : memref<1x8x128xi32, #tpu.memory_space<hbm>> -> memref<8x128xi32, #tpu.memory_space<hbm>>
      %dma_wait3A_312 = arith.constant 0 : i32
      %dma_wait3A_313 = arith.constant 0 : i32
      %dma_wait3A_314 = tpu.memref_slice %arg15[%run_scoped3A, %dma_wait3A_312, %dma_wait3A_313] : memref<4x8x128xi32, #tpu.memory_space<vmem>> -> memref<1x8x128xi32, #tpu.memory_space<vmem>>
      %dma_wait3A_315 = tpu.memref_squeeze %dma_wait3A_314 : memref<1x8x128xi32, #tpu.memory_space<vmem>> -> memref<8x128xi32, #tpu.memory_space<vmem>>
      %dma_wait3A_316 = arith.constant 0 : i32
      %dma_wait3A_317 = arith.constant 0 : i32
      %dma_wait3A_318 = tpu.memref_slice %arg3[%arg1, %dma_wait3A_316, %dma_wait3A_317] : memref<16x160x128xi32, #tpu.memory_space<hbm>> -> memref<1x8x128xi32, #tpu.memory_space<hbm>>
      %dma_wait3A_319 = tpu.memref_squeeze %dma_wait3A_318 : memref<1x8x128xi32, #tpu.memory_space<hbm>> -> memref<8x128xi32, #tpu.memory_space<hbm>>
      tpu.wait_dma2 semaphore(%run_scoped3A_287 : memref<!tpu.dma_semaphore, #tpu.memory_space<semaphore_mem>>) src(%dma_wait3A_319 : memref<8x128xi32, #tpu.memory_space<hbm>>) dst(%dma_wait3A_315 : memref<8x128xi32, #tpu.memory_space<vmem>>)
      tpu.yield
    }) : () -> ()
    %run_scoped3A_1 = arith.constant 0 : i32
    "tpu.region"() ({
      %run_scoped3A_287 = tpu.sem_alloc : memref<!tpu.dma_semaphore, #tpu.memory_space<semaphore_mem>>
      %dma_start3A_288 = arith.constant 0 : i32
      %dma_start3A_289 = arith.constant 0 : i32
      %dma_start3A_290 = tpu.memref_slice %arg16[%run_scoped3A_1, %dma_start3A_288, %dma_start3A_289] : memref<4x8x128xi32, #tpu.memory_space<vmem>> -> memref<1x8x128xi32, #tpu.memory_space<vmem>>
      %dma_start3A_291 = tpu.memref_squeeze %dma_start3A_290 : memref<1x8x128xi32, #tpu.memory_space<vmem>> -> memref<8x128xi32, #tpu.memory_space<vmem>>
      %dma_start3A_292 = arith.constant 0 : i32
      %dma_start3A_293 = arith.constant 0 : i32
      %dma_start3A_294 = tpu.memref_slice %arg4[%arg1, %dma_start3A_292, %dma_start3A_293] : memref<16x160x128xi32, #tpu.memory_space<hbm>> -> memref<1x8x128xi32, #tpu.memory_space<hbm>>
      %dma_start3A_295 = tpu.memref_squeeze %dma_start3A_294 : memref<1x8x128xi32, #tpu.memory_space<hbm>> -> memref<8x128xi32, #tpu.memory_space<hbm>>
      %dma_start3A_296 = arith.constant 0 : i32
      %dma_start3A_297 = arith.constant 0 : i32
      %dma_start3A_298 = tpu.memref_slice %arg16[%run_scoped3A_1, %dma_start3A_296, %dma_start3A_297] : memref<4x8x128xi32, #tpu.memory_space<vmem>> -> memref<1x8x128xi32, #tpu.memory_space<vmem>>
      %dma_start3A_299 = tpu.memref_squeeze %dma_start3A_298 : memref<1x8x128xi32, #tpu.memory_space<vmem>> -> memref<8x128xi32, #tpu.memory_space<vmem>>
      %dma_start3A_300 = arith.constant 0 : i32
      %dma_start3A_301 = arith.constant 0 : i32
      %dma_start3A_302 = tpu.memref_slice %arg4[%arg1, %dma_start3A_300, %dma_start3A_301] : memref<16x160x128xi32, #tpu.memory_space<hbm>> -> memref<1x8x128xi32, #tpu.memory_space<hbm>>
      %dma_start3A_303 = tpu.memref_squeeze %dma_start3A_302 : memref<1x8x128xi32, #tpu.memory_space<hbm>> -> memref<8x128xi32, #tpu.memory_space<hbm>>
      tpu.enqueue_dma source(%dma_start3A_303 : memref<8x128xi32, #tpu.memory_space<hbm>>) target(%dma_start3A_299 : memref<8x128xi32, #tpu.memory_space<vmem>>) target_semaphore(%run_scoped3A_287 : memref<!tpu.dma_semaphore, #tpu.memory_space<semaphore_mem>>)
      %dma_wait3A_304 = arith.constant 0 : i32
      %dma_wait3A_305 = arith.constant 0 : i32
      %dma_wait3A_306 = tpu.memref_slice %arg16[%run_scoped3A_1, %dma_wait3A_304, %dma_wait3A_305] : memref<4x8x128xi32, #tpu.memory_space<vmem>> -> memref<1x8x128xi32, #tpu.memory_space<vmem>>
      %dma_wait3A_307 = tpu.memref_squeeze %dma_wait3A_306 : memref<1x8x128xi32, #tpu.memory_space<vmem>> -> memref<8x128xi32, #tpu.memory_space<vmem>>
      %dma_wait3A_308 = arith.constant 0 : i32
      %dma_wait3A_309 = arith.constant 0 : i32
      %dma_wait3A_310 = tpu.memref_slice %arg4[%arg1, %dma_wait3A_308, %dma_wait3A_309] : memref<16x160x128xi32, #tpu.memory_space<hbm>> -> memref<1x8x128xi32, #tpu.memory_space<hbm>>
      %dma_wait3A_311 = tpu.memref_squeeze %dma_wait3A_310 : memref<1x8x128xi32, #tpu.memory_space<hbm>> -> memref<8x128xi32, #tpu.memory_space<hbm>>
      %dma_wait3A_312 = arith.constant 0 : i32
      %dma_wait3A_313 = arith.constant 0 : i32
      %dma_wait3A_314 = tpu.memref_slice %arg16[%run_scoped3A_1, %dma_wait3A_312, %dma_wait3A_313] : memref<4x8x128xi32, #tpu.memory_space<vmem>> -> memref<1x8x128xi32, #tpu.memory_space<vmem>>
      %dma_wait3A_315 = tpu.memref_squeeze %dma_wait3A_314 : memref<1x8x128xi32, #tpu.memory_space<vmem>> -> memref<8x128xi32, #tpu.memory_space<vmem>>
      %dma_wait3A_316 = arith.constant 0 : i32
      %dma_wait3A_317 = arith.constant 0 : i32
      %dma_wait3A_318 = tpu.memref_slice %arg4[%arg1, %dma_wait3A_316, %dma_wait3A_317] : memref<16x160x128xi32, #tpu.memory_space<hbm>> -> memref<1x8x128xi32, #tpu.memory_space<hbm>>
      %dma_wait3A_319 = tpu.memref_squeeze %dma_wait3A_318 : memref<1x8x128xi32, #tpu.memory_space<hbm>> -> memref<8x128xi32, #tpu.memory_space<hbm>>
      tpu.wait_dma2 semaphore(%run_scoped3A_287 : memref<!tpu.dma_semaphore, #tpu.memory_space<semaphore_mem>>) src(%dma_wait3A_319 : memref<8x128xi32, #tpu.memory_space<hbm>>) dst(%dma_wait3A_315 : memref<8x128xi32, #tpu.memory_space<vmem>>)
      tpu.yield
    }) : () -> ()
    %dma_start3A = arith.constant 1 : i32
    %dma_start3A_2 = arith.constant 0 : i32
    %dma_start3A_3 = arith.constant 0 : i32
    %dma_start3A_4 = tpu.memref_slice %arg15[%dma_start3A, %dma_start3A_2, %dma_start3A_3] : memref<4x8x128xi32, #tpu.memory_space<vmem>> -> memref<1x8x128xi32, #tpu.memory_space<vmem>>
    %dma_start3A_5 = tpu.memref_squeeze %dma_start3A_4 : memref<1x8x128xi32, #tpu.memory_space<vmem>> -> memref<8x128xi32, #tpu.memory_space<vmem>>
    %dma_start3A_6 = arith.constant 8 : i32
    %dma_start3A_7 = arith.constant 0 : i32
    %dma_start3A_8 = tpu.memref_slice %arg3[%arg1, %dma_start3A_6, %dma_start3A_7] : memref<16x160x128xi32, #tpu.memory_space<hbm>> -> memref<1x8x128xi32, #tpu.memory_space<hbm>>
    %dma_start3A_9 = tpu.memref_squeeze %dma_start3A_8 : memref<1x8x128xi32, #tpu.memory_space<hbm>> -> memref<8x128xi32, #tpu.memory_space<hbm>>
    %dma_start3A_10 = arith.constant 0 : i32
    %dma_start3A_11 = arith.constant 0 : i32
    %dma_start3A_12 = tpu.memref_slice %arg15[%dma_start3A, %dma_start3A_10, %dma_start3A_11] : memref<4x8x128xi32, #tpu.memory_space<vmem>> -> memref<1x8x128xi32, #tpu.memory_space<vmem>>
    %dma_start3A_13 = tpu.memref_squeeze %dma_start3A_12 : memref<1x8x128xi32, #tpu.memory_space<vmem>> -> memref<8x128xi32, #tpu.memory_space<vmem>>
    %dma_start3A_14 = arith.constant 8 : i32
    %dma_start3A_15 = arith.constant 0 : i32
    %dma_start3A_16 = tpu.memref_slice %arg3[%arg1, %dma_start3A_14, %dma_start3A_15] : memref<16x160x128xi32, #tpu.memory_space<hbm>> -> memref<1x8x128xi32, #tpu.memory_space<hbm>>
    %dma_start3A_17 = tpu.memref_squeeze %dma_start3A_16 : memref<1x8x128xi32, #tpu.memory_space<hbm>> -> memref<8x128xi32, #tpu.memory_space<hbm>>
    tpu.enqueue_dma source(%dma_start3A_17 : memref<8x128xi32, #tpu.memory_space<hbm>>) target(%dma_start3A_13 : memref<8x128xi32, #tpu.memory_space<vmem>>) target_semaphore(%arg20 : memref<!tpu.dma_semaphore, #tpu.memory_space<semaphore_mem>>)
    %dma_start3A_18 = arith.constant 1 : i32
    %dma_start3A_19 = arith.constant 0 : i32
    %dma_start3A_20 = arith.constant 0 : i32
    %dma_start3A_21 = tpu.memref_slice %arg16[%dma_start3A_18, %dma_start3A_19, %dma_start3A_20] : memref<4x8x128xi32, #tpu.memory_space<vmem>> -> memref<1x8x128xi32, #tpu.memory_space<vmem>>
    %dma_start3A_22 = tpu.memref_squeeze %dma_start3A_21 : memref<1x8x128xi32, #tpu.memory_space<vmem>> -> memref<8x128xi32, #tpu.memory_space<vmem>>
    %dma_start3A_23 = arith.constant 8 : i32
    %dma_start3A_24 = arith.constant 0 : i32
    %dma_start3A_25 = tpu.memref_slice %arg4[%arg1, %dma_start3A_23, %dma_start3A_24] : memref<16x160x128xi32, #tpu.memory_space<hbm>> -> memref<1x8x128xi32, #tpu.memory_space<hbm>>
    %dma_start3A_26 = tpu.memref_squeeze %dma_start3A_25 : memref<1x8x128xi32, #tpu.memory_space<hbm>> -> memref<8x128xi32, #tpu.memory_space<hbm>>
    %dma_start3A_27 = arith.constant 0 : i32
    %dma_start3A_28 = arith.constant 0 : i32
    %dma_start3A_29 = tpu.memref_slice %arg16[%dma_start3A_18, %dma_start3A_27, %dma_start3A_28] : memref<4x8x128xi32, #tpu.memory_space<vmem>> -> memref<1x8x128xi32, #tpu.memory_space<vmem>>
    %dma_start3A_30 = tpu.memref_squeeze %dma_start3A_29 : memref<1x8x128xi32, #tpu.memory_space<vmem>> -> memref<8x128xi32, #tpu.memory_space<vmem>>
    %dma_start3A_31 = arith.constant 8 : i32
    %dma_start3A_32 = arith.constant 0 : i32
    %dma_start3A_33 = tpu.memref_slice %arg4[%arg1, %dma_start3A_31, %dma_start3A_32] : memref<16x160x128xi32, #tpu.memory_space<hbm>> -> memref<1x8x128xi32, #tpu.memory_space<hbm>>
    %dma_start3A_34 = tpu.memref_squeeze %dma_start3A_33 : memref<1x8x128xi32, #tpu.memory_space<hbm>> -> memref<8x128xi32, #tpu.memory_space<hbm>>
    tpu.enqueue_dma source(%dma_start3A_34 : memref<8x128xi32, #tpu.memory_space<hbm>>) target(%dma_start3A_30 : memref<8x128xi32, #tpu.memory_space<vmem>>) target_semaphore(%arg20 : memref<!tpu.dma_semaphore, #tpu.memory_space<semaphore_mem>>)
    %scan3A = arith.constant 0 : i32
    %scan3A_35 = arith.constant 0 : i32
    %scan3A_36 = arith.constant 40 : i32
    %scan3A_37 = arith.addi %scan3A_35, %scan3A_36 : i32
    %scan3A_38 = arith.constant 1 : i32
    scf.for %scan3A_287 = %scan3A_35 to %scan3A_37 step %scan3A_38  : i32 {
      %rem3A_288 = arith.constant 2 : i32
      %rem3A_289 = arith.remsi %scan3A_287, %rem3A_288 : i32
      %eq3A = arith.constant 0 : i32
      %eq3A_290 = arith.cmpi eq, %rem3A_289, %eq3A : i32
      %gt3A = arith.constant 0 : i32
      %gt3A_291 = arith.cmpi sgt, %scan3A_287, %gt3A : i32
      %and3A_292 = arith.andi %eq3A_290, %gt3A_291 : i1
      %convert_element_type3A = arith.extui %and3A_292 : i1 to i32
      %cond3A = arith.constant 0 : i32
      %cond3A_293 = arith.cmpi ne, %convert_element_type3A, %cond3A : i32
      scf.if %cond3A_293 {
        %jit3A_687 = arith.constant 2 : i32
        %div3A_688 = arith.divsi %scan3A_287, %jit3A_687 : i32
        %sign3A_689 = arith.constant 0 : i32
        %sign3A_690 = arith.cmpi sgt, %scan3A_287, %sign3A_689 : i32
        %sign3A_691 = arith.extui %sign3A_690 : i1 to i32
        %sign3A_692 = arith.constant 0 : i32
        %sign3A_693 = arith.cmpi slt, %scan3A_287, %sign3A_692 : i32
        %sign3A_694 = arith.extui %sign3A_693 : i1 to i32
        %sign3A_695 = arith.subi %sign3A_691, %sign3A_694 : i32
        %sign3A_696 = arith.constant 0 : i32
        %sign3A_697 = arith.cmpi sgt, %jit3A_687, %sign3A_696 : i32
        %sign3A_698 = arith.extui %sign3A_697 : i1 to i32
        %sign3A_699 = arith.constant 0 : i32
        %sign3A_700 = arith.cmpi slt, %jit3A_687, %sign3A_699 : i32
        %sign3A_701 = arith.extui %sign3A_700 : i1 to i32
        %sign3A_702 = arith.subi %sign3A_698, %sign3A_701 : i32
        %ne3A_703 = arith.cmpi ne, %sign3A_695, %sign3A_702 : i32
        %rem3A_704 = arith.remsi %scan3A_287, %jit3A_687 : i32
        %ne3A_705 = arith.constant 0 : i32
        %ne3A_706 = arith.cmpi ne, %rem3A_704, %ne3A_705 : i32
        %and3A_707 = arith.andi %ne3A_703, %ne3A_706 : i1
        %sub3A_708 = arith.constant 1 : i32
        %sub3A_709 = arith.subi %div3A_688, %sub3A_708 : i32
        %select_n3A_710 = arith.select %and3A_707, %sub3A_709, %div3A_688 : i32
        %rem3A_711 = arith.constant 4 : i32
        %rem3A_712 = arith.remsi %select_n3A_710, %rem3A_711 : i32
        %dma_wait3A_713 = arith.constant 0 : i32
        %dma_wait3A_714 = arith.constant 0 : i32
        %dma_wait3A_715 = tpu.memref_slice %arg15[%rem3A_712, %dma_wait3A_713, %dma_wait3A_714] : memref<4x8x128xi32, #tpu.memory_space<vmem>> -> memref<1x8x128xi32, #tpu.memory_space<vmem>>
        %dma_wait3A_716 = tpu.memref_squeeze %dma_wait3A_715 : memref<1x8x128xi32, #tpu.memory_space<vmem>> -> memref<8x128xi32, #tpu.memory_space<vmem>>
        %dma_wait3A_717 = arith.constant 0 : i32
        %dma_wait3A_718 = arith.constant 0 : i32
        %dma_wait3A_719 = tpu.memref_slice %arg3[%arg1, %dma_wait3A_717, %dma_wait3A_718] : memref<16x160x128xi32, #tpu.memory_space<hbm>> -> memref<1x8x128xi32, #tpu.memory_space<hbm>>
        %dma_wait3A_720 = tpu.memref_squeeze %dma_wait3A_719 : memref<1x8x128xi32, #tpu.memory_space<hbm>> -> memref<8x128xi32, #tpu.memory_space<hbm>>
        %dma_wait3A_721 = arith.constant 0 : i32
        %dma_wait3A_722 = arith.constant 0 : i32
        %dma_wait3A_723 = tpu.memref_slice %arg15[%rem3A_712, %dma_wait3A_721, %dma_wait3A_722] : memref<4x8x128xi32, #tpu.memory_space<vmem>> -> memref<1x8x128xi32, #tpu.memory_space<vmem>>
        %dma_wait3A_724 = tpu.memref_squeeze %dma_wait3A_723 : memref<1x8x128xi32, #tpu.memory_space<vmem>> -> memref<8x128xi32, #tpu.memory_space<vmem>>
        %dma_wait3A_725 = arith.constant 0 : i32
        %dma_wait3A_726 = arith.constant 0 : i32
        %dma_wait3A_727 = tpu.memref_slice %arg3[%arg1, %dma_wait3A_725, %dma_wait3A_726] : memref<16x160x128xi32, #tpu.memory_space<hbm>> -> memref<1x8x128xi32, #tpu.memory_space<hbm>>
        %dma_wait3A_728 = tpu.memref_squeeze %dma_wait3A_727 : memref<1x8x128xi32, #tpu.memory_space<hbm>> -> memref<8x128xi32, #tpu.memory_space<hbm>>
        tpu.wait_dma2 semaphore(%arg20 : memref<!tpu.dma_semaphore, #tpu.memory_space<semaphore_mem>>) src(%dma_wait3A_728 : memref<8x128xi32, #tpu.memory_space<hbm>>) dst(%dma_wait3A_724 : memref<8x128xi32, #tpu.memory_space<vmem>>)
        %dma_wait3A_729 = arith.constant 0 : i32
        %dma_wait3A_730 = arith.constant 0 : i32
        %dma_wait3A_731 = tpu.memref_slice %arg16[%rem3A_712, %dma_wait3A_729, %dma_wait3A_730] : memref<4x8x128xi32, #tpu.memory_space<vmem>> -> memref<1x8x128xi32, #tpu.memory_space<vmem>>
        %dma_wait3A_732 = tpu.memref_squeeze %dma_wait3A_731 : memref<1x8x128xi32, #tpu.memory_space<vmem>> -> memref<8x128xi32, #tpu.memory_space<vmem>>
        %dma_wait3A_733 = arith.constant 0 : i32
        %dma_wait3A_734 = arith.constant 0 : i32
        %dma_wait3A_735 = tpu.memref_slice %arg4[%arg1, %dma_wait3A_733, %dma_wait3A_734] : memref<16x160x128xi32, #tpu.memory_space<hbm>> -> memref<1x8x128xi32, #tpu.memory_space<hbm>>
        %dma_wait3A_736 = tpu.memref_squeeze %dma_wait3A_735 : memref<1x8x128xi32, #tpu.memory_space<hbm>> -> memref<8x128xi32, #tpu.memory_space<hbm>>
        %dma_wait3A_737 = arith.constant 0 : i32
        %dma_wait3A_738 = arith.constant 0 : i32
        %dma_wait3A_739 = tpu.memref_slice %arg16[%rem3A_712, %dma_wait3A_737, %dma_wait3A_738] : memref<4x8x128xi32, #tpu.memory_space<vmem>> -> memref<1x8x128xi32, #tpu.memory_space<vmem>>
        %dma_wait3A_740 = tpu.memref_squeeze %dma_wait3A_739 : memref<1x8x128xi32, #tpu.memory_space<vmem>> -> memref<8x128xi32, #tpu.memory_space<vmem>>
        %dma_wait3A_741 = arith.constant 0 : i32
        %dma_wait3A_742 = arith.constant 0 : i32
        %dma_wait3A_743 = tpu.memref_slice %arg4[%arg1, %dma_wait3A_741, %dma_wait3A_742] : memref<16x160x128xi32, #tpu.memory_space<hbm>> -> memref<1x8x128xi32, #tpu.memory_space<hbm>>
        %dma_wait3A_744 = tpu.memref_squeeze %dma_wait3A_743 : memref<1x8x128xi32, #tpu.memory_space<hbm>> -> memref<8x128xi32, #tpu.memory_space<hbm>>
        tpu.wait_dma2 semaphore(%arg20 : memref<!tpu.dma_semaphore, #tpu.memory_space<semaphore_mem>>) src(%dma_wait3A_744 : memref<8x128xi32, #tpu.memory_space<hbm>>) dst(%dma_wait3A_740 : memref<8x128xi32, #tpu.memory_space<vmem>>)
        %add3A_745 = arith.constant 1 : i32
        %add3A_746 = arith.addi %select_n3A_710, %add3A_745 : i32
        %lt3A = arith.constant 20 : i32
        %lt3A_747 = arith.cmpi slt, %add3A_746, %lt3A : i32
        %convert_element_type3A_748 = arith.extui %lt3A_747 : i1 to i32
        %cond3A_749 = arith.constant 0 : i32
        %cond3A_750 = arith.cmpi ne, %convert_element_type3A_748, %cond3A_749 : i32
        scf.if %cond3A_750 {
          %add3A_751 = arith.constant 1 : i32
          %add3A_752 = arith.addi %select_n3A_710, %add3A_751 : i32
          %rem3A_753 = arith.constant 4 : i32
          %rem3A_754 = arith.remsi %add3A_752, %rem3A_753 : i32
          %add3A_755 = arith.constant 1 : i32
          %add3A_756 = arith.addi %select_n3A_710, %add3A_755 : i32
          %mul3A_757 = arith.constant 8 : i32
          %mul3A_758 = arith.muli %add3A_756, %mul3A_757 : i32
          %dma_start3A_759 = arith.constant 0 : i32
          %dma_start3A_760 = arith.constant 0 : i32
          %dma_start3A_761 = tpu.memref_slice %arg15[%rem3A_754, %dma_start3A_759, %dma_start3A_760] : memref<4x8x128xi32, #tpu.memory_space<vmem>> -> memref<1x8x128xi32, #tpu.memory_space<vmem>>
          %dma_start3A_762 = tpu.memref_squeeze %dma_start3A_761 : memref<1x8x128xi32, #tpu.memory_space<vmem>> -> memref<8x128xi32, #tpu.memory_space<vmem>>
          %dma_start3A_763 = arith.constant 0 : i32
          %dma_start3A_764 = tpu.memref_slice %arg3[%arg1, %mul3A_758, %dma_start3A_763] : memref<16x160x128xi32, #tpu.memory_space<hbm>> -> memref<1x8x128xi32, #tpu.memory_space<hbm>>
          %dma_start3A_765 = tpu.memref_squeeze %dma_start3A_764 : memref<1x8x128xi32, #tpu.memory_space<hbm>> -> memref<8x128xi32, #tpu.memory_space<hbm>>
          %dma_start3A_766 = arith.constant 0 : i32
          %dma_start3A_767 = arith.constant 0 : i32
          %dma_start3A_768 = tpu.memref_slice %arg15[%rem3A_754, %dma_start3A_766, %dma_start3A_767] : memref<4x8x128xi32, #tpu.memory_space<vmem>> -> memref<1x8x128xi32, #tpu.memory_space<vmem>>
          %dma_start3A_769 = tpu.memref_squeeze %dma_start3A_768 : memref<1x8x128xi32, #tpu.memory_space<vmem>> -> memref<8x128xi32, #tpu.memory_space<vmem>>
          %dma_start3A_770 = arith.constant 0 : i32
          %dma_start3A_771 = tpu.memref_slice %arg3[%arg1, %mul3A_758, %dma_start3A_770] : memref<16x160x128xi32, #tpu.memory_space<hbm>> -> memref<1x8x128xi32, #tpu.memory_space<hbm>>
          %dma_start3A_772 = tpu.memref_squeeze %dma_start3A_771 : memref<1x8x128xi32, #tpu.memory_space<hbm>> -> memref<8x128xi32, #tpu.memory_space<hbm>>
          tpu.enqueue_dma source(%dma_start3A_772 : memref<8x128xi32, #tpu.memory_space<hbm>>) target(%dma_start3A_769 : memref<8x128xi32, #tpu.memory_space<vmem>>) target_semaphore(%arg20 : memref<!tpu.dma_semaphore, #tpu.memory_space<semaphore_mem>>)
          %add3A_773 = arith.constant 1 : i32
          %add3A_774 = arith.addi %select_n3A_710, %add3A_773 : i32
          %mul3A_775 = arith.constant 8 : i32
          %mul3A_776 = arith.muli %add3A_774, %mul3A_775 : i32
          %dma_start3A_777 = arith.constant 0 : i32
          %dma_start3A_778 = arith.constant 0 : i32
          %dma_start3A_779 = tpu.memref_slice %arg16[%rem3A_754, %dma_start3A_777, %dma_start3A_778] : memref<4x8x128xi32, #tpu.memory_space<vmem>> -> memref<1x8x128xi32, #tpu.memory_space<vmem>>
          %dma_start3A_780 = tpu.memref_squeeze %dma_start3A_779 : memref<1x8x128xi32, #tpu.memory_space<vmem>> -> memref<8x128xi32, #tpu.memory_space<vmem>>
          %dma_start3A_781 = arith.constant 0 : i32
          %dma_start3A_782 = tpu.memref_slice %arg4[%arg1, %mul3A_776, %dma_start3A_781] : memref<16x160x128xi32, #tpu.memory_space<hbm>> -> memref<1x8x128xi32, #tpu.memory_space<hbm>>
          %dma_start3A_783 = tpu.memref_squeeze %dma_start3A_782 : memref<1x8x128xi32, #tpu.memory_space<hbm>> -> memref<8x128xi32, #tpu.memory_space<hbm>>
          %dma_start3A_784 = arith.constant 0 : i32
          %dma_start3A_785 = arith.constant 0 : i32
          %dma_start3A_786 = tpu.memref_slice %arg16[%rem3A_754, %dma_start3A_784, %dma_start3A_785] : memref<4x8x128xi32, #tpu.memory_space<vmem>> -> memref<1x8x128xi32, #tpu.memory_space<vmem>>
          %dma_start3A_787 = tpu.memref_squeeze %dma_start3A_786 : memref<1x8x128xi32, #tpu.memory_space<vmem>> -> memref<8x128xi32, #tpu.memory_space<vmem>>
          %dma_start3A_788 = arith.constant 0 : i32
          %dma_start3A_789 = tpu.memref_slice %arg4[%arg1, %mul3A_776, %dma_start3A_788] : memref<16x160x128xi32, #tpu.memory_space<hbm>> -> memref<1x8x128xi32, #tpu.memory_space<hbm>>
          %dma_start3A_790 = tpu.memref_squeeze %dma_start3A_789 : memref<1x8x128xi32, #tpu.memory_space<hbm>> -> memref<8x128xi32, #tpu.memory_space<hbm>>
          tpu.enqueue_dma source(%dma_start3A_790 : memref<8x128xi32, #tpu.memory_space<hbm>>) target(%dma_start3A_787 : memref<8x128xi32, #tpu.memory_space<vmem>>) target_semaphore(%arg20 : memref<!tpu.dma_semaphore, #tpu.memory_space<semaphore_mem>>)
        } else {
        }
      } else {
      }
      %ge3A = arith.constant 1 : i32
      %ge3A_294 = arith.cmpi sge, %scan3A_287, %ge3A : i32
      %convert_element_type3A_295 = arith.extui %ge3A_294 : i1 to i32
      %cond3A_296 = arith.constant 0 : i32
      %cond3A_297 = arith.cmpi ne, %convert_element_type3A_295, %cond3A_296 : i32
      scf.if %cond3A_297 {
        %dma_wait3A_687 = arith.constant 0 : i32
        %dma_wait3A_688 = arith.constant 0 : i32
        %dma_wait3A_689 = arith.constant 0 : i32
        %dma_wait3A_690 = arith.constant 0 : i32
        %dma_wait3A_691 = tpu.memref_slice %arg17[%dma_wait3A_687, %dma_wait3A_689, %dma_wait3A_690] : memref<4x128x64xf32, #tpu.memory_space<vmem>> -> memref<1x128x64xf32, #tpu.memory_space<vmem>>
        %dma_wait3A_692 = tpu.memref_squeeze %dma_wait3A_691 : memref<1x128x64xf32, #tpu.memory_space<vmem>> -> memref<128x64xf32, #tpu.memory_space<vmem>>
        %dma_wait3A_693 = arith.constant 0 : i32
        %dma_wait3A_694 = arith.constant 0 : i32
        %dma_wait3A_695 = tpu.memref_slice %arg12[%dma_wait3A_693, %dma_wait3A_694] : memref<10240x64xf32, #tpu.memory_space<vmem_shared>> -> memref<128x64xf32, #tpu.memory_space<vmem_shared>>
        %dma_wait3A_696 = tpu.memref_slice %arg22[%dma_wait3A_688] : memref<4x!tpu.dma_semaphore, #tpu.memory_space<semaphore_mem>> -> memref<1x!tpu.dma_semaphore, #tpu.memory_space<semaphore_mem>>
        %dma_wait3A_697 = tpu.memref_squeeze %dma_wait3A_696 : memref<1x!tpu.dma_semaphore, #tpu.memory_space<semaphore_mem>> -> memref<!tpu.dma_semaphore, #tpu.memory_space<semaphore_mem>>
        %dma_wait3A_698 = arith.constant 0 : i32
        %dma_wait3A_699 = arith.constant 0 : i32
        %dma_wait3A_700 = tpu.memref_slice %arg12[%dma_wait3A_698, %dma_wait3A_699] : memref<10240x64xf32, #tpu.memory_space<vmem_shared>> -> memref<128x64xf32, #tpu.memory_space<vmem_shared>>
        %dma_wait3A_701 = arith.constant 0 : i32
        %dma_wait3A_702 = arith.constant 0 : i32
        %dma_wait3A_703 = tpu.memref_slice %arg17[%dma_wait3A_687, %dma_wait3A_701, %dma_wait3A_702] : memref<4x128x64xf32, #tpu.memory_space<vmem>> -> memref<1x128x64xf32, #tpu.memory_space<vmem>>
        %dma_wait3A_704 = tpu.memref_squeeze %dma_wait3A_703 : memref<1x128x64xf32, #tpu.memory_space<vmem>> -> memref<128x64xf32, #tpu.memory_space<vmem>>
        tpu.wait_dma2 semaphore(%dma_wait3A_697 : memref<!tpu.dma_semaphore, #tpu.memory_space<semaphore_mem>>) src(%dma_wait3A_704 : memref<128x64xf32, #tpu.memory_space<vmem>>) dst(%dma_wait3A_700 : memref<128x64xf32, #tpu.memory_space<vmem_shared>>)
      } else {
      }
      %jit3A_298 = arith.constant 2 : i32
      %div3A_299 = arith.divsi %scan3A_287, %jit3A_298 : i32
      %sign3A_300 = arith.constant 0 : i32
      %sign3A_301 = arith.cmpi sgt, %scan3A_287, %sign3A_300 : i32
      %sign3A_302 = arith.extui %sign3A_301 : i1 to i32
      %sign3A_303 = arith.constant 0 : i32
      %sign3A_304 = arith.cmpi slt, %scan3A_287, %sign3A_303 : i32
      %sign3A_305 = arith.extui %sign3A_304 : i1 to i32
      %sign3A_306 = arith.subi %sign3A_302, %sign3A_305 : i32
      %sign3A_307 = arith.constant 0 : i32
      %sign3A_308 = arith.cmpi sgt, %jit3A_298, %sign3A_307 : i32
      %sign3A_309 = arith.extui %sign3A_308 : i1 to i32
      %sign3A_310 = arith.constant 0 : i32
      %sign3A_311 = arith.cmpi slt, %jit3A_298, %sign3A_310 : i32
      %sign3A_312 = arith.extui %sign3A_311 : i1 to i32
      %sign3A_313 = arith.subi %sign3A_309, %sign3A_312 : i32
      %ne3A_314 = arith.cmpi ne, %sign3A_306, %sign3A_313 : i32
      %rem3A_315 = arith.remsi %scan3A_287, %jit3A_298 : i32
      %ne3A_316 = arith.constant 0 : i32
      %ne3A_317 = arith.cmpi ne, %rem3A_315, %ne3A_316 : i32
      %and3A_318 = arith.andi %ne3A_314, %ne3A_317 : i1
      %sub3A_319 = arith.constant 1 : i32
      %sub3A_320 = arith.subi %div3A_299, %sub3A_319 : i32
      %select_n3A_321 = arith.select %and3A_318, %sub3A_320, %div3A_299 : i32
      %rem3A_322 = arith.constant 4 : i32
      %rem3A_323 = arith.remsi %select_n3A_321, %rem3A_322 : i32
      %rem3A_324 = arith.constant 2 : i32
      %rem3A_325 = arith.remsi %scan3A_287, %rem3A_324 : i32
      %mul3A_326 = arith.constant 4 : i32
      %mul3A_327 = arith.muli %mul3A_326, %rem3A_325 : i32
      %add3A_328 = arith.constant 0 : i32
      %add3A_329 = arith.addi %mul3A_327, %add3A_328 : i32
      %dma_start3A_330 = arith.constant 0 : i32
      %dma_start3A_331 = arith.constant 0 : i32
      %dma_start3A_332 = arith.constant 0 : i32
      %dma_start3A_333 = arith.constant 0 : i32
      %dma_start3A_334 = tpu.memref_slice %arg17[%dma_start3A_330, %dma_start3A_332, %dma_start3A_333] : memref<4x128x64xf32, #tpu.memory_space<vmem>> -> memref<1x128x64xf32, #tpu.memory_space<vmem>>
      %dma_start3A_335 = tpu.memref_squeeze %dma_start3A_334 : memref<1x128x64xf32, #tpu.memory_space<vmem>> -> memref<128x64xf32, #tpu.memory_space<vmem>>
      %dma_start3A_336 = arith.constant 0 : i32
      %dma_start3A_337 = tpu.memref_slice %arg15[%rem3A_323, %add3A_329, %dma_start3A_336] : memref<4x8x128xi32, #tpu.memory_space<vmem>> -> memref<1x1x128xi32, #tpu.memory_space<vmem>>
      %dma_start3A_338 = tpu.memref_squeeze %dma_start3A_337 : memref<1x1x128xi32, #tpu.memory_space<vmem>> -> memref<128xi32, #tpu.memory_space<vmem>>
      %dma_start3A_339 = arith.constant 0 : i32
      %dma_start3A_340 = arith.constant 0 : i32
      %dma_start3A_341 = tpu.memref_slice %arg2[%arg0, %dma_start3A_339, %dma_start3A_340] : memref<2x10000x64xf32, #tpu.memory_space<hbm>> -> memref<1x10000x64xf32, #tpu.memory_space<hbm>>
      %dma_start3A_342 = tpu.memref_squeeze %dma_start3A_341 : memref<1x10000x64xf32, #tpu.memory_space<hbm>> -> memref<10000x64xf32, #tpu.memory_space<hbm>>
      %dma_start3A_343 = arith.constant 0 : i32
      %dma_start3A_344 = arith.constant 0 : i32
      %dma_start3A_345 = tpu.memref_slice %dma_start3A_342[%dma_start3A_343, %dma_start3A_344] : memref<10000x64xf32, #tpu.memory_space<hbm>> -> memref<10000x64xf32, #tpu.memory_space<hbm>>
      %dma_start3A_346 = tpu.memref_slice %arg21[%dma_start3A_331] : memref<4x!tpu.dma_semaphore, #tpu.memory_space<semaphore_mem>> -> memref<1x!tpu.dma_semaphore, #tpu.memory_space<semaphore_mem>>
      %dma_start3A_347 = tpu.memref_squeeze %dma_start3A_346 : memref<1x!tpu.dma_semaphore, #tpu.memory_space<semaphore_mem>> -> memref<!tpu.dma_semaphore, #tpu.memory_space<semaphore_mem>>
      tpu.enqueue_indirect_dma source(%dma_start3A_345 : memref<10000x64xf32, #tpu.memory_space<hbm>>) target(%dma_start3A_335 : memref<128x64xf32, #tpu.memory_space<vmem>>) offsets(%dma_start3A_338 : memref<128xi32, #tpu.memory_space<vmem>>) semaphore(%dma_start3A_347 : memref<!tpu.dma_semaphore, #tpu.memory_space<semaphore_mem>>)
      %mul3A_348 = arith.constant 4 : i32
      %mul3A_349 = arith.muli %scan3A_287, %mul3A_348 : i32
      %add3A_350 = arith.constant 0 : i32
      %add3A_351 = arith.addi %mul3A_349, %add3A_350 : i32
      %sub3A_352 = arith.constant 2 : i32
      %sub3A_353 = arith.subi %add3A_351, %sub3A_352 : i32
      %ge3A_354 = arith.constant 1 : i32
      %ge3A_355 = arith.cmpi sge, %scan3A_287, %ge3A_354 : i32
      %convert_element_type3A_356 = arith.extui %ge3A_355 : i1 to i32
      %cond3A_357 = arith.constant 0 : i32
      %cond3A_358 = arith.cmpi ne, %convert_element_type3A_356, %cond3A_357 : i32
      scf.if %cond3A_358 {
        %dma_wait3A_687 = arith.constant 2 : i32
        %dma_wait3A_688 = arith.constant 2 : i32
        %dma_wait3A_689 = arith.constant 0 : i32
        %dma_wait3A_690 = arith.constant 0 : i32
        %dma_wait3A_691 = tpu.memref_slice %arg17[%dma_wait3A_687, %dma_wait3A_689, %dma_wait3A_690] : memref<4x128x64xf32, #tpu.memory_space<vmem>> -> memref<1x128x64xf32, #tpu.memory_space<vmem>>
        %dma_wait3A_692 = tpu.memref_squeeze %dma_wait3A_691 : memref<1x128x64xf32, #tpu.memory_space<vmem>> -> memref<128x64xf32, #tpu.memory_space<vmem>>
        %dma_wait3A_693 = arith.constant 0 : i32
        %dma_wait3A_694 = arith.constant 0 : i32
        %dma_wait3A_695 = tpu.memref_slice %arg7[%dma_wait3A_693, %dma_wait3A_694] : memref<640x64xf32, #tpu.memory_space<hbm>> -> memref<128x64xf32, #tpu.memory_space<hbm>>
        %dma_wait3A_696 = tpu.memref_slice %arg21[%dma_wait3A_688] : memref<4x!tpu.dma_semaphore, #tpu.memory_space<semaphore_mem>> -> memref<1x!tpu.dma_semaphore, #tpu.memory_space<semaphore_mem>>
        %dma_wait3A_697 = tpu.memref_squeeze %dma_wait3A_696 : memref<1x!tpu.dma_semaphore, #tpu.memory_space<semaphore_mem>> -> memref<!tpu.dma_semaphore, #tpu.memory_space<semaphore_mem>>
        %dma_wait3A_698 = arith.constant 0 : i32
        %dma_wait3A_699 = arith.constant 0 : i32
        %dma_wait3A_700 = tpu.memref_slice %arg17[%dma_wait3A_687, %dma_wait3A_698, %dma_wait3A_699] : memref<4x128x64xf32, #tpu.memory_space<vmem>> -> memref<1x128x64xf32, #tpu.memory_space<vmem>>
        %dma_wait3A_701 = tpu.memref_squeeze %dma_wait3A_700 : memref<1x128x64xf32, #tpu.memory_space<vmem>> -> memref<128x64xf32, #tpu.memory_space<vmem>>
        %dma_wait3A_702 = arith.constant 0 : i32
        %dma_wait3A_703 = arith.constant 0 : i32
        %dma_wait3A_704 = tpu.memref_slice %arg7[%dma_wait3A_702, %dma_wait3A_703] : memref<640x64xf32, #tpu.memory_space<hbm>> -> memref<128x64xf32, #tpu.memory_space<hbm>>
        tpu.wait_dma2 semaphore(%dma_wait3A_697 : memref<!tpu.dma_semaphore, #tpu.memory_space<semaphore_mem>>) src(%dma_wait3A_704 : memref<128x64xf32, #tpu.memory_space<hbm>>) dst(%dma_wait3A_701 : memref<128x64xf32, #tpu.memory_space<vmem>>)
        %jit3A_705 = arith.constant 8 : i32
        %div3A_706 = arith.divsi %sub3A_353, %jit3A_705 : i32
        %sign3A_707 = arith.constant 0 : i32
        %sign3A_708 = arith.cmpi sgt, %sub3A_353, %sign3A_707 : i32
        %sign3A_709 = arith.extui %sign3A_708 : i1 to i32
        %sign3A_710 = arith.constant 0 : i32
        %sign3A_711 = arith.cmpi slt, %sub3A_353, %sign3A_710 : i32
        %sign3A_712 = arith.extui %sign3A_711 : i1 to i32
        %sign3A_713 = arith.subi %sign3A_709, %sign3A_712 : i32
        %sign3A_714 = arith.constant 0 : i32
        %sign3A_715 = arith.cmpi sgt, %jit3A_705, %sign3A_714 : i32
        %sign3A_716 = arith.extui %sign3A_715 : i1 to i32
        %sign3A_717 = arith.constant 0 : i32
        %sign3A_718 = arith.cmpi slt, %jit3A_705, %sign3A_717 : i32
        %sign3A_719 = arith.extui %sign3A_718 : i1 to i32
        %sign3A_720 = arith.subi %sign3A_716, %sign3A_719 : i32
        %ne3A_721 = arith.cmpi ne, %sign3A_713, %sign3A_720 : i32
        %rem3A_722 = arith.remsi %sub3A_353, %jit3A_705 : i32
        %ne3A_723 = arith.constant 0 : i32
        %ne3A_724 = arith.cmpi ne, %rem3A_722, %ne3A_723 : i32
        %and3A_725 = arith.andi %ne3A_721, %ne3A_724 : i1
        %sub3A_726 = arith.constant 1 : i32
        %sub3A_727 = arith.subi %div3A_706, %sub3A_726 : i32
        %select_n3A_728 = arith.select %and3A_725, %sub3A_727, %div3A_706 : i32
        %rem3A_729 = arith.constant 4 : i32
        %rem3A_730 = arith.remsi %select_n3A_728, %rem3A_729 : i32
        %rem3A_731 = arith.constant 8 : i32
        %rem3A_732 = arith.remsi %sub3A_353, %rem3A_731 : i32
        %dma_start3A_733 = arith.constant 2 : i32
        %dma_start3A_734 = arith.constant 2 : i32
        %dma_start3A_735 = arith.constant 0 : i32
        %dma_start3A_736 = arith.constant 0 : i32
        %dma_start3A_737 = tpu.memref_slice %arg17[%dma_start3A_733, %dma_start3A_735, %dma_start3A_736] : memref<4x128x64xf32, #tpu.memory_space<vmem>> -> memref<1x128x64xf32, #tpu.memory_space<vmem>>
        %dma_start3A_738 = tpu.memref_squeeze %dma_start3A_737 : memref<1x128x64xf32, #tpu.memory_space<vmem>> -> memref<128x64xf32, #tpu.memory_space<vmem>>
        %dma_start3A_739 = arith.constant 0 : i32
        %dma_start3A_740 = tpu.memref_slice %arg16[%rem3A_730, %rem3A_732, %dma_start3A_739] : memref<4x8x128xi32, #tpu.memory_space<vmem>> -> memref<1x1x128xi32, #tpu.memory_space<vmem>>
        %dma_start3A_741 = tpu.memref_squeeze %dma_start3A_740 : memref<1x1x128xi32, #tpu.memory_space<vmem>> -> memref<128xi32, #tpu.memory_space<vmem>>
        %dma_start3A_742 = arith.constant 0 : i32
        %dma_start3A_743 = arith.constant 0 : i32
        %dma_start3A_744 = tpu.memref_slice %arg12[%dma_start3A_742, %dma_start3A_743] : memref<10240x64xf32, #tpu.memory_space<vmem_shared>> -> memref<10240x64xf32, #tpu.memory_space<vmem_shared>>
        %dma_start3A_745 = tpu.memref_slice %arg22[%dma_start3A_734] : memref<4x!tpu.dma_semaphore, #tpu.memory_space<semaphore_mem>> -> memref<1x!tpu.dma_semaphore, #tpu.memory_space<semaphore_mem>>
        %dma_start3A_746 = tpu.memref_squeeze %dma_start3A_745 : memref<1x!tpu.dma_semaphore, #tpu.memory_space<semaphore_mem>> -> memref<!tpu.dma_semaphore, #tpu.memory_space<semaphore_mem>>
        tpu.enqueue_indirect_dma source(%dma_start3A_738 : memref<128x64xf32, #tpu.memory_space<vmem>>) target(%dma_start3A_744 : memref<10240x64xf32, #tpu.memory_space<vmem_shared>>) offsets(%dma_start3A_741 : memref<128xi32, #tpu.memory_space<vmem>>) semaphore(%dma_start3A_746 : memref<!tpu.dma_semaphore, #tpu.memory_space<semaphore_mem>>) {add = true}
      } else {
      }
      %eq3A_359 = arith.constant 0 : i32
      %eq3A_360 = arith.cmpi eq, %arg0, %eq3A_359 : i32
      %convert_element_type3A_361 = arith.extui %eq3A_360 : i1 to i32
      %cond3A_362 = arith.constant 0 : i32
      %cond3A_363 = arith.cmpi ne, %convert_element_type3A_361, %cond3A_362 : i32
      scf.if %cond3A_363 {
        %ge3A_687 = arith.constant 1 : i32
        %ge3A_688 = arith.cmpi sge, %scan3A_287, %ge3A_687 : i32
        %convert_element_type3A_689 = arith.extui %ge3A_688 : i1 to i32
        %cond3A_690 = arith.constant 0 : i32
        %cond3A_691 = arith.cmpi ne, %convert_element_type3A_689, %cond3A_690 : i32
        scf.if %cond3A_691 {
          %dma_wait3A_729 = arith.constant 0 : i32
          %dma_wait3A_730 = arith.constant 0 : i32
          %dma_wait3A_731 = arith.constant 0 : i32
          %dma_wait3A_732 = arith.constant 0 : i32
          %dma_wait3A_733 = tpu.memref_slice %arg18[%dma_wait3A_729, %dma_wait3A_731, %dma_wait3A_732] : memref<2x128x16xf32, #tpu.memory_space<vmem>> -> memref<1x128x16xf32, #tpu.memory_space<vmem>>
          %dma_wait3A_734 = tpu.memref_squeeze %dma_wait3A_733 : memref<1x128x16xf32, #tpu.memory_space<vmem>> -> memref<128x16xf32, #tpu.memory_space<vmem>>
          %dma_wait3A_735 = arith.constant 0 : i32
          %dma_wait3A_736 = arith.constant 0 : i32
          %dma_wait3A_737 = tpu.memref_slice %arg13[%dma_wait3A_735, %dma_wait3A_736] : memref<10240x16xf32, #tpu.memory_space<vmem_shared>> -> memref<128x16xf32, #tpu.memory_space<vmem_shared>>
          %dma_wait3A_738 = tpu.memref_slice %arg24[%dma_wait3A_730] : memref<2x!tpu.dma_semaphore, #tpu.memory_space<semaphore_mem>> -> memref<1x!tpu.dma_semaphore, #tpu.memory_space<semaphore_mem>>
          %dma_wait3A_739 = tpu.memref_squeeze %dma_wait3A_738 : memref<1x!tpu.dma_semaphore, #tpu.memory_space<semaphore_mem>> -> memref<!tpu.dma_semaphore, #tpu.memory_space<semaphore_mem>>
          %dma_wait3A_740 = arith.constant 0 : i32
          %dma_wait3A_741 = arith.constant 0 : i32
          %dma_wait3A_742 = tpu.memref_slice %arg13[%dma_wait3A_740, %dma_wait3A_741] : memref<10240x16xf32, #tpu.memory_space<vmem_shared>> -> memref<128x16xf32, #tpu.memory_space<vmem_shared>>
          %dma_wait3A_743 = arith.constant 0 : i32
          %dma_wait3A_744 = arith.constant 0 : i32
          %dma_wait3A_745 = tpu.memref_slice %arg18[%dma_wait3A_729, %dma_wait3A_743, %dma_wait3A_744] : memref<2x128x16xf32, #tpu.memory_space<vmem>> -> memref<1x128x16xf32, #tpu.memory_space<vmem>>
          %dma_wait3A_746 = tpu.memref_squeeze %dma_wait3A_745 : memref<1x128x16xf32, #tpu.memory_space<vmem>> -> memref<128x16xf32, #tpu.memory_space<vmem>>
          tpu.wait_dma2 semaphore(%dma_wait3A_739 : memref<!tpu.dma_semaphore, #tpu.memory_space<semaphore_mem>>) src(%dma_wait3A_746 : memref<128x16xf32, #tpu.memory_space<vmem>>) dst(%dma_wait3A_742 : memref<128x16xf32, #tpu.memory_space<vmem_shared>>)
        } else {
        }
        %mul3A_692 = arith.constant 4 : i32
        %mul3A_693 = arith.muli %scan3A_287, %mul3A_692 : i32
        %add3A_694 = arith.constant 0 : i32
        %add3A_695 = arith.addi %mul3A_693, %add3A_694 : i32
        %dma_start3A_696 = arith.constant 0 : i32
        %dma_start3A_697 = arith.constant 0 : i32
        %dma_start3A_698 = arith.constant 0 : i32
        %dma_start3A_699 = arith.constant 0 : i32
        %dma_start3A_700 = tpu.memref_slice %arg18[%dma_start3A_696, %dma_start3A_698, %dma_start3A_699] : memref<2x128x16xf32, #tpu.memory_space<vmem>> -> memref<1x128x16xf32, #tpu.memory_space<vmem>>
        %dma_start3A_701 = tpu.memref_squeeze %dma_start3A_700 : memref<1x128x16xf32, #tpu.memory_space<vmem>> -> memref<128x16xf32, #tpu.memory_space<vmem>>
        %dma_start3A_702 = arith.constant 0 : i32
        %dma_start3A_703 = arith.constant 0 : i32
        %dma_start3A_704 = tpu.memref_slice %arg5[%arg1, %add3A_695, %dma_start3A_702, %dma_start3A_703] : memref<16x160x128x16xf32, #tpu.memory_space<hbm>> -> memref<1x1x128x16xf32, #tpu.memory_space<hbm>>
        %dma_start3A_705 = tpu.memref_squeeze %dma_start3A_704 : memref<1x1x128x16xf32, #tpu.memory_space<hbm>> -> memref<128x16xf32, #tpu.memory_space<hbm>>
        %dma_start3A_706 = tpu.memref_slice %arg23[%dma_start3A_697] : memref<2x!tpu.dma_semaphore, #tpu.memory_space<semaphore_mem>> -> memref<1x!tpu.dma_semaphore, #tpu.memory_space<semaphore_mem>>
        %dma_start3A_707 = tpu.memref_squeeze %dma_start3A_706 : memref<1x!tpu.dma_semaphore, #tpu.memory_space<semaphore_mem>> -> memref<!tpu.dma_semaphore, #tpu.memory_space<semaphore_mem>>
        %dma_start3A_708 = arith.constant 0 : i32
        %dma_start3A_709 = arith.constant 0 : i32
        %dma_start3A_710 = tpu.memref_slice %arg18[%dma_start3A_696, %dma_start3A_708, %dma_start3A_709] : memref<2x128x16xf32, #tpu.memory_space<vmem>> -> memref<1x128x16xf32, #tpu.memory_space<vmem>>
        %dma_start3A_711 = tpu.memref_squeeze %dma_start3A_710 : memref<1x128x16xf32, #tpu.memory_space<vmem>> -> memref<128x16xf32, #tpu.memory_space<vmem>>
        %dma_start3A_712 = arith.constant 0 : i32
        %dma_start3A_713 = arith.constant 0 : i32
        %dma_start3A_714 = tpu.memref_slice %arg5[%arg1, %add3A_695, %dma_start3A_712, %dma_start3A_713] : memref<16x160x128x16xf32, #tpu.memory_space<hbm>> -> memref<1x1x128x16xf32, #tpu.memory_space<hbm>>
        %dma_start3A_715 = tpu.memref_squeeze %dma_start3A_714 : memref<1x1x128x16xf32, #tpu.memory_space<hbm>> -> memref<128x16xf32, #tpu.memory_space<hbm>>
        tpu.enqueue_dma source(%dma_start3A_715 : memref<128x16xf32, #tpu.memory_space<hbm>>) target(%dma_start3A_711 : memref<128x16xf32, #tpu.memory_space<vmem>>) target_semaphore(%dma_start3A_707 : memref<!tpu.dma_semaphore, #tpu.memory_space<semaphore_mem>>)
        %mul3A_716 = arith.constant 4 : i32
        %mul3A_717 = arith.muli %scan3A_287, %mul3A_716 : i32
        %add3A_718 = arith.constant 0 : i32
        %add3A_719 = arith.addi %mul3A_717, %add3A_718 : i32
        %sub3A_720 = arith.constant 2 : i32
        %sub3A_721 = arith.subi %add3A_719, %sub3A_720 : i32
        %ge3A_722 = arith.constant 2 : i32
        %ge3A_723 = arith.cmpi sge, %scan3A_287, %ge3A_722 : i32
        %ge3A_724 = arith.constant 1 : i32
        %ge3A_725 = arith.cmpi sge, %scan3A_287, %ge3A_724 : i32
        %convert_element_type3A_726 = arith.extui %ge3A_725 : i1 to i32
        %cond3A_727 = arith.constant 0 : i32
        %cond3A_728 = arith.cmpi ne, %convert_element_type3A_726, %cond3A_727 : i32
        scf.if %cond3A_728 {
          %dma_wait3A_729 = arith.constant 0 : i32
          %dma_wait3A_730 = arith.constant 1 : i32
          %dma_wait3A_731 = arith.constant 1 : i32
          %dma_wait3A_732 = arith.constant 0 : i32
          %dma_wait3A_733 = arith.constant 0 : i32
          %dma_wait3A_734 = tpu.memref_slice %arg18[%dma_wait3A_730, %dma_wait3A_732, %dma_wait3A_733] : memref<2x128x16xf32, #tpu.memory_space<vmem>> -> memref<1x128x16xf32, #tpu.memory_space<vmem>>
          %dma_wait3A_735 = tpu.memref_squeeze %dma_wait3A_734 : memref<1x128x16xf32, #tpu.memory_space<vmem>> -> memref<128x16xf32, #tpu.memory_space<vmem>>
          %dma_wait3A_736 = arith.constant 0 : i32
          %dma_wait3A_737 = arith.constant 0 : i32
          %dma_wait3A_738 = tpu.memref_slice %arg5[%arg1, %dma_wait3A_729, %dma_wait3A_736, %dma_wait3A_737] : memref<16x160x128x16xf32, #tpu.memory_space<hbm>> -> memref<1x1x128x16xf32, #tpu.memory_space<hbm>>
          %dma_wait3A_739 = tpu.memref_squeeze %dma_wait3A_738 : memref<1x1x128x16xf32, #tpu.memory_space<hbm>> -> memref<128x16xf32, #tpu.memory_space<hbm>>
          %dma_wait3A_740 = tpu.memref_slice %arg23[%dma_wait3A_731] : memref<2x!tpu.dma_semaphore, #tpu.memory_space<semaphore_mem>> -> memref<1x!tpu.dma_semaphore, #tpu.memory_space<semaphore_mem>>
          %dma_wait3A_741 = tpu.memref_squeeze %dma_wait3A_740 : memref<1x!tpu.dma_semaphore, #tpu.memory_space<semaphore_mem>> -> memref<!tpu.dma_semaphore, #tpu.memory_space<semaphore_mem>>
          %dma_wait3A_742 = arith.constant 0 : i32
          %dma_wait3A_743 = arith.constant 0 : i32
          %dma_wait3A_744 = tpu.memref_slice %arg18[%dma_wait3A_730, %dma_wait3A_742, %dma_wait3A_743] : memref<2x128x16xf32, #tpu.memory_space<vmem>> -> memref<1x128x16xf32, #tpu.memory_space<vmem>>
          %dma_wait3A_745 = tpu.memref_squeeze %dma_wait3A_744 : memref<1x128x16xf32, #tpu.memory_space<vmem>> -> memref<128x16xf32, #tpu.memory_space<vmem>>
          %dma_wait3A_746 = arith.constant 0 : i32
          %dma_wait3A_747 = arith.constant 0 : i32
          %dma_wait3A_748 = tpu.memref_slice %arg5[%arg1, %dma_wait3A_729, %dma_wait3A_746, %dma_wait3A_747] : memref<16x160x128x16xf32, #tpu.memory_space<hbm>> -> memref<1x1x128x16xf32, #tpu.memory_space<hbm>>
          %dma_wait3A_749 = tpu.memref_squeeze %dma_wait3A_748 : memref<1x1x128x16xf32, #tpu.memory_space<hbm>> -> memref<128x16xf32, #tpu.memory_space<hbm>>
          tpu.wait_dma2 semaphore(%dma_wait3A_741 : memref<!tpu.dma_semaphore, #tpu.memory_space<semaphore_mem>>) src(%dma_wait3A_749 : memref<128x16xf32, #tpu.memory_space<hbm>>) dst(%dma_wait3A_745 : memref<128x16xf32, #tpu.memory_space<vmem>>)
          %jit3A_750 = arith.constant 8 : i32
          %div3A_751 = arith.divsi %sub3A_721, %jit3A_750 : i32
          %sign3A_752 = arith.constant 0 : i32
          %sign3A_753 = arith.cmpi sgt, %sub3A_721, %sign3A_752 : i32
          %sign3A_754 = arith.extui %sign3A_753 : i1 to i32
          %sign3A_755 = arith.constant 0 : i32
          %sign3A_756 = arith.cmpi slt, %sub3A_721, %sign3A_755 : i32
          %sign3A_757 = arith.extui %sign3A_756 : i1 to i32
          %sign3A_758 = arith.subi %sign3A_754, %sign3A_757 : i32
          %sign3A_759 = arith.constant 0 : i32
          %sign3A_760 = arith.cmpi sgt, %jit3A_750, %sign3A_759 : i32
          %sign3A_761 = arith.extui %sign3A_760 : i1 to i32
          %sign3A_762 = arith.constant 0 : i32
          %sign3A_763 = arith.cmpi slt, %jit3A_750, %sign3A_762 : i32
          %sign3A_764 = arith.extui %sign3A_763 : i1 to i32
          %sign3A_765 = arith.subi %sign3A_761, %sign3A_764 : i32
          %ne3A_766 = arith.cmpi ne, %sign3A_758, %sign3A_765 : i32
          %rem3A_767 = arith.remsi %sub3A_721, %jit3A_750 : i32
          %ne3A_768 = arith.constant 0 : i32
          %ne3A_769 = arith.cmpi ne, %rem3A_767, %ne3A_768 : i32
          %and3A_770 = arith.andi %ne3A_766, %ne3A_769 : i1
          %sub3A_771 = arith.constant 1 : i32
          %sub3A_772 = arith.subi %div3A_751, %sub3A_771 : i32
          %select_n3A_773 = arith.select %and3A_770, %sub3A_772, %div3A_751 : i32
          %rem3A_774 = arith.constant 4 : i32
          %rem3A_775 = arith.remsi %select_n3A_773, %rem3A_774 : i32
          %rem3A_776 = arith.constant 8 : i32
          %rem3A_777 = arith.remsi %sub3A_721, %rem3A_776 : i32
          %dma_start3A_778 = arith.constant 1 : i32
          %dma_start3A_779 = arith.constant 1 : i32
          %dma_start3A_780 = arith.constant 0 : i32
          %dma_start3A_781 = arith.constant 0 : i32
          %dma_start3A_782 = tpu.memref_slice %arg18[%dma_start3A_778, %dma_start3A_780, %dma_start3A_781] : memref<2x128x16xf32, #tpu.memory_space<vmem>> -> memref<1x128x16xf32, #tpu.memory_space<vmem>>
          %dma_start3A_783 = tpu.memref_squeeze %dma_start3A_782 : memref<1x128x16xf32, #tpu.memory_space<vmem>> -> memref<128x16xf32, #tpu.memory_space<vmem>>
          %dma_start3A_784 = arith.constant 0 : i32
          %dma_start3A_785 = tpu.memref_slice %arg16[%rem3A_775, %rem3A_777, %dma_start3A_784] : memref<4x8x128xi32, #tpu.memory_space<vmem>> -> memref<1x1x128xi32, #tpu.memory_space<vmem>>
          %dma_start3A_786 = tpu.memref_squeeze %dma_start3A_785 : memref<1x1x128xi32, #tpu.memory_space<vmem>> -> memref<128xi32, #tpu.memory_space<vmem>>
          %dma_start3A_787 = arith.constant 0 : i32
          %dma_start3A_788 = arith.constant 0 : i32
          %dma_start3A_789 = tpu.memref_slice %arg13[%dma_start3A_787, %dma_start3A_788] : memref<10240x16xf32, #tpu.memory_space<vmem_shared>> -> memref<10240x16xf32, #tpu.memory_space<vmem_shared>>
          %dma_start3A_790 = tpu.memref_slice %arg24[%dma_start3A_779] : memref<2x!tpu.dma_semaphore, #tpu.memory_space<semaphore_mem>> -> memref<1x!tpu.dma_semaphore, #tpu.memory_space<semaphore_mem>>
          %dma_start3A_791 = tpu.memref_squeeze %dma_start3A_790 : memref<1x!tpu.dma_semaphore, #tpu.memory_space<semaphore_mem>> -> memref<!tpu.dma_semaphore, #tpu.memory_space<semaphore_mem>>
          tpu.enqueue_indirect_dma source(%dma_start3A_783 : memref<128x16xf32, #tpu.memory_space<vmem>>) target(%dma_start3A_789 : memref<10240x16xf32, #tpu.memory_space<vmem_shared>>) offsets(%dma_start3A_786 : memref<128xi32, #tpu.memory_space<vmem>>) semaphore(%dma_start3A_791 : memref<!tpu.dma_semaphore, #tpu.memory_space<semaphore_mem>>) {add = true}
          %convert_element_type3A_792 = arith.extui %ge3A_723 : i1 to i32
          %cond3A_793 = arith.constant 0 : i32
          %cond3A_794 = arith.cmpi ne, %convert_element_type3A_792, %cond3A_793 : i32
          scf.if %cond3A_794 {
            %dma_wait3A_801 = arith.constant 0 : i32
            %dma_wait3A_802 = arith.constant 0 : i32
            %dma_wait3A_803 = tpu.memref_slice %arg14[%dma_wait3A_801, %dma_wait3A_802] : memref<10240x16xf32, #tpu.memory_space<vmem_shared>> -> memref<128x16xf32, #tpu.memory_space<vmem_shared>>
            tpu.wait_dma2 semaphore(%arg25 : memref<!tpu.dma_semaphore, #tpu.memory_space<semaphore_mem>>) src(%arg6 : memref<128x16xf32, #tpu.memory_space<hbm>>) dst(%dma_wait3A_803 : memref<128x16xf32, #tpu.memory_space<vmem_shared>>)
          } else {
          }
          %dma_start3A_795 = arith.constant 0 : i32
          %dma_start3A_796 = tpu.memref_slice %arg16[%rem3A_775, %rem3A_777, %dma_start3A_795] : memref<4x8x128xi32, #tpu.memory_space<vmem>> -> memref<1x1x128xi32, #tpu.memory_space<vmem>>
          %dma_start3A_797 = tpu.memref_squeeze %dma_start3A_796 : memref<1x1x128xi32, #tpu.memory_space<vmem>> -> memref<128xi32, #tpu.memory_space<vmem>>
          %dma_start3A_798 = arith.constant 0 : i32
          %dma_start3A_799 = arith.constant 0 : i32
          %dma_start3A_800 = tpu.memref_slice %arg14[%dma_start3A_798, %dma_start3A_799] : memref<10240x16xf32, #tpu.memory_space<vmem_shared>> -> memref<10240x16xf32, #tpu.memory_space<vmem_shared>>
          tpu.enqueue_indirect_dma source(%arg19 : memref<128x16xf32, #tpu.memory_space<vmem>>) target(%dma_start3A_800 : memref<10240x16xf32, #tpu.memory_space<vmem_shared>>) offsets(%dma_start3A_797 : memref<128xi32, #tpu.memory_space<vmem>>) semaphore(%arg25 : memref<!tpu.dma_semaphore, #tpu.memory_space<semaphore_mem>>) {add = true}
        } else {
        }
      } else {
      }
      %ge3A_364 = arith.constant 1 : i32
      %ge3A_365 = arith.cmpi sge, %scan3A_287, %ge3A_364 : i32
      %convert_element_type3A_366 = arith.extui %ge3A_365 : i1 to i32
      %cond3A_367 = arith.constant 0 : i32
      %cond3A_368 = arith.cmpi ne, %convert_element_type3A_366, %cond3A_367 : i32
      scf.if %cond3A_368 {
        %dma_wait3A_687 = arith.constant 1 : i32
        %dma_wait3A_688 = arith.constant 1 : i32
        %dma_wait3A_689 = arith.constant 0 : i32
        %dma_wait3A_690 = arith.constant 0 : i32
        %dma_wait3A_691 = tpu.memref_slice %arg17[%dma_wait3A_687, %dma_wait3A_689, %dma_wait3A_690] : memref<4x128x64xf32, #tpu.memory_space<vmem>> -> memref<1x128x64xf32, #tpu.memory_space<vmem>>
        %dma_wait3A_692 = tpu.memref_squeeze %dma_wait3A_691 : memref<1x128x64xf32, #tpu.memory_space<vmem>> -> memref<128x64xf32, #tpu.memory_space<vmem>>
        %dma_wait3A_693 = arith.constant 0 : i32
        %dma_wait3A_694 = arith.constant 0 : i32
        %dma_wait3A_695 = tpu.memref_slice %arg12[%dma_wait3A_693, %dma_wait3A_694] : memref<10240x64xf32, #tpu.memory_space<vmem_shared>> -> memref<128x64xf32, #tpu.memory_space<vmem_shared>>
        %dma_wait3A_696 = tpu.memref_slice %arg22[%dma_wait3A_688] : memref<4x!tpu.dma_semaphore, #tpu.memory_space<semaphore_mem>> -> memref<1x!tpu.dma_semaphore, #tpu.memory_space<semaphore_mem>>
        %dma_wait3A_697 = tpu.memref_squeeze %dma_wait3A_696 : memref<1x!tpu.dma_semaphore, #tpu.memory_space<semaphore_mem>> -> memref<!tpu.dma_semaphore, #tpu.memory_space<semaphore_mem>>
        %dma_wait3A_698 = arith.constant 0 : i32
        %dma_wait3A_699 = arith.constant 0 : i32
        %dma_wait3A_700 = tpu.memref_slice %arg12[%dma_wait3A_698, %dma_wait3A_699] : memref<10240x64xf32, #tpu.memory_space<vmem_shared>> -> memref<128x64xf32, #tpu.memory_space<vmem_shared>>
        %dma_wait3A_701 = arith.constant 0 : i32
        %dma_wait3A_702 = arith.constant 0 : i32
        %dma_wait3A_703 = tpu.memref_slice %arg17[%dma_wait3A_687, %dma_wait3A_701, %dma_wait3A_702] : memref<4x128x64xf32, #tpu.memory_space<vmem>> -> memref<1x128x64xf32, #tpu.memory_space<vmem>>
        %dma_wait3A_704 = tpu.memref_squeeze %dma_wait3A_703 : memref<1x128x64xf32, #tpu.memory_space<vmem>> -> memref<128x64xf32, #tpu.memory_space<vmem>>
        tpu.wait_dma2 semaphore(%dma_wait3A_697 : memref<!tpu.dma_semaphore, #tpu.memory_space<semaphore_mem>>) src(%dma_wait3A_704 : memref<128x64xf32, #tpu.memory_space<vmem>>) dst(%dma_wait3A_700 : memref<128x64xf32, #tpu.memory_space<vmem_shared>>)
      } else {
      }
      %jit3A_369 = arith.constant 2 : i32
      %div3A_370 = arith.divsi %scan3A_287, %jit3A_369 : i32
      %sign3A_371 = arith.constant 0 : i32
      %sign3A_372 = arith.cmpi sgt, %scan3A_287, %sign3A_371 : i32
      %sign3A_373 = arith.extui %sign3A_372 : i1 to i32
      %sign3A_374 = arith.constant 0 : i32
      %sign3A_375 = arith.cmpi slt, %scan3A_287, %sign3A_374 : i32
      %sign3A_376 = arith.extui %sign3A_375 : i1 to i32
      %sign3A_377 = arith.subi %sign3A_373, %sign3A_376 : i32
      %sign3A_378 = arith.constant 0 : i32
      %sign3A_379 = arith.cmpi sgt, %jit3A_369, %sign3A_378 : i32
      %sign3A_380 = arith.extui %sign3A_379 : i1 to i32
      %sign3A_381 = arith.constant 0 : i32
      %sign3A_382 = arith.cmpi slt, %jit3A_369, %sign3A_381 : i32
      %sign3A_383 = arith.extui %sign3A_382 : i1 to i32
      %sign3A_384 = arith.subi %sign3A_380, %sign3A_383 : i32
      %ne3A_385 = arith.cmpi ne, %sign3A_377, %sign3A_384 : i32
      %rem3A_386 = arith.remsi %scan3A_287, %jit3A_369 : i32
      %ne3A_387 = arith.constant 0 : i32
      %ne3A_388 = arith.cmpi ne, %rem3A_386, %ne3A_387 : i32
      %and3A_389 = arith.andi %ne3A_385, %ne3A_388 : i1
      %sub3A_390 = arith.constant 1 : i32
      %sub3A_391 = arith.subi %div3A_370, %sub3A_390 : i32
      %select_n3A_392 = arith.select %and3A_389, %sub3A_391, %div3A_370 : i32
      %rem3A_393 = arith.constant 4 : i32
      %rem3A_394 = arith.remsi %select_n3A_392, %rem3A_393 : i32
      %rem3A_395 = arith.constant 2 : i32
      %rem3A_396 = arith.remsi %scan3A_287, %rem3A_395 : i32
      %mul3A_397 = arith.constant 4 : i32
      %mul3A_398 = arith.muli %mul3A_397, %rem3A_396 : i32
      %add3A_399 = arith.constant 1 : i32
      %add3A_400 = arith.addi %mul3A_398, %add3A_399 : i32
      %dma_start3A_401 = arith.constant 1 : i32
      %dma_start3A_402 = arith.constant 1 : i32
      %dma_start3A_403 = arith.constant 0 : i32
      %dma_start3A_404 = arith.constant 0 : i32
      %dma_start3A_405 = tpu.memref_slice %arg17[%dma_start3A_401, %dma_start3A_403, %dma_start3A_404] : memref<4x128x64xf32, #tpu.memory_space<vmem>> -> memref<1x128x64xf32, #tpu.memory_space<vmem>>
      %dma_start3A_406 = tpu.memref_squeeze %dma_start3A_405 : memref<1x128x64xf32, #tpu.memory_space<vmem>> -> memref<128x64xf32, #tpu.memory_space<vmem>>
      %dma_start3A_407 = arith.constant 0 : i32
      %dma_start3A_408 = tpu.memref_slice %arg15[%rem3A_394, %add3A_400, %dma_start3A_407] : memref<4x8x128xi32, #tpu.memory_space<vmem>> -> memref<1x1x128xi32, #tpu.memory_space<vmem>>
      %dma_start3A_409 = tpu.memref_squeeze %dma_start3A_408 : memref<1x1x128xi32, #tpu.memory_space<vmem>> -> memref<128xi32, #tpu.memory_space<vmem>>
      %dma_start3A_410 = arith.constant 0 : i32
      %dma_start3A_411 = arith.constant 0 : i32
      %dma_start3A_412 = tpu.memref_slice %arg2[%arg0, %dma_start3A_410, %dma_start3A_411] : memref<2x10000x64xf32, #tpu.memory_space<hbm>> -> memref<1x10000x64xf32, #tpu.memory_space<hbm>>
      %dma_start3A_413 = tpu.memref_squeeze %dma_start3A_412 : memref<1x10000x64xf32, #tpu.memory_space<hbm>> -> memref<10000x64xf32, #tpu.memory_space<hbm>>
      %dma_start3A_414 = arith.constant 0 : i32
      %dma_start3A_415 = arith.constant 0 : i32
      %dma_start3A_416 = tpu.memref_slice %dma_start3A_413[%dma_start3A_414, %dma_start3A_415] : memref<10000x64xf32, #tpu.memory_space<hbm>> -> memref<10000x64xf32, #tpu.memory_space<hbm>>
      %dma_start3A_417 = tpu.memref_slice %arg21[%dma_start3A_402] : memref<4x!tpu.dma_semaphore, #tpu.memory_space<semaphore_mem>> -> memref<1x!tpu.dma_semaphore, #tpu.memory_space<semaphore_mem>>
      %dma_start3A_418 = tpu.memref_squeeze %dma_start3A_417 : memref<1x!tpu.dma_semaphore, #tpu.memory_space<semaphore_mem>> -> memref<!tpu.dma_semaphore, #tpu.memory_space<semaphore_mem>>
      tpu.enqueue_indirect_dma source(%dma_start3A_416 : memref<10000x64xf32, #tpu.memory_space<hbm>>) target(%dma_start3A_406 : memref<128x64xf32, #tpu.memory_space<vmem>>) offsets(%dma_start3A_409 : memref<128xi32, #tpu.memory_space<vmem>>) semaphore(%dma_start3A_418 : memref<!tpu.dma_semaphore, #tpu.memory_space<semaphore_mem>>)
      %mul3A_419 = arith.constant 4 : i32
      %mul3A_420 = arith.muli %scan3A_287, %mul3A_419 : i32
      %add3A_421 = arith.constant 1 : i32
      %add3A_422 = arith.addi %mul3A_420, %add3A_421 : i32
      %sub3A_423 = arith.constant 2 : i32
      %sub3A_424 = arith.subi %add3A_422, %sub3A_423 : i32
      %ge3A_425 = arith.constant 1 : i32
      %ge3A_426 = arith.cmpi sge, %scan3A_287, %ge3A_425 : i32
      %convert_element_type3A_427 = arith.extui %ge3A_426 : i1 to i32
      %cond3A_428 = arith.constant 0 : i32
      %cond3A_429 = arith.cmpi ne, %convert_element_type3A_427, %cond3A_428 : i32
      scf.if %cond3A_429 {
        %dma_wait3A_687 = arith.constant 3 : i32
        %dma_wait3A_688 = arith.constant 3 : i32
        %dma_wait3A_689 = arith.constant 0 : i32
        %dma_wait3A_690 = arith.constant 0 : i32
        %dma_wait3A_691 = tpu.memref_slice %arg17[%dma_wait3A_687, %dma_wait3A_689, %dma_wait3A_690] : memref<4x128x64xf32, #tpu.memory_space<vmem>> -> memref<1x128x64xf32, #tpu.memory_space<vmem>>
        %dma_wait3A_692 = tpu.memref_squeeze %dma_wait3A_691 : memref<1x128x64xf32, #tpu.memory_space<vmem>> -> memref<128x64xf32, #tpu.memory_space<vmem>>
        %dma_wait3A_693 = arith.constant 0 : i32
        %dma_wait3A_694 = arith.constant 0 : i32
        %dma_wait3A_695 = tpu.memref_slice %arg7[%dma_wait3A_693, %dma_wait3A_694] : memref<640x64xf32, #tpu.memory_space<hbm>> -> memref<128x64xf32, #tpu.memory_space<hbm>>
        %dma_wait3A_696 = tpu.memref_slice %arg21[%dma_wait3A_688] : memref<4x!tpu.dma_semaphore, #tpu.memory_space<semaphore_mem>> -> memref<1x!tpu.dma_semaphore, #tpu.memory_space<semaphore_mem>>
        %dma_wait3A_697 = tpu.memref_squeeze %dma_wait3A_696 : memref<1x!tpu.dma_semaphore, #tpu.memory_space<semaphore_mem>> -> memref<!tpu.dma_semaphore, #tpu.memory_space<semaphore_mem>>
        %dma_wait3A_698 = arith.constant 0 : i32
        %dma_wait3A_699 = arith.constant 0 : i32
        %dma_wait3A_700 = tpu.memref_slice %arg17[%dma_wait3A_687, %dma_wait3A_698, %dma_wait3A_699] : memref<4x128x64xf32, #tpu.memory_space<vmem>> -> memref<1x128x64xf32, #tpu.memory_space<vmem>>
        %dma_wait3A_701 = tpu.memref_squeeze %dma_wait3A_700 : memref<1x128x64xf32, #tpu.memory_space<vmem>> -> memref<128x64xf32, #tpu.memory_space<vmem>>
        %dma_wait3A_702 = arith.constant 0 : i32
        %dma_wait3A_703 = arith.constant 0 : i32
        %dma_wait3A_704 = tpu.memref_slice %arg7[%dma_wait3A_702, %dma_wait3A_703] : memref<640x64xf32, #tpu.memory_space<hbm>> -> memref<128x64xf32, #tpu.memory_space<hbm>>
        tpu.wait_dma2 semaphore(%dma_wait3A_697 : memref<!tpu.dma_semaphore, #tpu.memory_space<semaphore_mem>>) src(%dma_wait3A_704 : memref<128x64xf32, #tpu.memory_space<hbm>>) dst(%dma_wait3A_701 : memref<128x64xf32, #tpu.memory_space<vmem>>)
        %jit3A_705 = arith.constant 8 : i32
        %div3A_706 = arith.divsi %sub3A_424, %jit3A_705 : i32
        %sign3A_707 = arith.constant 0 : i32
        %sign3A_708 = arith.cmpi sgt, %sub3A_424, %sign3A_707 : i32
        %sign3A_709 = arith.extui %sign3A_708 : i1 to i32
        %sign3A_710 = arith.constant 0 : i32
        %sign3A_711 = arith.cmpi slt, %sub3A_424, %sign3A_710 : i32
        %sign3A_712 = arith.extui %sign3A_711 : i1 to i32
        %sign3A_713 = arith.subi %sign3A_709, %sign3A_712 : i32
        %sign3A_714 = arith.constant 0 : i32
        %sign3A_715 = arith.cmpi sgt, %jit3A_705, %sign3A_714 : i32
        %sign3A_716 = arith.extui %sign3A_715 : i1 to i32
        %sign3A_717 = arith.constant 0 : i32
        %sign3A_718 = arith.cmpi slt, %jit3A_705, %sign3A_717 : i32
        %sign3A_719 = arith.extui %sign3A_718 : i1 to i32
        %sign3A_720 = arith.subi %sign3A_716, %sign3A_719 : i32
        %ne3A_721 = arith.cmpi ne, %sign3A_713, %sign3A_720 : i32
        %rem3A_722 = arith.remsi %sub3A_424, %jit3A_705 : i32
        %ne3A_723 = arith.constant 0 : i32
        %ne3A_724 = arith.cmpi ne, %rem3A_722, %ne3A_723 : i32
        %and3A_725 = arith.andi %ne3A_721, %ne3A_724 : i1
        %sub3A_726 = arith.constant 1 : i32
        %sub3A_727 = arith.subi %div3A_706, %sub3A_726 : i32
        %select_n3A_728 = arith.select %and3A_725, %sub3A_727, %div3A_706 : i32
        %rem3A_729 = arith.constant 4 : i32
        %rem3A_730 = arith.remsi %select_n3A_728, %rem3A_729 : i32
        %rem3A_731 = arith.constant 8 : i32
        %rem3A_732 = arith.remsi %sub3A_424, %rem3A_731 : i32
        %dma_start3A_733 = arith.constant 3 : i32
        %dma_start3A_734 = arith.constant 3 : i32
        %dma_start3A_735 = arith.constant 0 : i32
        %dma_start3A_736 = arith.constant 0 : i32
        %dma_start3A_737 = tpu.memref_slice %arg17[%dma_start3A_733, %dma_start3A_735, %dma_start3A_736] : memref<4x128x64xf32, #tpu.memory_space<vmem>> -> memref<1x128x64xf32, #tpu.memory_space<vmem>>
        %dma_start3A_738 = tpu.memref_squeeze %dma_start3A_737 : memref<1x128x64xf32, #tpu.memory_space<vmem>> -> memref<128x64xf32, #tpu.memory_space<vmem>>
        %dma_start3A_739 = arith.constant 0 : i32
        %dma_start3A_740 = tpu.memref_slice %arg16[%rem3A_730, %rem3A_732, %dma_start3A_739] : memref<4x8x128xi32, #tpu.memory_space<vmem>> -> memref<1x1x128xi32, #tpu.memory_space<vmem>>
        %dma_start3A_741 = tpu.memref_squeeze %dma_start3A_740 : memref<1x1x128xi32, #tpu.memory_space<vmem>> -> memref<128xi32, #tpu.memory_space<vmem>>
        %dma_start3A_742 = arith.constant 0 : i32
        %dma_start3A_743 = arith.constant 0 : i32
        %dma_start3A_744 = tpu.memref_slice %arg12[%dma_start3A_742, %dma_start3A_743] : memref<10240x64xf32, #tpu.memory_space<vmem_shared>> -> memref<10240x64xf32, #tpu.memory_space<vmem_shared>>
        %dma_start3A_745 = tpu.memref_slice %arg22[%dma_start3A_734] : memref<4x!tpu.dma_semaphore, #tpu.memory_space<semaphore_mem>> -> memref<1x!tpu.dma_semaphore, #tpu.memory_space<semaphore_mem>>
        %dma_start3A_746 = tpu.memref_squeeze %dma_start3A_745 : memref<1x!tpu.dma_semaphore, #tpu.memory_space<semaphore_mem>> -> memref<!tpu.dma_semaphore, #tpu.memory_space<semaphore_mem>>
        tpu.enqueue_indirect_dma source(%dma_start3A_738 : memref<128x64xf32, #tpu.memory_space<vmem>>) target(%dma_start3A_744 : memref<10240x64xf32, #tpu.memory_space<vmem_shared>>) offsets(%dma_start3A_741 : memref<128xi32, #tpu.memory_space<vmem>>) semaphore(%dma_start3A_746 : memref<!tpu.dma_semaphore, #tpu.memory_space<semaphore_mem>>) {add = true}
      } else {
      }
      %eq3A_430 = arith.constant 1 : i32
      %eq3A_431 = arith.cmpi eq, %arg0, %eq3A_430 : i32
      %convert_element_type3A_432 = arith.extui %eq3A_431 : i1 to i32
      %cond3A_433 = arith.constant 0 : i32
      %cond3A_434 = arith.cmpi ne, %convert_element_type3A_432, %cond3A_433 : i32
      scf.if %cond3A_434 {
        %ge3A_687 = arith.constant 1 : i32
        %ge3A_688 = arith.cmpi sge, %scan3A_287, %ge3A_687 : i32
        %convert_element_type3A_689 = arith.extui %ge3A_688 : i1 to i32
        %cond3A_690 = arith.constant 0 : i32
        %cond3A_691 = arith.cmpi ne, %convert_element_type3A_689, %cond3A_690 : i32
        scf.if %cond3A_691 {
          %dma_wait3A_729 = arith.constant 0 : i32
          %dma_wait3A_730 = arith.constant 0 : i32
          %dma_wait3A_731 = arith.constant 0 : i32
          %dma_wait3A_732 = arith.constant 0 : i32
          %dma_wait3A_733 = tpu.memref_slice %arg18[%dma_wait3A_729, %dma_wait3A_731, %dma_wait3A_732] : memref<2x128x16xf32, #tpu.memory_space<vmem>> -> memref<1x128x16xf32, #tpu.memory_space<vmem>>
          %dma_wait3A_734 = tpu.memref_squeeze %dma_wait3A_733 : memref<1x128x16xf32, #tpu.memory_space<vmem>> -> memref<128x16xf32, #tpu.memory_space<vmem>>
          %dma_wait3A_735 = arith.constant 0 : i32
          %dma_wait3A_736 = arith.constant 0 : i32
          %dma_wait3A_737 = tpu.memref_slice %arg13[%dma_wait3A_735, %dma_wait3A_736] : memref<10240x16xf32, #tpu.memory_space<vmem_shared>> -> memref<128x16xf32, #tpu.memory_space<vmem_shared>>
          %dma_wait3A_738 = tpu.memref_slice %arg24[%dma_wait3A_730] : memref<2x!tpu.dma_semaphore, #tpu.memory_space<semaphore_mem>> -> memref<1x!tpu.dma_semaphore, #tpu.memory_space<semaphore_mem>>
          %dma_wait3A_739 = tpu.memref_squeeze %dma_wait3A_738 : memref<1x!tpu.dma_semaphore, #tpu.memory_space<semaphore_mem>> -> memref<!tpu.dma_semaphore, #tpu.memory_space<semaphore_mem>>
          %dma_wait3A_740 = arith.constant 0 : i32
          %dma_wait3A_741 = arith.constant 0 : i32
          %dma_wait3A_742 = tpu.memref_slice %arg13[%dma_wait3A_740, %dma_wait3A_741] : memref<10240x16xf32, #tpu.memory_space<vmem_shared>> -> memref<128x16xf32, #tpu.memory_space<vmem_shared>>
          %dma_wait3A_743 = arith.constant 0 : i32
          %dma_wait3A_744 = arith.constant 0 : i32
          %dma_wait3A_745 = tpu.memref_slice %arg18[%dma_wait3A_729, %dma_wait3A_743, %dma_wait3A_744] : memref<2x128x16xf32, #tpu.memory_space<vmem>> -> memref<1x128x16xf32, #tpu.memory_space<vmem>>
          %dma_wait3A_746 = tpu.memref_squeeze %dma_wait3A_745 : memref<1x128x16xf32, #tpu.memory_space<vmem>> -> memref<128x16xf32, #tpu.memory_space<vmem>>
          tpu.wait_dma2 semaphore(%dma_wait3A_739 : memref<!tpu.dma_semaphore, #tpu.memory_space<semaphore_mem>>) src(%dma_wait3A_746 : memref<128x16xf32, #tpu.memory_space<vmem>>) dst(%dma_wait3A_742 : memref<128x16xf32, #tpu.memory_space<vmem_shared>>)
        } else {
        }
        %mul3A_692 = arith.constant 4 : i32
        %mul3A_693 = arith.muli %scan3A_287, %mul3A_692 : i32
        %add3A_694 = arith.constant 1 : i32
        %add3A_695 = arith.addi %mul3A_693, %add3A_694 : i32
        %dma_start3A_696 = arith.constant 0 : i32
        %dma_start3A_697 = arith.constant 0 : i32
        %dma_start3A_698 = arith.constant 0 : i32
        %dma_start3A_699 = arith.constant 0 : i32
        %dma_start3A_700 = tpu.memref_slice %arg18[%dma_start3A_696, %dma_start3A_698, %dma_start3A_699] : memref<2x128x16xf32, #tpu.memory_space<vmem>> -> memref<1x128x16xf32, #tpu.memory_space<vmem>>
        %dma_start3A_701 = tpu.memref_squeeze %dma_start3A_700 : memref<1x128x16xf32, #tpu.memory_space<vmem>> -> memref<128x16xf32, #tpu.memory_space<vmem>>
        %dma_start3A_702 = arith.constant 0 : i32
        %dma_start3A_703 = arith.constant 0 : i32
        %dma_start3A_704 = tpu.memref_slice %arg5[%arg1, %add3A_695, %dma_start3A_702, %dma_start3A_703] : memref<16x160x128x16xf32, #tpu.memory_space<hbm>> -> memref<1x1x128x16xf32, #tpu.memory_space<hbm>>
        %dma_start3A_705 = tpu.memref_squeeze %dma_start3A_704 : memref<1x1x128x16xf32, #tpu.memory_space<hbm>> -> memref<128x16xf32, #tpu.memory_space<hbm>>
        %dma_start3A_706 = tpu.memref_slice %arg23[%dma_start3A_697] : memref<2x!tpu.dma_semaphore, #tpu.memory_space<semaphore_mem>> -> memref<1x!tpu.dma_semaphore, #tpu.memory_space<semaphore_mem>>
        %dma_start3A_707 = tpu.memref_squeeze %dma_start3A_706 : memref<1x!tpu.dma_semaphore, #tpu.memory_space<semaphore_mem>> -> memref<!tpu.dma_semaphore, #tpu.memory_space<semaphore_mem>>
        %dma_start3A_708 = arith.constant 0 : i32
        %dma_start3A_709 = arith.constant 0 : i32
        %dma_start3A_710 = tpu.memref_slice %arg18[%dma_start3A_696, %dma_start3A_708, %dma_start3A_709] : memref<2x128x16xf32, #tpu.memory_space<vmem>> -> memref<1x128x16xf32, #tpu.memory_space<vmem>>
        %dma_start3A_711 = tpu.memref_squeeze %dma_start3A_710 : memref<1x128x16xf32, #tpu.memory_space<vmem>> -> memref<128x16xf32, #tpu.memory_space<vmem>>
        %dma_start3A_712 = arith.constant 0 : i32
        %dma_start3A_713 = arith.constant 0 : i32
        %dma_start3A_714 = tpu.memref_slice %arg5[%arg1, %add3A_695, %dma_start3A_712, %dma_start3A_713] : memref<16x160x128x16xf32, #tpu.memory_space<hbm>> -> memref<1x1x128x16xf32, #tpu.memory_space<hbm>>
        %dma_start3A_715 = tpu.memref_squeeze %dma_start3A_714 : memref<1x1x128x16xf32, #tpu.memory_space<hbm>> -> memref<128x16xf32, #tpu.memory_space<hbm>>
        tpu.enqueue_dma source(%dma_start3A_715 : memref<128x16xf32, #tpu.memory_space<hbm>>) target(%dma_start3A_711 : memref<128x16xf32, #tpu.memory_space<vmem>>) target_semaphore(%dma_start3A_707 : memref<!tpu.dma_semaphore, #tpu.memory_space<semaphore_mem>>)
        %mul3A_716 = arith.constant 4 : i32
        %mul3A_717 = arith.muli %scan3A_287, %mul3A_716 : i32
        %add3A_718 = arith.constant 1 : i32
        %add3A_719 = arith.addi %mul3A_717, %add3A_718 : i32
        %sub3A_720 = arith.constant 2 : i32
        %sub3A_721 = arith.subi %add3A_719, %sub3A_720 : i32
        %ge3A_722 = arith.constant 2 : i32
        %ge3A_723 = arith.cmpi sge, %scan3A_287, %ge3A_722 : i32
        %ge3A_724 = arith.constant 1 : i32
        %ge3A_725 = arith.cmpi sge, %scan3A_287, %ge3A_724 : i32
        %convert_element_type3A_726 = arith.extui %ge3A_725 : i1 to i32
        %cond3A_727 = arith.constant 0 : i32
        %cond3A_728 = arith.cmpi ne, %convert_element_type3A_726, %cond3A_727 : i32
        scf.if %cond3A_728 {
          %dma_wait3A_729 = arith.constant 0 : i32
          %dma_wait3A_730 = arith.constant 1 : i32
          %dma_wait3A_731 = arith.constant 1 : i32
          %dma_wait3A_732 = arith.constant 0 : i32
          %dma_wait3A_733 = arith.constant 0 : i32
          %dma_wait3A_734 = tpu.memref_slice %arg18[%dma_wait3A_730, %dma_wait3A_732, %dma_wait3A_733] : memref<2x128x16xf32, #tpu.memory_space<vmem>> -> memref<1x128x16xf32, #tpu.memory_space<vmem>>
          %dma_wait3A_735 = tpu.memref_squeeze %dma_wait3A_734 : memref<1x128x16xf32, #tpu.memory_space<vmem>> -> memref<128x16xf32, #tpu.memory_space<vmem>>
          %dma_wait3A_736 = arith.constant 0 : i32
          %dma_wait3A_737 = arith.constant 0 : i32
          %dma_wait3A_738 = tpu.memref_slice %arg5[%arg1, %dma_wait3A_729, %dma_wait3A_736, %dma_wait3A_737] : memref<16x160x128x16xf32, #tpu.memory_space<hbm>> -> memref<1x1x128x16xf32, #tpu.memory_space<hbm>>
          %dma_wait3A_739 = tpu.memref_squeeze %dma_wait3A_738 : memref<1x1x128x16xf32, #tpu.memory_space<hbm>> -> memref<128x16xf32, #tpu.memory_space<hbm>>
          %dma_wait3A_740 = tpu.memref_slice %arg23[%dma_wait3A_731] : memref<2x!tpu.dma_semaphore, #tpu.memory_space<semaphore_mem>> -> memref<1x!tpu.dma_semaphore, #tpu.memory_space<semaphore_mem>>
          %dma_wait3A_741 = tpu.memref_squeeze %dma_wait3A_740 : memref<1x!tpu.dma_semaphore, #tpu.memory_space<semaphore_mem>> -> memref<!tpu.dma_semaphore, #tpu.memory_space<semaphore_mem>>
          %dma_wait3A_742 = arith.constant 0 : i32
          %dma_wait3A_743 = arith.constant 0 : i32
          %dma_wait3A_744 = tpu.memref_slice %arg18[%dma_wait3A_730, %dma_wait3A_742, %dma_wait3A_743] : memref<2x128x16xf32, #tpu.memory_space<vmem>> -> memref<1x128x16xf32, #tpu.memory_space<vmem>>
          %dma_wait3A_745 = tpu.memref_squeeze %dma_wait3A_744 : memref<1x128x16xf32, #tpu.memory_space<vmem>> -> memref<128x16xf32, #tpu.memory_space<vmem>>
          %dma_wait3A_746 = arith.constant 0 : i32
          %dma_wait3A_747 = arith.constant 0 : i32
          %dma_wait3A_748 = tpu.memref_slice %arg5[%arg1, %dma_wait3A_729, %dma_wait3A_746, %dma_wait3A_747] : memref<16x160x128x16xf32, #tpu.memory_space<hbm>> -> memref<1x1x128x16xf32, #tpu.memory_space<hbm>>
          %dma_wait3A_749 = tpu.memref_squeeze %dma_wait3A_748 : memref<1x1x128x16xf32, #tpu.memory_space<hbm>> -> memref<128x16xf32, #tpu.memory_space<hbm>>
          tpu.wait_dma2 semaphore(%dma_wait3A_741 : memref<!tpu.dma_semaphore, #tpu.memory_space<semaphore_mem>>) src(%dma_wait3A_749 : memref<128x16xf32, #tpu.memory_space<hbm>>) dst(%dma_wait3A_745 : memref<128x16xf32, #tpu.memory_space<vmem>>)
          %jit3A_750 = arith.constant 8 : i32
          %div3A_751 = arith.divsi %sub3A_721, %jit3A_750 : i32
          %sign3A_752 = arith.constant 0 : i32
          %sign3A_753 = arith.cmpi sgt, %sub3A_721, %sign3A_752 : i32
          %sign3A_754 = arith.extui %sign3A_753 : i1 to i32
          %sign3A_755 = arith.constant 0 : i32
          %sign3A_756 = arith.cmpi slt, %sub3A_721, %sign3A_755 : i32
          %sign3A_757 = arith.extui %sign3A_756 : i1 to i32
          %sign3A_758 = arith.subi %sign3A_754, %sign3A_757 : i32
          %sign3A_759 = arith.constant 0 : i32
          %sign3A_760 = arith.cmpi sgt, %jit3A_750, %sign3A_759 : i32
          %sign3A_761 = arith.extui %sign3A_760 : i1 to i32
          %sign3A_762 = arith.constant 0 : i32
          %sign3A_763 = arith.cmpi slt, %jit3A_750, %sign3A_762 : i32
          %sign3A_764 = arith.extui %sign3A_763 : i1 to i32
          %sign3A_765 = arith.subi %sign3A_761, %sign3A_764 : i32
          %ne3A_766 = arith.cmpi ne, %sign3A_758, %sign3A_765 : i32
          %rem3A_767 = arith.remsi %sub3A_721, %jit3A_750 : i32
          %ne3A_768 = arith.constant 0 : i32
          %ne3A_769 = arith.cmpi ne, %rem3A_767, %ne3A_768 : i32
          %and3A_770 = arith.andi %ne3A_766, %ne3A_769 : i1
          %sub3A_771 = arith.constant 1 : i32
          %sub3A_772 = arith.subi %div3A_751, %sub3A_771 : i32
          %select_n3A_773 = arith.select %and3A_770, %sub3A_772, %div3A_751 : i32
          %rem3A_774 = arith.constant 4 : i32
          %rem3A_775 = arith.remsi %select_n3A_773, %rem3A_774 : i32
          %rem3A_776 = arith.constant 8 : i32
          %rem3A_777 = arith.remsi %sub3A_721, %rem3A_776 : i32
          %dma_start3A_778 = arith.constant 1 : i32
          %dma_start3A_779 = arith.constant 1 : i32
          %dma_start3A_780 = arith.constant 0 : i32
          %dma_start3A_781 = arith.constant 0 : i32
          %dma_start3A_782 = tpu.memref_slice %arg18[%dma_start3A_778, %dma_start3A_780, %dma_start3A_781] : memref<2x128x16xf32, #tpu.memory_space<vmem>> -> memref<1x128x16xf32, #tpu.memory_space<vmem>>
          %dma_start3A_783 = tpu.memref_squeeze %dma_start3A_782 : memref<1x128x16xf32, #tpu.memory_space<vmem>> -> memref<128x16xf32, #tpu.memory_space<vmem>>
          %dma_start3A_784 = arith.constant 0 : i32
          %dma_start3A_785 = tpu.memref_slice %arg16[%rem3A_775, %rem3A_777, %dma_start3A_784] : memref<4x8x128xi32, #tpu.memory_space<vmem>> -> memref<1x1x128xi32, #tpu.memory_space<vmem>>
          %dma_start3A_786 = tpu.memref_squeeze %dma_start3A_785 : memref<1x1x128xi32, #tpu.memory_space<vmem>> -> memref<128xi32, #tpu.memory_space<vmem>>
          %dma_start3A_787 = arith.constant 0 : i32
          %dma_start3A_788 = arith.constant 0 : i32
          %dma_start3A_789 = tpu.memref_slice %arg13[%dma_start3A_787, %dma_start3A_788] : memref<10240x16xf32, #tpu.memory_space<vmem_shared>> -> memref<10240x16xf32, #tpu.memory_space<vmem_shared>>
          %dma_start3A_790 = tpu.memref_slice %arg24[%dma_start3A_779] : memref<2x!tpu.dma_semaphore, #tpu.memory_space<semaphore_mem>> -> memref<1x!tpu.dma_semaphore, #tpu.memory_space<semaphore_mem>>
          %dma_start3A_791 = tpu.memref_squeeze %dma_start3A_790 : memref<1x!tpu.dma_semaphore, #tpu.memory_space<semaphore_mem>> -> memref<!tpu.dma_semaphore, #tpu.memory_space<semaphore_mem>>
          tpu.enqueue_indirect_dma source(%dma_start3A_783 : memref<128x16xf32, #tpu.memory_space<vmem>>) target(%dma_start3A_789 : memref<10240x16xf32, #tpu.memory_space<vmem_shared>>) offsets(%dma_start3A_786 : memref<128xi32, #tpu.memory_space<vmem>>) semaphore(%dma_start3A_791 : memref<!tpu.dma_semaphore, #tpu.memory_space<semaphore_mem>>) {add = true}
          %convert_element_type3A_792 = arith.extui %ge3A_723 : i1 to i32
          %cond3A_793 = arith.constant 0 : i32
          %cond3A_794 = arith.cmpi ne, %convert_element_type3A_792, %cond3A_793 : i32
          scf.if %cond3A_794 {
            %dma_wait3A_801 = arith.constant 0 : i32
            %dma_wait3A_802 = arith.constant 0 : i32
            %dma_wait3A_803 = tpu.memref_slice %arg14[%dma_wait3A_801, %dma_wait3A_802] : memref<10240x16xf32, #tpu.memory_space<vmem_shared>> -> memref<128x16xf32, #tpu.memory_space<vmem_shared>>
            tpu.wait_dma2 semaphore(%arg25 : memref<!tpu.dma_semaphore, #tpu.memory_space<semaphore_mem>>) src(%arg6 : memref<128x16xf32, #tpu.memory_space<hbm>>) dst(%dma_wait3A_803 : memref<128x16xf32, #tpu.memory_space<vmem_shared>>)
          } else {
          }
          %dma_start3A_795 = arith.constant 0 : i32
          %dma_start3A_796 = tpu.memref_slice %arg16[%rem3A_775, %rem3A_777, %dma_start3A_795] : memref<4x8x128xi32, #tpu.memory_space<vmem>> -> memref<1x1x128xi32, #tpu.memory_space<vmem>>
          %dma_start3A_797 = tpu.memref_squeeze %dma_start3A_796 : memref<1x1x128xi32, #tpu.memory_space<vmem>> -> memref<128xi32, #tpu.memory_space<vmem>>
          %dma_start3A_798 = arith.constant 0 : i32
          %dma_start3A_799 = arith.constant 0 : i32
          %dma_start3A_800 = tpu.memref_slice %arg14[%dma_start3A_798, %dma_start3A_799] : memref<10240x16xf32, #tpu.memory_space<vmem_shared>> -> memref<10240x16xf32, #tpu.memory_space<vmem_shared>>
          tpu.enqueue_indirect_dma source(%arg19 : memref<128x16xf32, #tpu.memory_space<vmem>>) target(%dma_start3A_800 : memref<10240x16xf32, #tpu.memory_space<vmem_shared>>) offsets(%dma_start3A_797 : memref<128xi32, #tpu.memory_space<vmem>>) semaphore(%arg25 : memref<!tpu.dma_semaphore, #tpu.memory_space<semaphore_mem>>) {add = true}
        } else {
        }
      } else {
      }
      %ge3A_435 = arith.constant 1 : i32
      %ge3A_436 = arith.cmpi sge, %scan3A_287, %ge3A_435 : i32
      %convert_element_type3A_437 = arith.extui %ge3A_436 : i1 to i32
      %cond3A_438 = arith.constant 0 : i32
      %cond3A_439 = arith.cmpi ne, %convert_element_type3A_437, %cond3A_438 : i32
      scf.if %cond3A_439 {
        %dma_wait3A_687 = arith.constant 2 : i32
        %dma_wait3A_688 = arith.constant 2 : i32
        %dma_wait3A_689 = arith.constant 0 : i32
        %dma_wait3A_690 = arith.constant 0 : i32
        %dma_wait3A_691 = tpu.memref_slice %arg17[%dma_wait3A_687, %dma_wait3A_689, %dma_wait3A_690] : memref<4x128x64xf32, #tpu.memory_space<vmem>> -> memref<1x128x64xf32, #tpu.memory_space<vmem>>
        %dma_wait3A_692 = tpu.memref_squeeze %dma_wait3A_691 : memref<1x128x64xf32, #tpu.memory_space<vmem>> -> memref<128x64xf32, #tpu.memory_space<vmem>>
        %dma_wait3A_693 = arith.constant 0 : i32
        %dma_wait3A_694 = arith.constant 0 : i32
        %dma_wait3A_695 = tpu.memref_slice %arg12[%dma_wait3A_693, %dma_wait3A_694] : memref<10240x64xf32, #tpu.memory_space<vmem_shared>> -> memref<128x64xf32, #tpu.memory_space<vmem_shared>>
        %dma_wait3A_696 = tpu.memref_slice %arg22[%dma_wait3A_688] : memref<4x!tpu.dma_semaphore, #tpu.memory_space<semaphore_mem>> -> memref<1x!tpu.dma_semaphore, #tpu.memory_space<semaphore_mem>>
        %dma_wait3A_697 = tpu.memref_squeeze %dma_wait3A_696 : memref<1x!tpu.dma_semaphore, #tpu.memory_space<semaphore_mem>> -> memref<!tpu.dma_semaphore, #tpu.memory_space<semaphore_mem>>
        %dma_wait3A_698 = arith.constant 0 : i32
        %dma_wait3A_699 = arith.constant 0 : i32
        %dma_wait3A_700 = tpu.memref_slice %arg12[%dma_wait3A_698, %dma_wait3A_699] : memref<10240x64xf32, #tpu.memory_space<vmem_shared>> -> memref<128x64xf32, #tpu.memory_space<vmem_shared>>
        %dma_wait3A_701 = arith.constant 0 : i32
        %dma_wait3A_702 = arith.constant 0 : i32
        %dma_wait3A_703 = tpu.memref_slice %arg17[%dma_wait3A_687, %dma_wait3A_701, %dma_wait3A_702] : memref<4x128x64xf32, #tpu.memory_space<vmem>> -> memref<1x128x64xf32, #tpu.memory_space<vmem>>
        %dma_wait3A_704 = tpu.memref_squeeze %dma_wait3A_703 : memref<1x128x64xf32, #tpu.memory_space<vmem>> -> memref<128x64xf32, #tpu.memory_space<vmem>>
        tpu.wait_dma2 semaphore(%dma_wait3A_697 : memref<!tpu.dma_semaphore, #tpu.memory_space<semaphore_mem>>) src(%dma_wait3A_704 : memref<128x64xf32, #tpu.memory_space<vmem>>) dst(%dma_wait3A_700 : memref<128x64xf32, #tpu.memory_space<vmem_shared>>)
      } else {
      }
      %jit3A_440 = arith.constant 2 : i32
      %div3A_441 = arith.divsi %scan3A_287, %jit3A_440 : i32
      %sign3A_442 = arith.constant 0 : i32
      %sign3A_443 = arith.cmpi sgt, %scan3A_287, %sign3A_442 : i32
      %sign3A_444 = arith.extui %sign3A_443 : i1 to i32
      %sign3A_445 = arith.constant 0 : i32
      %sign3A_446 = arith.cmpi slt, %scan3A_287, %sign3A_445 : i32
      %sign3A_447 = arith.extui %sign3A_446 : i1 to i32
      %sign3A_448 = arith.subi %sign3A_444, %sign3A_447 : i32
      %sign3A_449 = arith.constant 0 : i32
      %sign3A_450 = arith.cmpi sgt, %jit3A_440, %sign3A_449 : i32
      %sign3A_451 = arith.extui %sign3A_450 : i1 to i32
      %sign3A_452 = arith.constant 0 : i32
      %sign3A_453 = arith.cmpi slt, %jit3A_440, %sign3A_452 : i32
      %sign3A_454 = arith.extui %sign3A_453 : i1 to i32
      %sign3A_455 = arith.subi %sign3A_451, %sign3A_454 : i32
      %ne3A_456 = arith.cmpi ne, %sign3A_448, %sign3A_455 : i32
      %rem3A_457 = arith.remsi %scan3A_287, %jit3A_440 : i32
      %ne3A_458 = arith.constant 0 : i32
      %ne3A_459 = arith.cmpi ne, %rem3A_457, %ne3A_458 : i32
      %and3A_460 = arith.andi %ne3A_456, %ne3A_459 : i1
      %sub3A_461 = arith.constant 1 : i32
      %sub3A_462 = arith.subi %div3A_441, %sub3A_461 : i32
      %select_n3A_463 = arith.select %and3A_460, %sub3A_462, %div3A_441 : i32
      %rem3A_464 = arith.constant 4 : i32
      %rem3A_465 = arith.remsi %select_n3A_463, %rem3A_464 : i32
      %rem3A_466 = arith.constant 2 : i32
      %rem3A_467 = arith.remsi %scan3A_287, %rem3A_466 : i32
      %mul3A_468 = arith.constant 4 : i32
      %mul3A_469 = arith.muli %mul3A_468, %rem3A_467 : i32
      %add3A_470 = arith.constant 2 : i32
      %add3A_471 = arith.addi %mul3A_469, %add3A_470 : i32
      %dma_start3A_472 = arith.constant 2 : i32
      %dma_start3A_473 = arith.constant 2 : i32
      %dma_start3A_474 = arith.constant 0 : i32
      %dma_start3A_475 = arith.constant 0 : i32
      %dma_start3A_476 = tpu.memref_slice %arg17[%dma_start3A_472, %dma_start3A_474, %dma_start3A_475] : memref<4x128x64xf32, #tpu.memory_space<vmem>> -> memref<1x128x64xf32, #tpu.memory_space<vmem>>
      %dma_start3A_477 = tpu.memref_squeeze %dma_start3A_476 : memref<1x128x64xf32, #tpu.memory_space<vmem>> -> memref<128x64xf32, #tpu.memory_space<vmem>>
      %dma_start3A_478 = arith.constant 0 : i32
      %dma_start3A_479 = tpu.memref_slice %arg15[%rem3A_465, %add3A_471, %dma_start3A_478] : memref<4x8x128xi32, #tpu.memory_space<vmem>> -> memref<1x1x128xi32, #tpu.memory_space<vmem>>
      %dma_start3A_480 = tpu.memref_squeeze %dma_start3A_479 : memref<1x1x128xi32, #tpu.memory_space<vmem>> -> memref<128xi32, #tpu.memory_space<vmem>>
      %dma_start3A_481 = arith.constant 0 : i32
      %dma_start3A_482 = arith.constant 0 : i32
      %dma_start3A_483 = tpu.memref_slice %arg2[%arg0, %dma_start3A_481, %dma_start3A_482] : memref<2x10000x64xf32, #tpu.memory_space<hbm>> -> memref<1x10000x64xf32, #tpu.memory_space<hbm>>
      %dma_start3A_484 = tpu.memref_squeeze %dma_start3A_483 : memref<1x10000x64xf32, #tpu.memory_space<hbm>> -> memref<10000x64xf32, #tpu.memory_space<hbm>>
      %dma_start3A_485 = arith.constant 0 : i32
      %dma_start3A_486 = arith.constant 0 : i32
      %dma_start3A_487 = tpu.memref_slice %dma_start3A_484[%dma_start3A_485, %dma_start3A_486] : memref<10000x64xf32, #tpu.memory_space<hbm>> -> memref<10000x64xf32, #tpu.memory_space<hbm>>
      %dma_start3A_488 = tpu.memref_slice %arg21[%dma_start3A_473] : memref<4x!tpu.dma_semaphore, #tpu.memory_space<semaphore_mem>> -> memref<1x!tpu.dma_semaphore, #tpu.memory_space<semaphore_mem>>
      %dma_start3A_489 = tpu.memref_squeeze %dma_start3A_488 : memref<1x!tpu.dma_semaphore, #tpu.memory_space<semaphore_mem>> -> memref<!tpu.dma_semaphore, #tpu.memory_space<semaphore_mem>>
      tpu.enqueue_indirect_dma source(%dma_start3A_487 : memref<10000x64xf32, #tpu.memory_space<hbm>>) target(%dma_start3A_477 : memref<128x64xf32, #tpu.memory_space<vmem>>) offsets(%dma_start3A_480 : memref<128xi32, #tpu.memory_space<vmem>>) semaphore(%dma_start3A_489 : memref<!tpu.dma_semaphore, #tpu.memory_space<semaphore_mem>>)
      %mul3A_490 = arith.constant 4 : i32
      %mul3A_491 = arith.muli %scan3A_287, %mul3A_490 : i32
      %add3A_492 = arith.constant 2 : i32
      %add3A_493 = arith.addi %mul3A_491, %add3A_492 : i32
      %sub3A_494 = arith.constant 2 : i32
      %sub3A_495 = arith.subi %add3A_493, %sub3A_494 : i32
      %dma_wait3A_496 = arith.constant 0 : i32
      %dma_wait3A_497 = arith.constant 0 : i32
      %dma_wait3A_498 = arith.constant 0 : i32
      %dma_wait3A_499 = arith.constant 0 : i32
      %dma_wait3A_500 = tpu.memref_slice %arg17[%dma_wait3A_496, %dma_wait3A_498, %dma_wait3A_499] : memref<4x128x64xf32, #tpu.memory_space<vmem>> -> memref<1x128x64xf32, #tpu.memory_space<vmem>>
      %dma_wait3A_501 = tpu.memref_squeeze %dma_wait3A_500 : memref<1x128x64xf32, #tpu.memory_space<vmem>> -> memref<128x64xf32, #tpu.memory_space<vmem>>
      %dma_wait3A_502 = arith.constant 0 : i32
      %dma_wait3A_503 = arith.constant 0 : i32
      %dma_wait3A_504 = tpu.memref_slice %arg7[%dma_wait3A_502, %dma_wait3A_503] : memref<640x64xf32, #tpu.memory_space<hbm>> -> memref<128x64xf32, #tpu.memory_space<hbm>>
      %dma_wait3A_505 = tpu.memref_slice %arg21[%dma_wait3A_497] : memref<4x!tpu.dma_semaphore, #tpu.memory_space<semaphore_mem>> -> memref<1x!tpu.dma_semaphore, #tpu.memory_space<semaphore_mem>>
      %dma_wait3A_506 = tpu.memref_squeeze %dma_wait3A_505 : memref<1x!tpu.dma_semaphore, #tpu.memory_space<semaphore_mem>> -> memref<!tpu.dma_semaphore, #tpu.memory_space<semaphore_mem>>
      %dma_wait3A_507 = arith.constant 0 : i32
      %dma_wait3A_508 = arith.constant 0 : i32
      %dma_wait3A_509 = tpu.memref_slice %arg17[%dma_wait3A_496, %dma_wait3A_507, %dma_wait3A_508] : memref<4x128x64xf32, #tpu.memory_space<vmem>> -> memref<1x128x64xf32, #tpu.memory_space<vmem>>
      %dma_wait3A_510 = tpu.memref_squeeze %dma_wait3A_509 : memref<1x128x64xf32, #tpu.memory_space<vmem>> -> memref<128x64xf32, #tpu.memory_space<vmem>>
      %dma_wait3A_511 = arith.constant 0 : i32
      %dma_wait3A_512 = arith.constant 0 : i32
      %dma_wait3A_513 = tpu.memref_slice %arg7[%dma_wait3A_511, %dma_wait3A_512] : memref<640x64xf32, #tpu.memory_space<hbm>> -> memref<128x64xf32, #tpu.memory_space<hbm>>
      tpu.wait_dma2 semaphore(%dma_wait3A_506 : memref<!tpu.dma_semaphore, #tpu.memory_space<semaphore_mem>>) src(%dma_wait3A_513 : memref<128x64xf32, #tpu.memory_space<hbm>>) dst(%dma_wait3A_510 : memref<128x64xf32, #tpu.memory_space<vmem>>)
      %jit3A_514 = arith.constant 8 : i32
      %div3A_515 = arith.divsi %sub3A_495, %jit3A_514 : i32
      %sign3A_516 = arith.constant 0 : i32
      %sign3A_517 = arith.cmpi sgt, %sub3A_495, %sign3A_516 : i32
      %sign3A_518 = arith.extui %sign3A_517 : i1 to i32
      %sign3A_519 = arith.constant 0 : i32
      %sign3A_520 = arith.cmpi slt, %sub3A_495, %sign3A_519 : i32
      %sign3A_521 = arith.extui %sign3A_520 : i1 to i32
      %sign3A_522 = arith.subi %sign3A_518, %sign3A_521 : i32
      %sign3A_523 = arith.constant 0 : i32
      %sign3A_524 = arith.cmpi sgt, %jit3A_514, %sign3A_523 : i32
      %sign3A_525 = arith.extui %sign3A_524 : i1 to i32
      %sign3A_526 = arith.constant 0 : i32
      %sign3A_527 = arith.cmpi slt, %jit3A_514, %sign3A_526 : i32
      %sign3A_528 = arith.extui %sign3A_527 : i1 to i32
      %sign3A_529 = arith.subi %sign3A_525, %sign3A_528 : i32
      %ne3A_530 = arith.cmpi ne, %sign3A_522, %sign3A_529 : i32
      %rem3A_531 = arith.remsi %sub3A_495, %jit3A_514 : i32
      %ne3A_532 = arith.constant 0 : i32
      %ne3A_533 = arith.cmpi ne, %rem3A_531, %ne3A_532 : i32
      %and3A_534 = arith.andi %ne3A_530, %ne3A_533 : i1
      %sub3A_535 = arith.constant 1 : i32
      %sub3A_536 = arith.subi %div3A_515, %sub3A_535 : i32
      %select_n3A_537 = arith.select %and3A_534, %sub3A_536, %div3A_515 : i32
      %rem3A_538 = arith.constant 4 : i32
      %rem3A_539 = arith.remsi %select_n3A_537, %rem3A_538 : i32
      %rem3A_540 = arith.constant 8 : i32
      %rem3A_541 = arith.remsi %sub3A_495, %rem3A_540 : i32
      %dma_start3A_542 = arith.constant 0 : i32
      %dma_start3A_543 = arith.constant 0 : i32
      %dma_start3A_544 = arith.constant 0 : i32
      %dma_start3A_545 = arith.constant 0 : i32
      %dma_start3A_546 = tpu.memref_slice %arg17[%dma_start3A_542, %dma_start3A_544, %dma_start3A_545] : memref<4x128x64xf32, #tpu.memory_space<vmem>> -> memref<1x128x64xf32, #tpu.memory_space<vmem>>
      %dma_start3A_547 = tpu.memref_squeeze %dma_start3A_546 : memref<1x128x64xf32, #tpu.memory_space<vmem>> -> memref<128x64xf32, #tpu.memory_space<vmem>>
      %dma_start3A_548 = arith.constant 0 : i32
      %dma_start3A_549 = tpu.memref_slice %arg16[%rem3A_539, %rem3A_541, %dma_start3A_548] : memref<4x8x128xi32, #tpu.memory_space<vmem>> -> memref<1x1x128xi32, #tpu.memory_space<vmem>>
      %dma_start3A_550 = tpu.memref_squeeze %dma_start3A_549 : memref<1x1x128xi32, #tpu.memory_space<vmem>> -> memref<128xi32, #tpu.memory_space<vmem>>
      %dma_start3A_551 = arith.constant 0 : i32
      %dma_start3A_552 = arith.constant 0 : i32
      %dma_start3A_553 = tpu.memref_slice %arg12[%dma_start3A_551, %dma_start3A_552] : memref<10240x64xf32, #tpu.memory_space<vmem_shared>> -> memref<10240x64xf32, #tpu.memory_space<vmem_shared>>
      %dma_start3A_554 = tpu.memref_slice %arg22[%dma_start3A_543] : memref<4x!tpu.dma_semaphore, #tpu.memory_space<semaphore_mem>> -> memref<1x!tpu.dma_semaphore, #tpu.memory_space<semaphore_mem>>
      %dma_start3A_555 = tpu.memref_squeeze %dma_start3A_554 : memref<1x!tpu.dma_semaphore, #tpu.memory_space<semaphore_mem>> -> memref<!tpu.dma_semaphore, #tpu.memory_space<semaphore_mem>>
      tpu.enqueue_indirect_dma source(%dma_start3A_547 : memref<128x64xf32, #tpu.memory_space<vmem>>) target(%dma_start3A_553 : memref<10240x64xf32, #tpu.memory_space<vmem_shared>>) offsets(%dma_start3A_550 : memref<128xi32, #tpu.memory_space<vmem>>) semaphore(%dma_start3A_555 : memref<!tpu.dma_semaphore, #tpu.memory_space<semaphore_mem>>) {add = true}
      %eq3A_556 = arith.constant 0 : i32
      %eq3A_557 = arith.cmpi eq, %arg0, %eq3A_556 : i32
      %convert_element_type3A_558 = arith.extui %eq3A_557 : i1 to i32
      %cond3A_559 = arith.constant 0 : i32
      %cond3A_560 = arith.cmpi ne, %convert_element_type3A_558, %cond3A_559 : i32
      scf.if %cond3A_560 {
        %ge3A_687 = arith.constant 1 : i32
        %ge3A_688 = arith.cmpi sge, %scan3A_287, %ge3A_687 : i32
        %convert_element_type3A_689 = arith.extui %ge3A_688 : i1 to i32
        %cond3A_690 = arith.constant 0 : i32
        %cond3A_691 = arith.cmpi ne, %convert_element_type3A_689, %cond3A_690 : i32
        scf.if %cond3A_691 {
          %dma_wait3A_796 = arith.constant 1 : i32
          %dma_wait3A_797 = arith.constant 1 : i32
          %dma_wait3A_798 = arith.constant 0 : i32
          %dma_wait3A_799 = arith.constant 0 : i32
          %dma_wait3A_800 = tpu.memref_slice %arg18[%dma_wait3A_796, %dma_wait3A_798, %dma_wait3A_799] : memref<2x128x16xf32, #tpu.memory_space<vmem>> -> memref<1x128x16xf32, #tpu.memory_space<vmem>>
          %dma_wait3A_801 = tpu.memref_squeeze %dma_wait3A_800 : memref<1x128x16xf32, #tpu.memory_space<vmem>> -> memref<128x16xf32, #tpu.memory_space<vmem>>
          %dma_wait3A_802 = arith.constant 0 : i32
          %dma_wait3A_803 = arith.constant 0 : i32
          %dma_wait3A_804 = tpu.memref_slice %arg13[%dma_wait3A_802, %dma_wait3A_803] : memref<10240x16xf32, #tpu.memory_space<vmem_shared>> -> memref<128x16xf32, #tpu.memory_space<vmem_shared>>
          %dma_wait3A_805 = tpu.memref_slice %arg24[%dma_wait3A_797] : memref<2x!tpu.dma_semaphore, #tpu.memory_space<semaphore_mem>> -> memref<1x!tpu.dma_semaphore, #tpu.memory_space<semaphore_mem>>
          %dma_wait3A_806 = tpu.memref_squeeze %dma_wait3A_805 : memref<1x!tpu.dma_semaphore, #tpu.memory_space<semaphore_mem>> -> memref<!tpu.dma_semaphore, #tpu.memory_space<semaphore_mem>>
          %dma_wait3A_807 = arith.constant 0 : i32
          %dma_wait3A_808 = arith.constant 0 : i32
          %dma_wait3A_809 = tpu.memref_slice %arg13[%dma_wait3A_807, %dma_wait3A_808] : memref<10240x16xf32, #tpu.memory_space<vmem_shared>> -> memref<128x16xf32, #tpu.memory_space<vmem_shared>>
          %dma_wait3A_810 = arith.constant 0 : i32
          %dma_wait3A_811 = arith.constant 0 : i32
          %dma_wait3A_812 = tpu.memref_slice %arg18[%dma_wait3A_796, %dma_wait3A_810, %dma_wait3A_811] : memref<2x128x16xf32, #tpu.memory_space<vmem>> -> memref<1x128x16xf32, #tpu.memory_space<vmem>>
          %dma_wait3A_813 = tpu.memref_squeeze %dma_wait3A_812 : memref<1x128x16xf32, #tpu.memory_space<vmem>> -> memref<128x16xf32, #tpu.memory_space<vmem>>
          tpu.wait_dma2 semaphore(%dma_wait3A_806 : memref<!tpu.dma_semaphore, #tpu.memory_space<semaphore_mem>>) src(%dma_wait3A_813 : memref<128x16xf32, #tpu.memory_space<vmem>>) dst(%dma_wait3A_809 : memref<128x16xf32, #tpu.memory_space<vmem_shared>>)
        } else {
        }
        %mul3A_692 = arith.constant 4 : i32
        %mul3A_693 = arith.muli %scan3A_287, %mul3A_692 : i32
        %add3A_694 = arith.constant 2 : i32
        %add3A_695 = arith.addi %mul3A_693, %add3A_694 : i32
        %dma_start3A_696 = arith.constant 1 : i32
        %dma_start3A_697 = arith.constant 1 : i32
        %dma_start3A_698 = arith.constant 0 : i32
        %dma_start3A_699 = arith.constant 0 : i32
        %dma_start3A_700 = tpu.memref_slice %arg18[%dma_start3A_696, %dma_start3A_698, %dma_start3A_699] : memref<2x128x16xf32, #tpu.memory_space<vmem>> -> memref<1x128x16xf32, #tpu.memory_space<vmem>>
        %dma_start3A_701 = tpu.memref_squeeze %dma_start3A_700 : memref<1x128x16xf32, #tpu.memory_space<vmem>> -> memref<128x16xf32, #tpu.memory_space<vmem>>
        %dma_start3A_702 = arith.constant 0 : i32
        %dma_start3A_703 = arith.constant 0 : i32
        %dma_start3A_704 = tpu.memref_slice %arg5[%arg1, %add3A_695, %dma_start3A_702, %dma_start3A_703] : memref<16x160x128x16xf32, #tpu.memory_space<hbm>> -> memref<1x1x128x16xf32, #tpu.memory_space<hbm>>
        %dma_start3A_705 = tpu.memref_squeeze %dma_start3A_704 : memref<1x1x128x16xf32, #tpu.memory_space<hbm>> -> memref<128x16xf32, #tpu.memory_space<hbm>>
        %dma_start3A_706 = tpu.memref_slice %arg23[%dma_start3A_697] : memref<2x!tpu.dma_semaphore, #tpu.memory_space<semaphore_mem>> -> memref<1x!tpu.dma_semaphore, #tpu.memory_space<semaphore_mem>>
        %dma_start3A_707 = tpu.memref_squeeze %dma_start3A_706 : memref<1x!tpu.dma_semaphore, #tpu.memory_space<semaphore_mem>> -> memref<!tpu.dma_semaphore, #tpu.memory_space<semaphore_mem>>
        %dma_start3A_708 = arith.constant 0 : i32
        %dma_start3A_709 = arith.constant 0 : i32
        %dma_start3A_710 = tpu.memref_slice %arg18[%dma_start3A_696, %dma_start3A_708, %dma_start3A_709] : memref<2x128x16xf32, #tpu.memory_space<vmem>> -> memref<1x128x16xf32, #tpu.memory_space<vmem>>
        %dma_start3A_711 = tpu.memref_squeeze %dma_start3A_710 : memref<1x128x16xf32, #tpu.memory_space<vmem>> -> memref<128x16xf32, #tpu.memory_space<vmem>>
        %dma_start3A_712 = arith.constant 0 : i32
        %dma_start3A_713 = arith.constant 0 : i32
        %dma_start3A_714 = tpu.memref_slice %arg5[%arg1, %add3A_695, %dma_start3A_712, %dma_start3A_713] : memref<16x160x128x16xf32, #tpu.memory_space<hbm>> -> memref<1x1x128x16xf32, #tpu.memory_space<hbm>>
        %dma_start3A_715 = tpu.memref_squeeze %dma_start3A_714 : memref<1x1x128x16xf32, #tpu.memory_space<hbm>> -> memref<128x16xf32, #tpu.memory_space<hbm>>
        tpu.enqueue_dma source(%dma_start3A_715 : memref<128x16xf32, #tpu.memory_space<hbm>>) target(%dma_start3A_711 : memref<128x16xf32, #tpu.memory_space<vmem>>) target_semaphore(%dma_start3A_707 : memref<!tpu.dma_semaphore, #tpu.memory_space<semaphore_mem>>)
        %mul3A_716 = arith.constant 4 : i32
        %mul3A_717 = arith.muli %scan3A_287, %mul3A_716 : i32
        %add3A_718 = arith.constant 2 : i32
        %add3A_719 = arith.addi %mul3A_717, %add3A_718 : i32
        %sub3A_720 = arith.constant 2 : i32
        %sub3A_721 = arith.subi %add3A_719, %sub3A_720 : i32
        %ge3A_722 = arith.constant 1 : i32
        %ge3A_723 = arith.cmpi sge, %scan3A_287, %ge3A_722 : i32
        %dma_wait3A_724 = arith.constant 0 : i32
        %dma_wait3A_725 = arith.constant 0 : i32
        %dma_wait3A_726 = arith.constant 0 : i32
        %dma_wait3A_727 = arith.constant 0 : i32
        %dma_wait3A_728 = arith.constant 0 : i32
        %dma_wait3A_729 = tpu.memref_slice %arg18[%dma_wait3A_725, %dma_wait3A_727, %dma_wait3A_728] : memref<2x128x16xf32, #tpu.memory_space<vmem>> -> memref<1x128x16xf32, #tpu.memory_space<vmem>>
        %dma_wait3A_730 = tpu.memref_squeeze %dma_wait3A_729 : memref<1x128x16xf32, #tpu.memory_space<vmem>> -> memref<128x16xf32, #tpu.memory_space<vmem>>
        %dma_wait3A_731 = arith.constant 0 : i32
        %dma_wait3A_732 = arith.constant 0 : i32
        %dma_wait3A_733 = tpu.memref_slice %arg5[%arg1, %dma_wait3A_724, %dma_wait3A_731, %dma_wait3A_732] : memref<16x160x128x16xf32, #tpu.memory_space<hbm>> -> memref<1x1x128x16xf32, #tpu.memory_space<hbm>>
        %dma_wait3A_734 = tpu.memref_squeeze %dma_wait3A_733 : memref<1x1x128x16xf32, #tpu.memory_space<hbm>> -> memref<128x16xf32, #tpu.memory_space<hbm>>
        %dma_wait3A_735 = tpu.memref_slice %arg23[%dma_wait3A_726] : memref<2x!tpu.dma_semaphore, #tpu.memory_space<semaphore_mem>> -> memref<1x!tpu.dma_semaphore, #tpu.memory_space<semaphore_mem>>
        %dma_wait3A_736 = tpu.memref_squeeze %dma_wait3A_735 : memref<1x!tpu.dma_semaphore, #tpu.memory_space<semaphore_mem>> -> memref<!tpu.dma_semaphore, #tpu.memory_space<semaphore_mem>>
        %dma_wait3A_737 = arith.constant 0 : i32
        %dma_wait3A_738 = arith.constant 0 : i32
        %dma_wait3A_739 = tpu.memref_slice %arg18[%dma_wait3A_725, %dma_wait3A_737, %dma_wait3A_738] : memref<2x128x16xf32, #tpu.memory_space<vmem>> -> memref<1x128x16xf32, #tpu.memory_space<vmem>>
        %dma_wait3A_740 = tpu.memref_squeeze %dma_wait3A_739 : memref<1x128x16xf32, #tpu.memory_space<vmem>> -> memref<128x16xf32, #tpu.memory_space<vmem>>
        %dma_wait3A_741 = arith.constant 0 : i32
        %dma_wait3A_742 = arith.constant 0 : i32
        %dma_wait3A_743 = tpu.memref_slice %arg5[%arg1, %dma_wait3A_724, %dma_wait3A_741, %dma_wait3A_742] : memref<16x160x128x16xf32, #tpu.memory_space<hbm>> -> memref<1x1x128x16xf32, #tpu.memory_space<hbm>>
        %dma_wait3A_744 = tpu.memref_squeeze %dma_wait3A_743 : memref<1x1x128x16xf32, #tpu.memory_space<hbm>> -> memref<128x16xf32, #tpu.memory_space<hbm>>
        tpu.wait_dma2 semaphore(%dma_wait3A_736 : memref<!tpu.dma_semaphore, #tpu.memory_space<semaphore_mem>>) src(%dma_wait3A_744 : memref<128x16xf32, #tpu.memory_space<hbm>>) dst(%dma_wait3A_740 : memref<128x16xf32, #tpu.memory_space<vmem>>)
        %jit3A_745 = arith.constant 8 : i32
        %div3A_746 = arith.divsi %sub3A_721, %jit3A_745 : i32
        %sign3A_747 = arith.constant 0 : i32
        %sign3A_748 = arith.cmpi sgt, %sub3A_721, %sign3A_747 : i32
        %sign3A_749 = arith.extui %sign3A_748 : i1 to i32
        %sign3A_750 = arith.constant 0 : i32
        %sign3A_751 = arith.cmpi slt, %sub3A_721, %sign3A_750 : i32
        %sign3A_752 = arith.extui %sign3A_751 : i1 to i32
        %sign3A_753 = arith.subi %sign3A_749, %sign3A_752 : i32
        %sign3A_754 = arith.constant 0 : i32
        %sign3A_755 = arith.cmpi sgt, %jit3A_745, %sign3A_754 : i32
        %sign3A_756 = arith.extui %sign3A_755 : i1 to i32
        %sign3A_757 = arith.constant 0 : i32
        %sign3A_758 = arith.cmpi slt, %jit3A_745, %sign3A_757 : i32
        %sign3A_759 = arith.extui %sign3A_758 : i1 to i32
        %sign3A_760 = arith.subi %sign3A_756, %sign3A_759 : i32
        %ne3A_761 = arith.cmpi ne, %sign3A_753, %sign3A_760 : i32
        %rem3A_762 = arith.remsi %sub3A_721, %jit3A_745 : i32
        %ne3A_763 = arith.constant 0 : i32
        %ne3A_764 = arith.cmpi ne, %rem3A_762, %ne3A_763 : i32
        %and3A_765 = arith.andi %ne3A_761, %ne3A_764 : i1
        %sub3A_766 = arith.constant 1 : i32
        %sub3A_767 = arith.subi %div3A_746, %sub3A_766 : i32
        %select_n3A_768 = arith.select %and3A_765, %sub3A_767, %div3A_746 : i32
        %rem3A_769 = arith.constant 4 : i32
        %rem3A_770 = arith.remsi %select_n3A_768, %rem3A_769 : i32
        %rem3A_771 = arith.constant 8 : i32
        %rem3A_772 = arith.remsi %sub3A_721, %rem3A_771 : i32
        %dma_start3A_773 = arith.constant 0 : i32
        %dma_start3A_774 = arith.constant 0 : i32
        %dma_start3A_775 = arith.constant 0 : i32
        %dma_start3A_776 = arith.constant 0 : i32
        %dma_start3A_777 = tpu.memref_slice %arg18[%dma_start3A_773, %dma_start3A_775, %dma_start3A_776] : memref<2x128x16xf32, #tpu.memory_space<vmem>> -> memref<1x128x16xf32, #tpu.memory_space<vmem>>
        %dma_start3A_778 = tpu.memref_squeeze %dma_start3A_777 : memref<1x128x16xf32, #tpu.memory_space<vmem>> -> memref<128x16xf32, #tpu.memory_space<vmem>>
        %dma_start3A_779 = arith.constant 0 : i32
        %dma_start3A_780 = tpu.memref_slice %arg16[%rem3A_770, %rem3A_772, %dma_start3A_779] : memref<4x8x128xi32, #tpu.memory_space<vmem>> -> memref<1x1x128xi32, #tpu.memory_space<vmem>>
        %dma_start3A_781 = tpu.memref_squeeze %dma_start3A_780 : memref<1x1x128xi32, #tpu.memory_space<vmem>> -> memref<128xi32, #tpu.memory_space<vmem>>
        %dma_start3A_782 = arith.constant 0 : i32
        %dma_start3A_783 = arith.constant 0 : i32
        %dma_start3A_784 = tpu.memref_slice %arg13[%dma_start3A_782, %dma_start3A_783] : memref<10240x16xf32, #tpu.memory_space<vmem_shared>> -> memref<10240x16xf32, #tpu.memory_space<vmem_shared>>
        %dma_start3A_785 = tpu.memref_slice %arg24[%dma_start3A_774] : memref<2x!tpu.dma_semaphore, #tpu.memory_space<semaphore_mem>> -> memref<1x!tpu.dma_semaphore, #tpu.memory_space<semaphore_mem>>
        %dma_start3A_786 = tpu.memref_squeeze %dma_start3A_785 : memref<1x!tpu.dma_semaphore, #tpu.memory_space<semaphore_mem>> -> memref<!tpu.dma_semaphore, #tpu.memory_space<semaphore_mem>>
        tpu.enqueue_indirect_dma source(%dma_start3A_778 : memref<128x16xf32, #tpu.memory_space<vmem>>) target(%dma_start3A_784 : memref<10240x16xf32, #tpu.memory_space<vmem_shared>>) offsets(%dma_start3A_781 : memref<128xi32, #tpu.memory_space<vmem>>) semaphore(%dma_start3A_786 : memref<!tpu.dma_semaphore, #tpu.memory_space<semaphore_mem>>) {add = true}
        %convert_element_type3A_787 = arith.extui %ge3A_723 : i1 to i32
        %cond3A_788 = arith.constant 0 : i32
        %cond3A_789 = arith.cmpi ne, %convert_element_type3A_787, %cond3A_788 : i32
        scf.if %cond3A_789 {
          %dma_wait3A_796 = arith.constant 0 : i32
          %dma_wait3A_797 = arith.constant 0 : i32
          %dma_wait3A_798 = tpu.memref_slice %arg14[%dma_wait3A_796, %dma_wait3A_797] : memref<10240x16xf32, #tpu.memory_space<vmem_shared>> -> memref<128x16xf32, #tpu.memory_space<vmem_shared>>
          tpu.wait_dma2 semaphore(%arg25 : memref<!tpu.dma_semaphore, #tpu.memory_space<semaphore_mem>>) src(%arg6 : memref<128x16xf32, #tpu.memory_space<hbm>>) dst(%dma_wait3A_798 : memref<128x16xf32, #tpu.memory_space<vmem_shared>>)
        } else {
        }
        %dma_start3A_790 = arith.constant 0 : i32
        %dma_start3A_791 = tpu.memref_slice %arg16[%rem3A_770, %rem3A_772, %dma_start3A_790] : memref<4x8x128xi32, #tpu.memory_space<vmem>> -> memref<1x1x128xi32, #tpu.memory_space<vmem>>
        %dma_start3A_792 = tpu.memref_squeeze %dma_start3A_791 : memref<1x1x128xi32, #tpu.memory_space<vmem>> -> memref<128xi32, #tpu.memory_space<vmem>>
        %dma_start3A_793 = arith.constant 0 : i32
        %dma_start3A_794 = arith.constant 0 : i32
        %dma_start3A_795 = tpu.memref_slice %arg14[%dma_start3A_793, %dma_start3A_794] : memref<10240x16xf32, #tpu.memory_space<vmem_shared>> -> memref<10240x16xf32, #tpu.memory_space<vmem_shared>>
        tpu.enqueue_indirect_dma source(%arg19 : memref<128x16xf32, #tpu.memory_space<vmem>>) target(%dma_start3A_795 : memref<10240x16xf32, #tpu.memory_space<vmem_shared>>) offsets(%dma_start3A_792 : memref<128xi32, #tpu.memory_space<vmem>>) semaphore(%arg25 : memref<!tpu.dma_semaphore, #tpu.memory_space<semaphore_mem>>) {add = true}
      } else {
      }
      %ge3A_561 = arith.constant 1 : i32
      %ge3A_562 = arith.cmpi sge, %scan3A_287, %ge3A_561 : i32
      %convert_element_type3A_563 = arith.extui %ge3A_562 : i1 to i32
      %cond3A_564 = arith.constant 0 : i32
      %cond3A_565 = arith.cmpi ne, %convert_element_type3A_563, %cond3A_564 : i32
      scf.if %cond3A_565 {
        %dma_wait3A_687 = arith.constant 3 : i32
        %dma_wait3A_688 = arith.constant 3 : i32
        %dma_wait3A_689 = arith.constant 0 : i32
        %dma_wait3A_690 = arith.constant 0 : i32
        %dma_wait3A_691 = tpu.memref_slice %arg17[%dma_wait3A_687, %dma_wait3A_689, %dma_wait3A_690] : memref<4x128x64xf32, #tpu.memory_space<vmem>> -> memref<1x128x64xf32, #tpu.memory_space<vmem>>
        %dma_wait3A_692 = tpu.memref_squeeze %dma_wait3A_691 : memref<1x128x64xf32, #tpu.memory_space<vmem>> -> memref<128x64xf32, #tpu.memory_space<vmem>>
        %dma_wait3A_693 = arith.constant 0 : i32
        %dma_wait3A_694 = arith.constant 0 : i32
        %dma_wait3A_695 = tpu.memref_slice %arg12[%dma_wait3A_693, %dma_wait3A_694] : memref<10240x64xf32, #tpu.memory_space<vmem_shared>> -> memref<128x64xf32, #tpu.memory_space<vmem_shared>>
        %dma_wait3A_696 = tpu.memref_slice %arg22[%dma_wait3A_688] : memref<4x!tpu.dma_semaphore, #tpu.memory_space<semaphore_mem>> -> memref<1x!tpu.dma_semaphore, #tpu.memory_space<semaphore_mem>>
        %dma_wait3A_697 = tpu.memref_squeeze %dma_wait3A_696 : memref<1x!tpu.dma_semaphore, #tpu.memory_space<semaphore_mem>> -> memref<!tpu.dma_semaphore, #tpu.memory_space<semaphore_mem>>
        %dma_wait3A_698 = arith.constant 0 : i32
        %dma_wait3A_699 = arith.constant 0 : i32
        %dma_wait3A_700 = tpu.memref_slice %arg12[%dma_wait3A_698, %dma_wait3A_699] : memref<10240x64xf32, #tpu.memory_space<vmem_shared>> -> memref<128x64xf32, #tpu.memory_space<vmem_shared>>
        %dma_wait3A_701 = arith.constant 0 : i32
        %dma_wait3A_702 = arith.constant 0 : i32
        %dma_wait3A_703 = tpu.memref_slice %arg17[%dma_wait3A_687, %dma_wait3A_701, %dma_wait3A_702] : memref<4x128x64xf32, #tpu.memory_space<vmem>> -> memref<1x128x64xf32, #tpu.memory_space<vmem>>
        %dma_wait3A_704 = tpu.memref_squeeze %dma_wait3A_703 : memref<1x128x64xf32, #tpu.memory_space<vmem>> -> memref<128x64xf32, #tpu.memory_space<vmem>>
        tpu.wait_dma2 semaphore(%dma_wait3A_697 : memref<!tpu.dma_semaphore, #tpu.memory_space<semaphore_mem>>) src(%dma_wait3A_704 : memref<128x64xf32, #tpu.memory_space<vmem>>) dst(%dma_wait3A_700 : memref<128x64xf32, #tpu.memory_space<vmem_shared>>)
      } else {
      }
      %jit3A_566 = arith.constant 2 : i32
      %div3A_567 = arith.divsi %scan3A_287, %jit3A_566 : i32
      %sign3A_568 = arith.constant 0 : i32
      %sign3A_569 = arith.cmpi sgt, %scan3A_287, %sign3A_568 : i32
      %sign3A_570 = arith.extui %sign3A_569 : i1 to i32
      %sign3A_571 = arith.constant 0 : i32
      %sign3A_572 = arith.cmpi slt, %scan3A_287, %sign3A_571 : i32
      %sign3A_573 = arith.extui %sign3A_572 : i1 to i32
      %sign3A_574 = arith.subi %sign3A_570, %sign3A_573 : i32
      %sign3A_575 = arith.constant 0 : i32
      %sign3A_576 = arith.cmpi sgt, %jit3A_566, %sign3A_575 : i32
      %sign3A_577 = arith.extui %sign3A_576 : i1 to i32
      %sign3A_578 = arith.constant 0 : i32
      %sign3A_579 = arith.cmpi slt, %jit3A_566, %sign3A_578 : i32
      %sign3A_580 = arith.extui %sign3A_579 : i1 to i32
      %sign3A_581 = arith.subi %sign3A_577, %sign3A_580 : i32
      %ne3A_582 = arith.cmpi ne, %sign3A_574, %sign3A_581 : i32
      %rem3A_583 = arith.remsi %scan3A_287, %jit3A_566 : i32
      %ne3A_584 = arith.constant 0 : i32
      %ne3A_585 = arith.cmpi ne, %rem3A_583, %ne3A_584 : i32
      %and3A_586 = arith.andi %ne3A_582, %ne3A_585 : i1
      %sub3A_587 = arith.constant 1 : i32
      %sub3A_588 = arith.subi %div3A_567, %sub3A_587 : i32
      %select_n3A_589 = arith.select %and3A_586, %sub3A_588, %div3A_567 : i32
      %rem3A_590 = arith.constant 4 : i32
      %rem3A_591 = arith.remsi %select_n3A_589, %rem3A_590 : i32
      %rem3A_592 = arith.constant 2 : i32
      %rem3A_593 = arith.remsi %scan3A_287, %rem3A_592 : i32
      %mul3A_594 = arith.constant 4 : i32
      %mul3A_595 = arith.muli %mul3A_594, %rem3A_593 : i32
      %add3A_596 = arith.constant 3 : i32
      %add3A_597 = arith.addi %mul3A_595, %add3A_596 : i32
      %dma_start3A_598 = arith.constant 3 : i32
      %dma_start3A_599 = arith.constant 3 : i32
      %dma_start3A_600 = arith.constant 0 : i32
      %dma_start3A_601 = arith.constant 0 : i32
      %dma_start3A_602 = tpu.memref_slice %arg17[%dma_start3A_598, %dma_start3A_600, %dma_start3A_601] : memref<4x128x64xf32, #tpu.memory_space<vmem>> -> memref<1x128x64xf32, #tpu.memory_space<vmem>>
      %dma_start3A_603 = tpu.memref_squeeze %dma_start3A_602 : memref<1x128x64xf32, #tpu.memory_space<vmem>> -> memref<128x64xf32, #tpu.memory_space<vmem>>
      %dma_start3A_604 = arith.constant 0 : i32
      %dma_start3A_605 = tpu.memref_slice %arg15[%rem3A_591, %add3A_597, %dma_start3A_604] : memref<4x8x128xi32, #tpu.memory_space<vmem>> -> memref<1x1x128xi32, #tpu.memory_space<vmem>>
      %dma_start3A_606 = tpu.memref_squeeze %dma_start3A_605 : memref<1x1x128xi32, #tpu.memory_space<vmem>> -> memref<128xi32, #tpu.memory_space<vmem>>
      %dma_start3A_607 = arith.constant 0 : i32
      %dma_start3A_608 = arith.constant 0 : i32
      %dma_start3A_609 = tpu.memref_slice %arg2[%arg0, %dma_start3A_607, %dma_start3A_608] : memref<2x10000x64xf32, #tpu.memory_space<hbm>> -> memref<1x10000x64xf32, #tpu.memory_space<hbm>>
      %dma_start3A_610 = tpu.memref_squeeze %dma_start3A_609 : memref<1x10000x64xf32, #tpu.memory_space<hbm>> -> memref<10000x64xf32, #tpu.memory_space<hbm>>
      %dma_start3A_611 = arith.constant 0 : i32
      %dma_start3A_612 = arith.constant 0 : i32
      %dma_start3A_613 = tpu.memref_slice %dma_start3A_610[%dma_start3A_611, %dma_start3A_612] : memref<10000x64xf32, #tpu.memory_space<hbm>> -> memref<10000x64xf32, #tpu.memory_space<hbm>>
      %dma_start3A_614 = tpu.memref_slice %arg21[%dma_start3A_599] : memref<4x!tpu.dma_semaphore, #tpu.memory_space<semaphore_mem>> -> memref<1x!tpu.dma_semaphore, #tpu.memory_space<semaphore_mem>>
      %dma_start3A_615 = tpu.memref_squeeze %dma_start3A_614 : memref<1x!tpu.dma_semaphore, #tpu.memory_space<semaphore_mem>> -> memref<!tpu.dma_semaphore, #tpu.memory_space<semaphore_mem>>
      tpu.enqueue_indirect_dma source(%dma_start3A_613 : memref<10000x64xf32, #tpu.memory_space<hbm>>) target(%dma_start3A_603 : memref<128x64xf32, #tpu.memory_space<vmem>>) offsets(%dma_start3A_606 : memref<128xi32, #tpu.memory_space<vmem>>) semaphore(%dma_start3A_615 : memref<!tpu.dma_semaphore, #tpu.memory_space<semaphore_mem>>)
      %mul3A_616 = arith.constant 4 : i32
      %mul3A_617 = arith.muli %scan3A_287, %mul3A_616 : i32
      %add3A_618 = arith.constant 3 : i32
      %add3A_619 = arith.addi %mul3A_617, %add3A_618 : i32
      %sub3A_620 = arith.constant 2 : i32
      %sub3A_621 = arith.subi %add3A_619, %sub3A_620 : i32
      %dma_wait3A_622 = arith.constant 1 : i32
      %dma_wait3A_623 = arith.constant 1 : i32
      %dma_wait3A_624 = arith.constant 0 : i32
      %dma_wait3A_625 = arith.constant 0 : i32
      %dma_wait3A_626 = tpu.memref_slice %arg17[%dma_wait3A_622, %dma_wait3A_624, %dma_wait3A_625] : memref<4x128x64xf32, #tpu.memory_space<vmem>> -> memref<1x128x64xf32, #tpu.memory_space<vmem>>
      %dma_wait3A_627 = tpu.memref_squeeze %dma_wait3A_626 : memref<1x128x64xf32, #tpu.memory_space<vmem>> -> memref<128x64xf32, #tpu.memory_space<vmem>>
      %dma_wait3A_628 = arith.constant 0 : i32
      %dma_wait3A_629 = arith.constant 0 : i32
      %dma_wait3A_630 = tpu.memref_slice %arg7[%dma_wait3A_628, %dma_wait3A_629] : memref<640x64xf32, #tpu.memory_space<hbm>> -> memref<128x64xf32, #tpu.memory_space<hbm>>
      %dma_wait3A_631 = tpu.memref_slice %arg21[%dma_wait3A_623] : memref<4x!tpu.dma_semaphore, #tpu.memory_space<semaphore_mem>> -> memref<1x!tpu.dma_semaphore, #tpu.memory_space<semaphore_mem>>
      %dma_wait3A_632 = tpu.memref_squeeze %dma_wait3A_631 : memref<1x!tpu.dma_semaphore, #tpu.memory_space<semaphore_mem>> -> memref<!tpu.dma_semaphore, #tpu.memory_space<semaphore_mem>>
      %dma_wait3A_633 = arith.constant 0 : i32
      %dma_wait3A_634 = arith.constant 0 : i32
      %dma_wait3A_635 = tpu.memref_slice %arg17[%dma_wait3A_622, %dma_wait3A_633, %dma_wait3A_634] : memref<4x128x64xf32, #tpu.memory_space<vmem>> -> memref<1x128x64xf32, #tpu.memory_space<vmem>>
      %dma_wait3A_636 = tpu.memref_squeeze %dma_wait3A_635 : memref<1x128x64xf32, #tpu.memory_space<vmem>> -> memref<128x64xf32, #tpu.memory_space<vmem>>
      %dma_wait3A_637 = arith.constant 0 : i32
      %dma_wait3A_638 = arith.constant 0 : i32
      %dma_wait3A_639 = tpu.memref_slice %arg7[%dma_wait3A_637, %dma_wait3A_638] : memref<640x64xf32, #tpu.memory_space<hbm>> -> memref<128x64xf32, #tpu.memory_space<hbm>>
      tpu.wait_dma2 semaphore(%dma_wait3A_632 : memref<!tpu.dma_semaphore, #tpu.memory_space<semaphore_mem>>) src(%dma_wait3A_639 : memref<128x64xf32, #tpu.memory_space<hbm>>) dst(%dma_wait3A_636 : memref<128x64xf32, #tpu.memory_space<vmem>>)
      %jit3A_640 = arith.constant 8 : i32
      %div3A_641 = arith.divsi %sub3A_621, %jit3A_640 : i32
      %sign3A_642 = arith.constant 0 : i32
      %sign3A_643 = arith.cmpi sgt, %sub3A_621, %sign3A_642 : i32
      %sign3A_644 = arith.extui %sign3A_643 : i1 to i32
      %sign3A_645 = arith.constant 0 : i32
      %sign3A_646 = arith.cmpi slt, %sub3A_621, %sign3A_645 : i32
      %sign3A_647 = arith.extui %sign3A_646 : i1 to i32
      %sign3A_648 = arith.subi %sign3A_644, %sign3A_647 : i32
      %sign3A_649 = arith.constant 0 : i32
      %sign3A_650 = arith.cmpi sgt, %jit3A_640, %sign3A_649 : i32
      %sign3A_651 = arith.extui %sign3A_650 : i1 to i32
      %sign3A_652 = arith.constant 0 : i32
      %sign3A_653 = arith.cmpi slt, %jit3A_640, %sign3A_652 : i32
      %sign3A_654 = arith.extui %sign3A_653 : i1 to i32
      %sign3A_655 = arith.subi %sign3A_651, %sign3A_654 : i32
      %ne3A_656 = arith.cmpi ne, %sign3A_648, %sign3A_655 : i32
      %rem3A_657 = arith.remsi %sub3A_621, %jit3A_640 : i32
      %ne3A_658 = arith.constant 0 : i32
      %ne3A_659 = arith.cmpi ne, %rem3A_657, %ne3A_658 : i32
      %and3A_660 = arith.andi %ne3A_656, %ne3A_659 : i1
      %sub3A_661 = arith.constant 1 : i32
      %sub3A_662 = arith.subi %div3A_641, %sub3A_661 : i32
      %select_n3A_663 = arith.select %and3A_660, %sub3A_662, %div3A_641 : i32
      %rem3A_664 = arith.constant 4 : i32
      %rem3A_665 = arith.remsi %select_n3A_663, %rem3A_664 : i32
      %rem3A_666 = arith.constant 8 : i32
      %rem3A_667 = arith.remsi %sub3A_621, %rem3A_666 : i32
      %dma_start3A_668 = arith.constant 1 : i32
      %dma_start3A_669 = arith.constant 1 : i32
      %dma_start3A_670 = arith.constant 0 : i32
      %dma_start3A_671 = arith.constant 0 : i32
      %dma_start3A_672 = tpu.memref_slice %arg17[%dma_start3A_668, %dma_start3A_670, %dma_start3A_671] : memref<4x128x64xf32, #tpu.memory_space<vmem>> -> memref<1x128x64xf32, #tpu.memory_space<vmem>>
      %dma_start3A_673 = tpu.memref_squeeze %dma_start3A_672 : memref<1x128x64xf32, #tpu.memory_space<vmem>> -> memref<128x64xf32, #tpu.memory_space<vmem>>
      %dma_start3A_674 = arith.constant 0 : i32
      %dma_start3A_675 = tpu.memref_slice %arg16[%rem3A_665, %rem3A_667, %dma_start3A_674] : memref<4x8x128xi32, #tpu.memory_space<vmem>> -> memref<1x1x128xi32, #tpu.memory_space<vmem>>
      %dma_start3A_676 = tpu.memref_squeeze %dma_start3A_675 : memref<1x1x128xi32, #tpu.memory_space<vmem>> -> memref<128xi32, #tpu.memory_space<vmem>>
      %dma_start3A_677 = arith.constant 0 : i32
      %dma_start3A_678 = arith.constant 0 : i32
      %dma_start3A_679 = tpu.memref_slice %arg12[%dma_start3A_677, %dma_start3A_678] : memref<10240x64xf32, #tpu.memory_space<vmem_shared>> -> memref<10240x64xf32, #tpu.memory_space<vmem_shared>>
      %dma_start3A_680 = tpu.memref_slice %arg22[%dma_start3A_669] : memref<4x!tpu.dma_semaphore, #tpu.memory_space<semaphore_mem>> -> memref<1x!tpu.dma_semaphore, #tpu.memory_space<semaphore_mem>>
      %dma_start3A_681 = tpu.memref_squeeze %dma_start3A_680 : memref<1x!tpu.dma_semaphore, #tpu.memory_space<semaphore_mem>> -> memref<!tpu.dma_semaphore, #tpu.memory_space<semaphore_mem>>
      tpu.enqueue_indirect_dma source(%dma_start3A_673 : memref<128x64xf32, #tpu.memory_space<vmem>>) target(%dma_start3A_679 : memref<10240x64xf32, #tpu.memory_space<vmem_shared>>) offsets(%dma_start3A_676 : memref<128xi32, #tpu.memory_space<vmem>>) semaphore(%dma_start3A_681 : memref<!tpu.dma_semaphore, #tpu.memory_space<semaphore_mem>>) {add = true}
      %eq3A_682 = arith.constant 1 : i32
      %eq3A_683 = arith.cmpi eq, %arg0, %eq3A_682 : i32
      %convert_element_type3A_684 = arith.extui %eq3A_683 : i1 to i32
      %cond3A_685 = arith.constant 0 : i32
      %cond3A_686 = arith.cmpi ne, %convert_element_type3A_684, %cond3A_685 : i32
      scf.if %cond3A_686 {
        %ge3A_687 = arith.constant 1 : i32
        %ge3A_688 = arith.cmpi sge, %scan3A_287, %ge3A_687 : i32
        %convert_element_type3A_689 = arith.extui %ge3A_688 : i1 to i32
        %cond3A_690 = arith.constant 0 : i32
        %cond3A_691 = arith.cmpi ne, %convert_element_type3A_689, %cond3A_690 : i32
        scf.if %cond3A_691 {
          %dma_wait3A_796 = arith.constant 1 : i32
          %dma_wait3A_797 = arith.constant 1 : i32
          %dma_wait3A_798 = arith.constant 0 : i32
          %dma_wait3A_799 = arith.constant 0 : i32
          %dma_wait3A_800 = tpu.memref_slice %arg18[%dma_wait3A_796, %dma_wait3A_798, %dma_wait3A_799] : memref<2x128x16xf32, #tpu.memory_space<vmem>> -> memref<1x128x16xf32, #tpu.memory_space<vmem>>
          %dma_wait3A_801 = tpu.memref_squeeze %dma_wait3A_800 : memref<1x128x16xf32, #tpu.memory_space<vmem>> -> memref<128x16xf32, #tpu.memory_space<vmem>>
          %dma_wait3A_802 = arith.constant 0 : i32
          %dma_wait3A_803 = arith.constant 0 : i32
          %dma_wait3A_804 = tpu.memref_slice %arg13[%dma_wait3A_802, %dma_wait3A_803] : memref<10240x16xf32, #tpu.memory_space<vmem_shared>> -> memref<128x16xf32, #tpu.memory_space<vmem_shared>>
          %dma_wait3A_805 = tpu.memref_slice %arg24[%dma_wait3A_797] : memref<2x!tpu.dma_semaphore, #tpu.memory_space<semaphore_mem>> -> memref<1x!tpu.dma_semaphore, #tpu.memory_space<semaphore_mem>>
          %dma_wait3A_806 = tpu.memref_squeeze %dma_wait3A_805 : memref<1x!tpu.dma_semaphore, #tpu.memory_space<semaphore_mem>> -> memref<!tpu.dma_semaphore, #tpu.memory_space<semaphore_mem>>
          %dma_wait3A_807 = arith.constant 0 : i32
          %dma_wait3A_808 = arith.constant 0 : i32
          %dma_wait3A_809 = tpu.memref_slice %arg13[%dma_wait3A_807, %dma_wait3A_808] : memref<10240x16xf32, #tpu.memory_space<vmem_shared>> -> memref<128x16xf32, #tpu.memory_space<vmem_shared>>
          %dma_wait3A_810 = arith.constant 0 : i32
          %dma_wait3A_811 = arith.constant 0 : i32
          %dma_wait3A_812 = tpu.memref_slice %arg18[%dma_wait3A_796, %dma_wait3A_810, %dma_wait3A_811] : memref<2x128x16xf32, #tpu.memory_space<vmem>> -> memref<1x128x16xf32, #tpu.memory_space<vmem>>
          %dma_wait3A_813 = tpu.memref_squeeze %dma_wait3A_812 : memref<1x128x16xf32, #tpu.memory_space<vmem>> -> memref<128x16xf32, #tpu.memory_space<vmem>>
          tpu.wait_dma2 semaphore(%dma_wait3A_806 : memref<!tpu.dma_semaphore, #tpu.memory_space<semaphore_mem>>) src(%dma_wait3A_813 : memref<128x16xf32, #tpu.memory_space<vmem>>) dst(%dma_wait3A_809 : memref<128x16xf32, #tpu.memory_space<vmem_shared>>)
        } else {
        }
        %mul3A_692 = arith.constant 4 : i32
        %mul3A_693 = arith.muli %scan3A_287, %mul3A_692 : i32
        %add3A_694 = arith.constant 3 : i32
        %add3A_695 = arith.addi %mul3A_693, %add3A_694 : i32
        %dma_start3A_696 = arith.constant 1 : i32
        %dma_start3A_697 = arith.constant 1 : i32
        %dma_start3A_698 = arith.constant 0 : i32
        %dma_start3A_699 = arith.constant 0 : i32
        %dma_start3A_700 = tpu.memref_slice %arg18[%dma_start3A_696, %dma_start3A_698, %dma_start3A_699] : memref<2x128x16xf32, #tpu.memory_space<vmem>> -> memref<1x128x16xf32, #tpu.memory_space<vmem>>
        %dma_start3A_701 = tpu.memref_squeeze %dma_start3A_700 : memref<1x128x16xf32, #tpu.memory_space<vmem>> -> memref<128x16xf32, #tpu.memory_space<vmem>>
        %dma_start3A_702 = arith.constant 0 : i32
        %dma_start3A_703 = arith.constant 0 : i32
        %dma_start3A_704 = tpu.memref_slice %arg5[%arg1, %add3A_695, %dma_start3A_702, %dma_start3A_703] : memref<16x160x128x16xf32, #tpu.memory_space<hbm>> -> memref<1x1x128x16xf32, #tpu.memory_space<hbm>>
        %dma_start3A_705 = tpu.memref_squeeze %dma_start3A_704 : memref<1x1x128x16xf32, #tpu.memory_space<hbm>> -> memref<128x16xf32, #tpu.memory_space<hbm>>
        %dma_start3A_706 = tpu.memref_slice %arg23[%dma_start3A_697] : memref<2x!tpu.dma_semaphore, #tpu.memory_space<semaphore_mem>> -> memref<1x!tpu.dma_semaphore, #tpu.memory_space<semaphore_mem>>
        %dma_start3A_707 = tpu.memref_squeeze %dma_start3A_706 : memref<1x!tpu.dma_semaphore, #tpu.memory_space<semaphore_mem>> -> memref<!tpu.dma_semaphore, #tpu.memory_space<semaphore_mem>>
        %dma_start3A_708 = arith.constant 0 : i32
        %dma_start3A_709 = arith.constant 0 : i32
        %dma_start3A_710 = tpu.memref_slice %arg18[%dma_start3A_696, %dma_start3A_708, %dma_start3A_709] : memref<2x128x16xf32, #tpu.memory_space<vmem>> -> memref<1x128x16xf32, #tpu.memory_space<vmem>>
        %dma_start3A_711 = tpu.memref_squeeze %dma_start3A_710 : memref<1x128x16xf32, #tpu.memory_space<vmem>> -> memref<128x16xf32, #tpu.memory_space<vmem>>
        %dma_start3A_712 = arith.constant 0 : i32
        %dma_start3A_713 = arith.constant 0 : i32
        %dma_start3A_714 = tpu.memref_slice %arg5[%arg1, %add3A_695, %dma_start3A_712, %dma_start3A_713] : memref<16x160x128x16xf32, #tpu.memory_space<hbm>> -> memref<1x1x128x16xf32, #tpu.memory_space<hbm>>
        %dma_start3A_715 = tpu.memref_squeeze %dma_start3A_714 : memref<1x1x128x16xf32, #tpu.memory_space<hbm>> -> memref<128x16xf32, #tpu.memory_space<hbm>>
        tpu.enqueue_dma source(%dma_start3A_715 : memref<128x16xf32, #tpu.memory_space<hbm>>) target(%dma_start3A_711 : memref<128x16xf32, #tpu.memory_space<vmem>>) target_semaphore(%dma_start3A_707 : memref<!tpu.dma_semaphore, #tpu.memory_space<semaphore_mem>>)
        %mul3A_716 = arith.constant 4 : i32
        %mul3A_717 = arith.muli %scan3A_287, %mul3A_716 : i32
        %add3A_718 = arith.constant 3 : i32
        %add3A_719 = arith.addi %mul3A_717, %add3A_718 : i32
        %sub3A_720 = arith.constant 2 : i32
        %sub3A_721 = arith.subi %add3A_719, %sub3A_720 : i32
        %ge3A_722 = arith.constant 1 : i32
        %ge3A_723 = arith.cmpi sge, %scan3A_287, %ge3A_722 : i32
        %dma_wait3A_724 = arith.constant 0 : i32
        %dma_wait3A_725 = arith.constant 0 : i32
        %dma_wait3A_726 = arith.constant 0 : i32
        %dma_wait3A_727 = arith.constant 0 : i32
        %dma_wait3A_728 = arith.constant 0 : i32
        %dma_wait3A_729 = tpu.memref_slice %arg18[%dma_wait3A_725, %dma_wait3A_727, %dma_wait3A_728] : memref<2x128x16xf32, #tpu.memory_space<vmem>> -> memref<1x128x16xf32, #tpu.memory_space<vmem>>
        %dma_wait3A_730 = tpu.memref_squeeze %dma_wait3A_729 : memref<1x128x16xf32, #tpu.memory_space<vmem>> -> memref<128x16xf32, #tpu.memory_space<vmem>>
        %dma_wait3A_731 = arith.constant 0 : i32
        %dma_wait3A_732 = arith.constant 0 : i32
        %dma_wait3A_733 = tpu.memref_slice %arg5[%arg1, %dma_wait3A_724, %dma_wait3A_731, %dma_wait3A_732] : memref<16x160x128x16xf32, #tpu.memory_space<hbm>> -> memref<1x1x128x16xf32, #tpu.memory_space<hbm>>
        %dma_wait3A_734 = tpu.memref_squeeze %dma_wait3A_733 : memref<1x1x128x16xf32, #tpu.memory_space<hbm>> -> memref<128x16xf32, #tpu.memory_space<hbm>>
        %dma_wait3A_735 = tpu.memref_slice %arg23[%dma_wait3A_726] : memref<2x!tpu.dma_semaphore, #tpu.memory_space<semaphore_mem>> -> memref<1x!tpu.dma_semaphore, #tpu.memory_space<semaphore_mem>>
        %dma_wait3A_736 = tpu.memref_squeeze %dma_wait3A_735 : memref<1x!tpu.dma_semaphore, #tpu.memory_space<semaphore_mem>> -> memref<!tpu.dma_semaphore, #tpu.memory_space<semaphore_mem>>
        %dma_wait3A_737 = arith.constant 0 : i32
        %dma_wait3A_738 = arith.constant 0 : i32
        %dma_wait3A_739 = tpu.memref_slice %arg18[%dma_wait3A_725, %dma_wait3A_737, %dma_wait3A_738] : memref<2x128x16xf32, #tpu.memory_space<vmem>> -> memref<1x128x16xf32, #tpu.memory_space<vmem>>
        %dma_wait3A_740 = tpu.memref_squeeze %dma_wait3A_739 : memref<1x128x16xf32, #tpu.memory_space<vmem>> -> memref<128x16xf32, #tpu.memory_space<vmem>>
        %dma_wait3A_741 = arith.constant 0 : i32
        %dma_wait3A_742 = arith.constant 0 : i32
        %dma_wait3A_743 = tpu.memref_slice %arg5[%arg1, %dma_wait3A_724, %dma_wait3A_741, %dma_wait3A_742] : memref<16x160x128x16xf32, #tpu.memory_space<hbm>> -> memref<1x1x128x16xf32, #tpu.memory_space<hbm>>
        %dma_wait3A_744 = tpu.memref_squeeze %dma_wait3A_743 : memref<1x1x128x16xf32, #tpu.memory_space<hbm>> -> memref<128x16xf32, #tpu.memory_space<hbm>>
        tpu.wait_dma2 semaphore(%dma_wait3A_736 : memref<!tpu.dma_semaphore, #tpu.memory_space<semaphore_mem>>) src(%dma_wait3A_744 : memref<128x16xf32, #tpu.memory_space<hbm>>) dst(%dma_wait3A_740 : memref<128x16xf32, #tpu.memory_space<vmem>>)
        %jit3A_745 = arith.constant 8 : i32
        %div3A_746 = arith.divsi %sub3A_721, %jit3A_745 : i32
        %sign3A_747 = arith.constant 0 : i32
        %sign3A_748 = arith.cmpi sgt, %sub3A_721, %sign3A_747 : i32
        %sign3A_749 = arith.extui %sign3A_748 : i1 to i32
        %sign3A_750 = arith.constant 0 : i32
        %sign3A_751 = arith.cmpi slt, %sub3A_721, %sign3A_750 : i32
        %sign3A_752 = arith.extui %sign3A_751 : i1 to i32
        %sign3A_753 = arith.subi %sign3A_749, %sign3A_752 : i32
        %sign3A_754 = arith.constant 0 : i32
        %sign3A_755 = arith.cmpi sgt, %jit3A_745, %sign3A_754 : i32
        %sign3A_756 = arith.extui %sign3A_755 : i1 to i32
        %sign3A_757 = arith.constant 0 : i32
        %sign3A_758 = arith.cmpi slt, %jit3A_745, %sign3A_757 : i32
        %sign3A_759 = arith.extui %sign3A_758 : i1 to i32
        %sign3A_760 = arith.subi %sign3A_756, %sign3A_759 : i32
        %ne3A_761 = arith.cmpi ne, %sign3A_753, %sign3A_760 : i32
        %rem3A_762 = arith.remsi %sub3A_721, %jit3A_745 : i32
        %ne3A_763 = arith.constant 0 : i32
        %ne3A_764 = arith.cmpi ne, %rem3A_762, %ne3A_763 : i32
        %and3A_765 = arith.andi %ne3A_761, %ne3A_764 : i1
        %sub3A_766 = arith.constant 1 : i32
        %sub3A_767 = arith.subi %div3A_746, %sub3A_766 : i32
        %select_n3A_768 = arith.select %and3A_765, %sub3A_767, %div3A_746 : i32
        %rem3A_769 = arith.constant 4 : i32
        %rem3A_770 = arith.remsi %select_n3A_768, %rem3A_769 : i32
        %rem3A_771 = arith.constant 8 : i32
        %rem3A_772 = arith.remsi %sub3A_721, %rem3A_771 : i32
        %dma_start3A_773 = arith.constant 0 : i32
        %dma_start3A_774 = arith.constant 0 : i32
        %dma_start3A_775 = arith.constant 0 : i32
        %dma_start3A_776 = arith.constant 0 : i32
        %dma_start3A_777 = tpu.memref_slice %arg18[%dma_start3A_773, %dma_start3A_775, %dma_start3A_776] : memref<2x128x16xf32, #tpu.memory_space<vmem>> -> memref<1x128x16xf32, #tpu.memory_space<vmem>>
        %dma_start3A_778 = tpu.memref_squeeze %dma_start3A_777 : memref<1x128x16xf32, #tpu.memory_space<vmem>> -> memref<128x16xf32, #tpu.memory_space<vmem>>
        %dma_start3A_779 = arith.constant 0 : i32
        %dma_start3A_780 = tpu.memref_slice %arg16[%rem3A_770, %rem3A_772, %dma_start3A_779] : memref<4x8x128xi32, #tpu.memory_space<vmem>> -> memref<1x1x128xi32, #tpu.memory_space<vmem>>
        %dma_start3A_781 = tpu.memref_squeeze %dma_start3A_780 : memref<1x1x128xi32, #tpu.memory_space<vmem>> -> memref<128xi32, #tpu.memory_space<vmem>>
        %dma_start3A_782 = arith.constant 0 : i32
        %dma_start3A_783 = arith.constant 0 : i32
        %dma_start3A_784 = tpu.memref_slice %arg13[%dma_start3A_782, %dma_start3A_783] : memref<10240x16xf32, #tpu.memory_space<vmem_shared>> -> memref<10240x16xf32, #tpu.memory_space<vmem_shared>>
        %dma_start3A_785 = tpu.memref_slice %arg24[%dma_start3A_774] : memref<2x!tpu.dma_semaphore, #tpu.memory_space<semaphore_mem>> -> memref<1x!tpu.dma_semaphore, #tpu.memory_space<semaphore_mem>>
        %dma_start3A_786 = tpu.memref_squeeze %dma_start3A_785 : memref<1x!tpu.dma_semaphore, #tpu.memory_space<semaphore_mem>> -> memref<!tpu.dma_semaphore, #tpu.memory_space<semaphore_mem>>
        tpu.enqueue_indirect_dma source(%dma_start3A_778 : memref<128x16xf32, #tpu.memory_space<vmem>>) target(%dma_start3A_784 : memref<10240x16xf32, #tpu.memory_space<vmem_shared>>) offsets(%dma_start3A_781 : memref<128xi32, #tpu.memory_space<vmem>>) semaphore(%dma_start3A_786 : memref<!tpu.dma_semaphore, #tpu.memory_space<semaphore_mem>>) {add = true}
        %convert_element_type3A_787 = arith.extui %ge3A_723 : i1 to i32
        %cond3A_788 = arith.constant 0 : i32
        %cond3A_789 = arith.cmpi ne, %convert_element_type3A_787, %cond3A_788 : i32
        scf.if %cond3A_789 {
          %dma_wait3A_796 = arith.constant 0 : i32
          %dma_wait3A_797 = arith.constant 0 : i32
          %dma_wait3A_798 = tpu.memref_slice %arg14[%dma_wait3A_796, %dma_wait3A_797] : memref<10240x16xf32, #tpu.memory_space<vmem_shared>> -> memref<128x16xf32, #tpu.memory_space<vmem_shared>>
          tpu.wait_dma2 semaphore(%arg25 : memref<!tpu.dma_semaphore, #tpu.memory_space<semaphore_mem>>) src(%arg6 : memref<128x16xf32, #tpu.memory_space<hbm>>) dst(%dma_wait3A_798 : memref<128x16xf32, #tpu.memory_space<vmem_shared>>)
        } else {
        }
        %dma_start3A_790 = arith.constant 0 : i32
        %dma_start3A_791 = tpu.memref_slice %arg16[%rem3A_770, %rem3A_772, %dma_start3A_790] : memref<4x8x128xi32, #tpu.memory_space<vmem>> -> memref<1x1x128xi32, #tpu.memory_space<vmem>>
        %dma_start3A_792 = tpu.memref_squeeze %dma_start3A_791 : memref<1x1x128xi32, #tpu.memory_space<vmem>> -> memref<128xi32, #tpu.memory_space<vmem>>
        %dma_start3A_793 = arith.constant 0 : i32
        %dma_start3A_794 = arith.constant 0 : i32
        %dma_start3A_795 = tpu.memref_slice %arg14[%dma_start3A_793, %dma_start3A_794] : memref<10240x16xf32, #tpu.memory_space<vmem_shared>> -> memref<10240x16xf32, #tpu.memory_space<vmem_shared>>
        tpu.enqueue_indirect_dma source(%arg19 : memref<128x16xf32, #tpu.memory_space<vmem>>) target(%dma_start3A_795 : memref<10240x16xf32, #tpu.memory_space<vmem_shared>>) offsets(%dma_start3A_792 : memref<128xi32, #tpu.memory_space<vmem>>) semaphore(%arg25 : memref<!tpu.dma_semaphore, #tpu.memory_space<semaphore_mem>>) {add = true}
      } else {
      }
    }
    %scan3A_39 = arith.constant 40 : i32
    %dma_wait3A = arith.constant 2 : i32
    %dma_wait3A_40 = arith.constant 2 : i32
    %dma_wait3A_41 = arith.constant 0 : i32
    %dma_wait3A_42 = arith.constant 0 : i32
    %dma_wait3A_43 = tpu.memref_slice %arg17[%dma_wait3A, %dma_wait3A_41, %dma_wait3A_42] : memref<4x128x64xf32, #tpu.memory_space<vmem>> -> memref<1x128x64xf32, #tpu.memory_space<vmem>>
    %dma_wait3A_44 = tpu.memref_squeeze %dma_wait3A_43 : memref<1x128x64xf32, #tpu.memory_space<vmem>> -> memref<128x64xf32, #tpu.memory_space<vmem>>
    %dma_wait3A_45 = arith.constant 0 : i32
    %dma_wait3A_46 = arith.constant 0 : i32
    %dma_wait3A_47 = tpu.memref_slice %arg7[%dma_wait3A_45, %dma_wait3A_46] : memref<640x64xf32, #tpu.memory_space<hbm>> -> memref<128x64xf32, #tpu.memory_space<hbm>>
    %dma_wait3A_48 = tpu.memref_slice %arg21[%dma_wait3A_40] : memref<4x!tpu.dma_semaphore, #tpu.memory_space<semaphore_mem>> -> memref<1x!tpu.dma_semaphore, #tpu.memory_space<semaphore_mem>>
    %dma_wait3A_49 = tpu.memref_squeeze %dma_wait3A_48 : memref<1x!tpu.dma_semaphore, #tpu.memory_space<semaphore_mem>> -> memref<!tpu.dma_semaphore, #tpu.memory_space<semaphore_mem>>
    %dma_wait3A_50 = arith.constant 0 : i32
    %dma_wait3A_51 = arith.constant 0 : i32
    %dma_wait3A_52 = tpu.memref_slice %arg17[%dma_wait3A, %dma_wait3A_50, %dma_wait3A_51] : memref<4x128x64xf32, #tpu.memory_space<vmem>> -> memref<1x128x64xf32, #tpu.memory_space<vmem>>
    %dma_wait3A_53 = tpu.memref_squeeze %dma_wait3A_52 : memref<1x128x64xf32, #tpu.memory_space<vmem>> -> memref<128x64xf32, #tpu.memory_space<vmem>>
    %dma_wait3A_54 = arith.constant 0 : i32
    %dma_wait3A_55 = arith.constant 0 : i32
    %dma_wait3A_56 = tpu.memref_slice %arg7[%dma_wait3A_54, %dma_wait3A_55] : memref<640x64xf32, #tpu.memory_space<hbm>> -> memref<128x64xf32, #tpu.memory_space<hbm>>
    tpu.wait_dma2 semaphore(%dma_wait3A_49 : memref<!tpu.dma_semaphore, #tpu.memory_space<semaphore_mem>>) src(%dma_wait3A_56 : memref<128x64xf32, #tpu.memory_space<hbm>>) dst(%dma_wait3A_53 : memref<128x64xf32, #tpu.memory_space<vmem>>)
    %dma_start3A_57 = arith.constant 2 : i32
    %dma_start3A_58 = arith.constant 3 : i32
    %dma_start3A_59 = arith.constant 6 : i32
    %dma_start3A_60 = arith.constant 2 : i32
    %dma_start3A_61 = arith.constant 0 : i32
    %dma_start3A_62 = arith.constant 0 : i32
    %dma_start3A_63 = tpu.memref_slice %arg17[%dma_start3A_57, %dma_start3A_61, %dma_start3A_62] : memref<4x128x64xf32, #tpu.memory_space<vmem>> -> memref<1x128x64xf32, #tpu.memory_space<vmem>>
    %dma_start3A_64 = tpu.memref_squeeze %dma_start3A_63 : memref<1x128x64xf32, #tpu.memory_space<vmem>> -> memref<128x64xf32, #tpu.memory_space<vmem>>
    %dma_start3A_65 = arith.constant 0 : i32
    %dma_start3A_66 = tpu.memref_slice %arg16[%dma_start3A_58, %dma_start3A_59, %dma_start3A_65] : memref<4x8x128xi32, #tpu.memory_space<vmem>> -> memref<1x1x128xi32, #tpu.memory_space<vmem>>
    %dma_start3A_67 = tpu.memref_squeeze %dma_start3A_66 : memref<1x1x128xi32, #tpu.memory_space<vmem>> -> memref<128xi32, #tpu.memory_space<vmem>>
    %dma_start3A_68 = arith.constant 0 : i32
    %dma_start3A_69 = arith.constant 0 : i32
    %dma_start3A_70 = tpu.memref_slice %arg12[%dma_start3A_68, %dma_start3A_69] : memref<10240x64xf32, #tpu.memory_space<vmem_shared>> -> memref<10240x64xf32, #tpu.memory_space<vmem_shared>>
    %dma_start3A_71 = tpu.memref_slice %arg22[%dma_start3A_60] : memref<4x!tpu.dma_semaphore, #tpu.memory_space<semaphore_mem>> -> memref<1x!tpu.dma_semaphore, #tpu.memory_space<semaphore_mem>>
    %dma_start3A_72 = tpu.memref_squeeze %dma_start3A_71 : memref<1x!tpu.dma_semaphore, #tpu.memory_space<semaphore_mem>> -> memref<!tpu.dma_semaphore, #tpu.memory_space<semaphore_mem>>
    tpu.enqueue_indirect_dma source(%dma_start3A_64 : memref<128x64xf32, #tpu.memory_space<vmem>>) target(%dma_start3A_70 : memref<10240x64xf32, #tpu.memory_space<vmem_shared>>) offsets(%dma_start3A_67 : memref<128xi32, #tpu.memory_space<vmem>>) semaphore(%dma_start3A_72 : memref<!tpu.dma_semaphore, #tpu.memory_space<semaphore_mem>>) {add = true}
    %dma_wait3A_73 = arith.constant 3 : i32
    %dma_wait3A_74 = arith.constant 3 : i32
    %dma_wait3A_75 = arith.constant 0 : i32
    %dma_wait3A_76 = arith.constant 0 : i32
    %dma_wait3A_77 = tpu.memref_slice %arg17[%dma_wait3A_73, %dma_wait3A_75, %dma_wait3A_76] : memref<4x128x64xf32, #tpu.memory_space<vmem>> -> memref<1x128x64xf32, #tpu.memory_space<vmem>>
    %dma_wait3A_78 = tpu.memref_squeeze %dma_wait3A_77 : memref<1x128x64xf32, #tpu.memory_space<vmem>> -> memref<128x64xf32, #tpu.memory_space<vmem>>
    %dma_wait3A_79 = arith.constant 0 : i32
    %dma_wait3A_80 = arith.constant 0 : i32
    %dma_wait3A_81 = tpu.memref_slice %arg7[%dma_wait3A_79, %dma_wait3A_80] : memref<640x64xf32, #tpu.memory_space<hbm>> -> memref<128x64xf32, #tpu.memory_space<hbm>>
    %dma_wait3A_82 = tpu.memref_slice %arg21[%dma_wait3A_74] : memref<4x!tpu.dma_semaphore, #tpu.memory_space<semaphore_mem>> -> memref<1x!tpu.dma_semaphore, #tpu.memory_space<semaphore_mem>>
    %dma_wait3A_83 = tpu.memref_squeeze %dma_wait3A_82 : memref<1x!tpu.dma_semaphore, #tpu.memory_space<semaphore_mem>> -> memref<!tpu.dma_semaphore, #tpu.memory_space<semaphore_mem>>
    %dma_wait3A_84 = arith.constant 0 : i32
    %dma_wait3A_85 = arith.constant 0 : i32
    %dma_wait3A_86 = tpu.memref_slice %arg17[%dma_wait3A_73, %dma_wait3A_84, %dma_wait3A_85] : memref<4x128x64xf32, #tpu.memory_space<vmem>> -> memref<1x128x64xf32, #tpu.memory_space<vmem>>
    %dma_wait3A_87 = tpu.memref_squeeze %dma_wait3A_86 : memref<1x128x64xf32, #tpu.memory_space<vmem>> -> memref<128x64xf32, #tpu.memory_space<vmem>>
    %dma_wait3A_88 = arith.constant 0 : i32
    %dma_wait3A_89 = arith.constant 0 : i32
    %dma_wait3A_90 = tpu.memref_slice %arg7[%dma_wait3A_88, %dma_wait3A_89] : memref<640x64xf32, #tpu.memory_space<hbm>> -> memref<128x64xf32, #tpu.memory_space<hbm>>
    tpu.wait_dma2 semaphore(%dma_wait3A_83 : memref<!tpu.dma_semaphore, #tpu.memory_space<semaphore_mem>>) src(%dma_wait3A_90 : memref<128x64xf32, #tpu.memory_space<hbm>>) dst(%dma_wait3A_87 : memref<128x64xf32, #tpu.memory_space<vmem>>)
    %dma_start3A_91 = arith.constant 3 : i32
    %dma_start3A_92 = arith.constant 3 : i32
    %dma_start3A_93 = arith.constant 7 : i32
    %dma_start3A_94 = arith.constant 3 : i32
    %dma_start3A_95 = arith.constant 0 : i32
    %dma_start3A_96 = arith.constant 0 : i32
    %dma_start3A_97 = tpu.memref_slice %arg17[%dma_start3A_91, %dma_start3A_95, %dma_start3A_96] : memref<4x128x64xf32, #tpu.memory_space<vmem>> -> memref<1x128x64xf32, #tpu.memory_space<vmem>>
    %dma_start3A_98 = tpu.memref_squeeze %dma_start3A_97 : memref<1x128x64xf32, #tpu.memory_space<vmem>> -> memref<128x64xf32, #tpu.memory_space<vmem>>
    %dma_start3A_99 = arith.constant 0 : i32
    %dma_start3A_100 = tpu.memref_slice %arg16[%dma_start3A_92, %dma_start3A_93, %dma_start3A_99] : memref<4x8x128xi32, #tpu.memory_space<vmem>> -> memref<1x1x128xi32, #tpu.memory_space<vmem>>
    %dma_start3A_101 = tpu.memref_squeeze %dma_start3A_100 : memref<1x1x128xi32, #tpu.memory_space<vmem>> -> memref<128xi32, #tpu.memory_space<vmem>>
    %dma_start3A_102 = arith.constant 0 : i32
    %dma_start3A_103 = arith.constant 0 : i32
    %dma_start3A_104 = tpu.memref_slice %arg12[%dma_start3A_102, %dma_start3A_103] : memref<10240x64xf32, #tpu.memory_space<vmem_shared>> -> memref<10240x64xf32, #tpu.memory_space<vmem_shared>>
    %dma_start3A_105 = tpu.memref_slice %arg22[%dma_start3A_94] : memref<4x!tpu.dma_semaphore, #tpu.memory_space<semaphore_mem>> -> memref<1x!tpu.dma_semaphore, #tpu.memory_space<semaphore_mem>>
    %dma_start3A_106 = tpu.memref_squeeze %dma_start3A_105 : memref<1x!tpu.dma_semaphore, #tpu.memory_space<semaphore_mem>> -> memref<!tpu.dma_semaphore, #tpu.memory_space<semaphore_mem>>
    tpu.enqueue_indirect_dma source(%dma_start3A_98 : memref<128x64xf32, #tpu.memory_space<vmem>>) target(%dma_start3A_104 : memref<10240x64xf32, #tpu.memory_space<vmem_shared>>) offsets(%dma_start3A_101 : memref<128xi32, #tpu.memory_space<vmem>>) semaphore(%dma_start3A_106 : memref<!tpu.dma_semaphore, #tpu.memory_space<semaphore_mem>>) {add = true}
    %dma_wait3A_107 = arith.constant 0 : i32
    %dma_wait3A_108 = arith.constant 0 : i32
    %dma_wait3A_109 = arith.constant 0 : i32
    %dma_wait3A_110 = arith.constant 0 : i32
    %dma_wait3A_111 = tpu.memref_slice %arg17[%dma_wait3A_107, %dma_wait3A_109, %dma_wait3A_110] : memref<4x128x64xf32, #tpu.memory_space<vmem>> -> memref<1x128x64xf32, #tpu.memory_space<vmem>>
    %dma_wait3A_112 = tpu.memref_squeeze %dma_wait3A_111 : memref<1x128x64xf32, #tpu.memory_space<vmem>> -> memref<128x64xf32, #tpu.memory_space<vmem>>
    %dma_wait3A_113 = arith.constant 0 : i32
    %dma_wait3A_114 = arith.constant 0 : i32
    %dma_wait3A_115 = tpu.memref_slice %arg12[%dma_wait3A_113, %dma_wait3A_114] : memref<10240x64xf32, #tpu.memory_space<vmem_shared>> -> memref<128x64xf32, #tpu.memory_space<vmem_shared>>
    %dma_wait3A_116 = tpu.memref_slice %arg22[%dma_wait3A_108] : memref<4x!tpu.dma_semaphore, #tpu.memory_space<semaphore_mem>> -> memref<1x!tpu.dma_semaphore, #tpu.memory_space<semaphore_mem>>
    %dma_wait3A_117 = tpu.memref_squeeze %dma_wait3A_116 : memref<1x!tpu.dma_semaphore, #tpu.memory_space<semaphore_mem>> -> memref<!tpu.dma_semaphore, #tpu.memory_space<semaphore_mem>>
    %dma_wait3A_118 = arith.constant 0 : i32
    %dma_wait3A_119 = arith.constant 0 : i32
    %dma_wait3A_120 = tpu.memref_slice %arg12[%dma_wait3A_118, %dma_wait3A_119] : memref<10240x64xf32, #tpu.memory_space<vmem_shared>> -> memref<128x64xf32, #tpu.memory_space<vmem_shared>>
    %dma_wait3A_121 = arith.constant 0 : i32
    %dma_wait3A_122 = arith.constant 0 : i32
    %dma_wait3A_123 = tpu.memref_slice %arg17[%dma_wait3A_107, %dma_wait3A_121, %dma_wait3A_122] : memref<4x128x64xf32, #tpu.memory_space<vmem>> -> memref<1x128x64xf32, #tpu.memory_space<vmem>>
    %dma_wait3A_124 = tpu.memref_squeeze %dma_wait3A_123 : memref<1x128x64xf32, #tpu.memory_space<vmem>> -> memref<128x64xf32, #tpu.memory_space<vmem>>
    tpu.wait_dma2 semaphore(%dma_wait3A_117 : memref<!tpu.dma_semaphore, #tpu.memory_space<semaphore_mem>>) src(%dma_wait3A_124 : memref<128x64xf32, #tpu.memory_space<vmem>>) dst(%dma_wait3A_120 : memref<128x64xf32, #tpu.memory_space<vmem_shared>>)
    %dma_wait3A_125 = arith.constant 1 : i32
    %dma_wait3A_126 = arith.constant 1 : i32
    %dma_wait3A_127 = arith.constant 0 : i32
    %dma_wait3A_128 = arith.constant 0 : i32
    %dma_wait3A_129 = tpu.memref_slice %arg17[%dma_wait3A_125, %dma_wait3A_127, %dma_wait3A_128] : memref<4x128x64xf32, #tpu.memory_space<vmem>> -> memref<1x128x64xf32, #tpu.memory_space<vmem>>
    %dma_wait3A_130 = tpu.memref_squeeze %dma_wait3A_129 : memref<1x128x64xf32, #tpu.memory_space<vmem>> -> memref<128x64xf32, #tpu.memory_space<vmem>>
    %dma_wait3A_131 = arith.constant 0 : i32
    %dma_wait3A_132 = arith.constant 0 : i32
    %dma_wait3A_133 = tpu.memref_slice %arg12[%dma_wait3A_131, %dma_wait3A_132] : memref<10240x64xf32, #tpu.memory_space<vmem_shared>> -> memref<128x64xf32, #tpu.memory_space<vmem_shared>>
    %dma_wait3A_134 = tpu.memref_slice %arg22[%dma_wait3A_126] : memref<4x!tpu.dma_semaphore, #tpu.memory_space<semaphore_mem>> -> memref<1x!tpu.dma_semaphore, #tpu.memory_space<semaphore_mem>>
    %dma_wait3A_135 = tpu.memref_squeeze %dma_wait3A_134 : memref<1x!tpu.dma_semaphore, #tpu.memory_space<semaphore_mem>> -> memref<!tpu.dma_semaphore, #tpu.memory_space<semaphore_mem>>
    %dma_wait3A_136 = arith.constant 0 : i32
    %dma_wait3A_137 = arith.constant 0 : i32
    %dma_wait3A_138 = tpu.memref_slice %arg12[%dma_wait3A_136, %dma_wait3A_137] : memref<10240x64xf32, #tpu.memory_space<vmem_shared>> -> memref<128x64xf32, #tpu.memory_space<vmem_shared>>
    %dma_wait3A_139 = arith.constant 0 : i32
    %dma_wait3A_140 = arith.constant 0 : i32
    %dma_wait3A_141 = tpu.memref_slice %arg17[%dma_wait3A_125, %dma_wait3A_139, %dma_wait3A_140] : memref<4x128x64xf32, #tpu.memory_space<vmem>> -> memref<1x128x64xf32, #tpu.memory_space<vmem>>
    %dma_wait3A_142 = tpu.memref_squeeze %dma_wait3A_141 : memref<1x128x64xf32, #tpu.memory_space<vmem>> -> memref<128x64xf32, #tpu.memory_space<vmem>>
    tpu.wait_dma2 semaphore(%dma_wait3A_135 : memref<!tpu.dma_semaphore, #tpu.memory_space<semaphore_mem>>) src(%dma_wait3A_142 : memref<128x64xf32, #tpu.memory_space<vmem>>) dst(%dma_wait3A_138 : memref<128x64xf32, #tpu.memory_space<vmem_shared>>)
    %dma_wait3A_143 = arith.constant 2 : i32
    %dma_wait3A_144 = arith.constant 2 : i32
    %dma_wait3A_145 = arith.constant 0 : i32
    %dma_wait3A_146 = arith.constant 0 : i32
    %dma_wait3A_147 = tpu.memref_slice %arg17[%dma_wait3A_143, %dma_wait3A_145, %dma_wait3A_146] : memref<4x128x64xf32, #tpu.memory_space<vmem>> -> memref<1x128x64xf32, #tpu.memory_space<vmem>>
    %dma_wait3A_148 = tpu.memref_squeeze %dma_wait3A_147 : memref<1x128x64xf32, #tpu.memory_space<vmem>> -> memref<128x64xf32, #tpu.memory_space<vmem>>
    %dma_wait3A_149 = arith.constant 0 : i32
    %dma_wait3A_150 = arith.constant 0 : i32
    %dma_wait3A_151 = tpu.memref_slice %arg12[%dma_wait3A_149, %dma_wait3A_150] : memref<10240x64xf32, #tpu.memory_space<vmem_shared>> -> memref<128x64xf32, #tpu.memory_space<vmem_shared>>
    %dma_wait3A_152 = tpu.memref_slice %arg22[%dma_wait3A_144] : memref<4x!tpu.dma_semaphore, #tpu.memory_space<semaphore_mem>> -> memref<1x!tpu.dma_semaphore, #tpu.memory_space<semaphore_mem>>
    %dma_wait3A_153 = tpu.memref_squeeze %dma_wait3A_152 : memref<1x!tpu.dma_semaphore, #tpu.memory_space<semaphore_mem>> -> memref<!tpu.dma_semaphore, #tpu.memory_space<semaphore_mem>>
    %dma_wait3A_154 = arith.constant 0 : i32
    %dma_wait3A_155 = arith.constant 0 : i32
    %dma_wait3A_156 = tpu.memref_slice %arg12[%dma_wait3A_154, %dma_wait3A_155] : memref<10240x64xf32, #tpu.memory_space<vmem_shared>> -> memref<128x64xf32, #tpu.memory_space<vmem_shared>>
    %dma_wait3A_157 = arith.constant 0 : i32
    %dma_wait3A_158 = arith.constant 0 : i32
    %dma_wait3A_159 = tpu.memref_slice %arg17[%dma_wait3A_143, %dma_wait3A_157, %dma_wait3A_158] : memref<4x128x64xf32, #tpu.memory_space<vmem>> -> memref<1x128x64xf32, #tpu.memory_space<vmem>>
    %dma_wait3A_160 = tpu.memref_squeeze %dma_wait3A_159 : memref<1x128x64xf32, #tpu.memory_space<vmem>> -> memref<128x64xf32, #tpu.memory_space<vmem>>
    tpu.wait_dma2 semaphore(%dma_wait3A_153 : memref<!tpu.dma_semaphore, #tpu.memory_space<semaphore_mem>>) src(%dma_wait3A_160 : memref<128x64xf32, #tpu.memory_space<vmem>>) dst(%dma_wait3A_156 : memref<128x64xf32, #tpu.memory_space<vmem_shared>>)
    %dma_wait3A_161 = arith.constant 3 : i32
    %dma_wait3A_162 = arith.constant 3 : i32
    %dma_wait3A_163 = arith.constant 0 : i32
    %dma_wait3A_164 = arith.constant 0 : i32
    %dma_wait3A_165 = tpu.memref_slice %arg17[%dma_wait3A_161, %dma_wait3A_163, %dma_wait3A_164] : memref<4x128x64xf32, #tpu.memory_space<vmem>> -> memref<1x128x64xf32, #tpu.memory_space<vmem>>
    %dma_wait3A_166 = tpu.memref_squeeze %dma_wait3A_165 : memref<1x128x64xf32, #tpu.memory_space<vmem>> -> memref<128x64xf32, #tpu.memory_space<vmem>>
    %dma_wait3A_167 = arith.constant 0 : i32
    %dma_wait3A_168 = arith.constant 0 : i32
    %dma_wait3A_169 = tpu.memref_slice %arg12[%dma_wait3A_167, %dma_wait3A_168] : memref<10240x64xf32, #tpu.memory_space<vmem_shared>> -> memref<128x64xf32, #tpu.memory_space<vmem_shared>>
    %dma_wait3A_170 = tpu.memref_slice %arg22[%dma_wait3A_162] : memref<4x!tpu.dma_semaphore, #tpu.memory_space<semaphore_mem>> -> memref<1x!tpu.dma_semaphore, #tpu.memory_space<semaphore_mem>>
    %dma_wait3A_171 = tpu.memref_squeeze %dma_wait3A_170 : memref<1x!tpu.dma_semaphore, #tpu.memory_space<semaphore_mem>> -> memref<!tpu.dma_semaphore, #tpu.memory_space<semaphore_mem>>
    %dma_wait3A_172 = arith.constant 0 : i32
    %dma_wait3A_173 = arith.constant 0 : i32
    %dma_wait3A_174 = tpu.memref_slice %arg12[%dma_wait3A_172, %dma_wait3A_173] : memref<10240x64xf32, #tpu.memory_space<vmem_shared>> -> memref<128x64xf32, #tpu.memory_space<vmem_shared>>
    %dma_wait3A_175 = arith.constant 0 : i32
    %dma_wait3A_176 = arith.constant 0 : i32
    %dma_wait3A_177 = tpu.memref_slice %arg17[%dma_wait3A_161, %dma_wait3A_175, %dma_wait3A_176] : memref<4x128x64xf32, #tpu.memory_space<vmem>> -> memref<1x128x64xf32, #tpu.memory_space<vmem>>
    %dma_wait3A_178 = tpu.memref_squeeze %dma_wait3A_177 : memref<1x128x64xf32, #tpu.memory_space<vmem>> -> memref<128x64xf32, #tpu.memory_space<vmem>>
    tpu.wait_dma2 semaphore(%dma_wait3A_171 : memref<!tpu.dma_semaphore, #tpu.memory_space<semaphore_mem>>) src(%dma_wait3A_178 : memref<128x64xf32, #tpu.memory_space<vmem>>) dst(%dma_wait3A_174 : memref<128x64xf32, #tpu.memory_space<vmem_shared>>)
    %add3A = arith.constant 158 : i32
    %add3A_179 = arith.addi %add3A, %arg0 : i32
    %dma_wait3A_180 = arith.constant 0 : i32
    %dma_wait3A_181 = arith.constant 1 : i32
    %dma_wait3A_182 = arith.constant 1 : i32
    %dma_wait3A_183 = arith.constant 0 : i32
    %dma_wait3A_184 = arith.constant 0 : i32
    %dma_wait3A_185 = tpu.memref_slice %arg18[%dma_wait3A_181, %dma_wait3A_183, %dma_wait3A_184] : memref<2x128x16xf32, #tpu.memory_space<vmem>> -> memref<1x128x16xf32, #tpu.memory_space<vmem>>
    %dma_wait3A_186 = tpu.memref_squeeze %dma_wait3A_185 : memref<1x128x16xf32, #tpu.memory_space<vmem>> -> memref<128x16xf32, #tpu.memory_space<vmem>>
    %dma_wait3A_187 = arith.constant 0 : i32
    %dma_wait3A_188 = arith.constant 0 : i32
    %dma_wait3A_189 = tpu.memref_slice %arg5[%arg1, %dma_wait3A_180, %dma_wait3A_187, %dma_wait3A_188] : memref<16x160x128x16xf32, #tpu.memory_space<hbm>> -> memref<1x1x128x16xf32, #tpu.memory_space<hbm>>
    %dma_wait3A_190 = tpu.memref_squeeze %dma_wait3A_189 : memref<1x1x128x16xf32, #tpu.memory_space<hbm>> -> memref<128x16xf32, #tpu.memory_space<hbm>>
    %dma_wait3A_191 = tpu.memref_slice %arg23[%dma_wait3A_182] : memref<2x!tpu.dma_semaphore, #tpu.memory_space<semaphore_mem>> -> memref<1x!tpu.dma_semaphore, #tpu.memory_space<semaphore_mem>>
    %dma_wait3A_192 = tpu.memref_squeeze %dma_wait3A_191 : memref<1x!tpu.dma_semaphore, #tpu.memory_space<semaphore_mem>> -> memref<!tpu.dma_semaphore, #tpu.memory_space<semaphore_mem>>
    %dma_wait3A_193 = arith.constant 0 : i32
    %dma_wait3A_194 = arith.constant 0 : i32
    %dma_wait3A_195 = tpu.memref_slice %arg18[%dma_wait3A_181, %dma_wait3A_193, %dma_wait3A_194] : memref<2x128x16xf32, #tpu.memory_space<vmem>> -> memref<1x128x16xf32, #tpu.memory_space<vmem>>
    %dma_wait3A_196 = tpu.memref_squeeze %dma_wait3A_195 : memref<1x128x16xf32, #tpu.memory_space<vmem>> -> memref<128x16xf32, #tpu.memory_space<vmem>>
    %dma_wait3A_197 = arith.constant 0 : i32
    %dma_wait3A_198 = arith.constant 0 : i32
    %dma_wait3A_199 = tpu.memref_slice %arg5[%arg1, %dma_wait3A_180, %dma_wait3A_197, %dma_wait3A_198] : memref<16x160x128x16xf32, #tpu.memory_space<hbm>> -> memref<1x1x128x16xf32, #tpu.memory_space<hbm>>
    %dma_wait3A_200 = tpu.memref_squeeze %dma_wait3A_199 : memref<1x1x128x16xf32, #tpu.memory_space<hbm>> -> memref<128x16xf32, #tpu.memory_space<hbm>>
    tpu.wait_dma2 semaphore(%dma_wait3A_192 : memref<!tpu.dma_semaphore, #tpu.memory_space<semaphore_mem>>) src(%dma_wait3A_200 : memref<128x16xf32, #tpu.memory_space<hbm>>) dst(%dma_wait3A_196 : memref<128x16xf32, #tpu.memory_space<vmem>>)
    %jit3A = arith.constant 8 : i32
    %div3A = arith.divsi %add3A_179, %jit3A : i32
    %sign3A = arith.constant 0 : i32
    %sign3A_201 = arith.cmpi sgt, %add3A_179, %sign3A : i32
    %sign3A_202 = arith.extui %sign3A_201 : i1 to i32
    %sign3A_203 = arith.constant 0 : i32
    %sign3A_204 = arith.cmpi slt, %add3A_179, %sign3A_203 : i32
    %sign3A_205 = arith.extui %sign3A_204 : i1 to i32
    %sign3A_206 = arith.subi %sign3A_202, %sign3A_205 : i32
    %sign3A_207 = arith.constant 0 : i32
    %sign3A_208 = arith.cmpi sgt, %jit3A, %sign3A_207 : i32
    %sign3A_209 = arith.extui %sign3A_208 : i1 to i32
    %sign3A_210 = arith.constant 0 : i32
    %sign3A_211 = arith.cmpi slt, %jit3A, %sign3A_210 : i32
    %sign3A_212 = arith.extui %sign3A_211 : i1 to i32
    %sign3A_213 = arith.subi %sign3A_209, %sign3A_212 : i32
    %ne3A = arith.cmpi ne, %sign3A_206, %sign3A_213 : i32
    %rem3A = arith.remsi %add3A_179, %jit3A : i32
    %ne3A_214 = arith.constant 0 : i32
    %ne3A_215 = arith.cmpi ne, %rem3A, %ne3A_214 : i32
    %and3A = arith.andi %ne3A, %ne3A_215 : i1
    %sub3A = arith.constant 1 : i32
    %sub3A_216 = arith.subi %div3A, %sub3A : i32
    %select_n3A = arith.select %and3A, %sub3A_216, %div3A : i32
    %rem3A_217 = arith.constant 4 : i32
    %rem3A_218 = arith.remsi %select_n3A, %rem3A_217 : i32
    %rem3A_219 = arith.constant 8 : i32
    %rem3A_220 = arith.remsi %add3A_179, %rem3A_219 : i32
    %dma_start3A_221 = arith.constant 1 : i32
    %dma_start3A_222 = arith.constant 1 : i32
    %dma_start3A_223 = arith.constant 0 : i32
    %dma_start3A_224 = arith.constant 0 : i32
    %dma_start3A_225 = tpu.memref_slice %arg18[%dma_start3A_221, %dma_start3A_223, %dma_start3A_224] : memref<2x128x16xf32, #tpu.memory_space<vmem>> -> memref<1x128x16xf32, #tpu.memory_space<vmem>>
    %dma_start3A_226 = tpu.memref_squeeze %dma_start3A_225 : memref<1x128x16xf32, #tpu.memory_space<vmem>> -> memref<128x16xf32, #tpu.memory_space<vmem>>
    %dma_start3A_227 = arith.constant 0 : i32
    %dma_start3A_228 = tpu.memref_slice %arg16[%rem3A_218, %rem3A_220, %dma_start3A_227] : memref<4x8x128xi32, #tpu.memory_space<vmem>> -> memref<1x1x128xi32, #tpu.memory_space<vmem>>
    %dma_start3A_229 = tpu.memref_squeeze %dma_start3A_228 : memref<1x1x128xi32, #tpu.memory_space<vmem>> -> memref<128xi32, #tpu.memory_space<vmem>>
    %dma_start3A_230 = arith.constant 0 : i32
    %dma_start3A_231 = arith.constant 0 : i32
    %dma_start3A_232 = tpu.memref_slice %arg13[%dma_start3A_230, %dma_start3A_231] : memref<10240x16xf32, #tpu.memory_space<vmem_shared>> -> memref<10240x16xf32, #tpu.memory_space<vmem_shared>>
    %dma_start3A_233 = tpu.memref_slice %arg24[%dma_start3A_222] : memref<2x!tpu.dma_semaphore, #tpu.memory_space<semaphore_mem>> -> memref<1x!tpu.dma_semaphore, #tpu.memory_space<semaphore_mem>>
    %dma_start3A_234 = tpu.memref_squeeze %dma_start3A_233 : memref<1x!tpu.dma_semaphore, #tpu.memory_space<semaphore_mem>> -> memref<!tpu.dma_semaphore, #tpu.memory_space<semaphore_mem>>
    tpu.enqueue_indirect_dma source(%dma_start3A_226 : memref<128x16xf32, #tpu.memory_space<vmem>>) target(%dma_start3A_232 : memref<10240x16xf32, #tpu.memory_space<vmem_shared>>) offsets(%dma_start3A_229 : memref<128xi32, #tpu.memory_space<vmem>>) semaphore(%dma_start3A_234 : memref<!tpu.dma_semaphore, #tpu.memory_space<semaphore_mem>>) {add = true}
    %dma_wait3A_235 = arith.constant 0 : i32
    %dma_wait3A_236 = arith.constant 0 : i32
    %dma_wait3A_237 = tpu.memref_slice %arg14[%dma_wait3A_235, %dma_wait3A_236] : memref<10240x16xf32, #tpu.memory_space<vmem_shared>> -> memref<128x16xf32, #tpu.memory_space<vmem_shared>>
    tpu.wait_dma2 semaphore(%arg25 : memref<!tpu.dma_semaphore, #tpu.memory_space<semaphore_mem>>) src(%arg6 : memref<128x16xf32, #tpu.memory_space<hbm>>) dst(%dma_wait3A_237 : memref<128x16xf32, #tpu.memory_space<vmem_shared>>)
    %dma_start3A_238 = arith.constant 0 : i32
    %dma_start3A_239 = tpu.memref_slice %arg16[%rem3A_218, %rem3A_220, %dma_start3A_238] : memref<4x8x128xi32, #tpu.memory_space<vmem>> -> memref<1x1x128xi32, #tpu.memory_space<vmem>>
    %dma_start3A_240 = tpu.memref_squeeze %dma_start3A_239 : memref<1x1x128xi32, #tpu.memory_space<vmem>> -> memref<128xi32, #tpu.memory_space<vmem>>
    %dma_start3A_241 = arith.constant 0 : i32
    %dma_start3A_242 = arith.constant 0 : i32
    %dma_start3A_243 = tpu.memref_slice %arg14[%dma_start3A_241, %dma_start3A_242] : memref<10240x16xf32, #tpu.memory_space<vmem_shared>> -> memref<10240x16xf32, #tpu.memory_space<vmem_shared>>
    tpu.enqueue_indirect_dma source(%arg19 : memref<128x16xf32, #tpu.memory_space<vmem>>) target(%dma_start3A_243 : memref<10240x16xf32, #tpu.memory_space<vmem_shared>>) offsets(%dma_start3A_240 : memref<128xi32, #tpu.memory_space<vmem>>) semaphore(%arg25 : memref<!tpu.dma_semaphore, #tpu.memory_space<semaphore_mem>>) {add = true}
    %dma_wait3A_244 = arith.constant 0 : i32
    %dma_wait3A_245 = arith.constant 0 : i32
    %dma_wait3A_246 = arith.constant 0 : i32
    %dma_wait3A_247 = arith.constant 0 : i32
    %dma_wait3A_248 = tpu.memref_slice %arg18[%dma_wait3A_244, %dma_wait3A_246, %dma_wait3A_247] : memref<2x128x16xf32, #tpu.memory_space<vmem>> -> memref<1x128x16xf32, #tpu.memory_space<vmem>>
    %dma_wait3A_249 = tpu.memref_squeeze %dma_wait3A_248 : memref<1x128x16xf32, #tpu.memory_space<vmem>> -> memref<128x16xf32, #tpu.memory_space<vmem>>
    %dma_wait3A_250 = arith.constant 0 : i32
    %dma_wait3A_251 = arith.constant 0 : i32
    %dma_wait3A_252 = tpu.memref_slice %arg13[%dma_wait3A_250, %dma_wait3A_251] : memref<10240x16xf32, #tpu.memory_space<vmem_shared>> -> memref<128x16xf32, #tpu.memory_space<vmem_shared>>
    %dma_wait3A_253 = tpu.memref_slice %arg24[%dma_wait3A_245] : memref<2x!tpu.dma_semaphore, #tpu.memory_space<semaphore_mem>> -> memref<1x!tpu.dma_semaphore, #tpu.memory_space<semaphore_mem>>
    %dma_wait3A_254 = tpu.memref_squeeze %dma_wait3A_253 : memref<1x!tpu.dma_semaphore, #tpu.memory_space<semaphore_mem>> -> memref<!tpu.dma_semaphore, #tpu.memory_space<semaphore_mem>>
    %dma_wait3A_255 = arith.constant 0 : i32
    %dma_wait3A_256 = arith.constant 0 : i32
    %dma_wait3A_257 = tpu.memref_slice %arg13[%dma_wait3A_255, %dma_wait3A_256] : memref<10240x16xf32, #tpu.memory_space<vmem_shared>> -> memref<128x16xf32, #tpu.memory_space<vmem_shared>>
    %dma_wait3A_258 = arith.constant 0 : i32
    %dma_wait3A_259 = arith.constant 0 : i32
    %dma_wait3A_260 = tpu.memref_slice %arg18[%dma_wait3A_244, %dma_wait3A_258, %dma_wait3A_259] : memref<2x128x16xf32, #tpu.memory_space<vmem>> -> memref<1x128x16xf32, #tpu.memory_space<vmem>>
    %dma_wait3A_261 = tpu.memref_squeeze %dma_wait3A_260 : memref<1x128x16xf32, #tpu.memory_space<vmem>> -> memref<128x16xf32, #tpu.memory_space<vmem>>
    tpu.wait_dma2 semaphore(%dma_wait3A_254 : memref<!tpu.dma_semaphore, #tpu.memory_space<semaphore_mem>>) src(%dma_wait3A_261 : memref<128x16xf32, #tpu.memory_space<vmem>>) dst(%dma_wait3A_257 : memref<128x16xf32, #tpu.memory_space<vmem_shared>>)
    %dma_wait3A_262 = arith.constant 0 : i32
    %dma_wait3A_263 = arith.constant 0 : i32
    %dma_wait3A_264 = tpu.memref_slice %arg14[%dma_wait3A_262, %dma_wait3A_263] : memref<10240x16xf32, #tpu.memory_space<vmem_shared>> -> memref<128x16xf32, #tpu.memory_space<vmem_shared>>
    tpu.wait_dma2 semaphore(%arg25 : memref<!tpu.dma_semaphore, #tpu.memory_space<semaphore_mem>>) src(%arg6 : memref<128x16xf32, #tpu.memory_space<hbm>>) dst(%dma_wait3A_264 : memref<128x16xf32, #tpu.memory_space<vmem_shared>>)
    %dma_wait3A_265 = arith.constant 1 : i32
    %dma_wait3A_266 = arith.constant 1 : i32
    %dma_wait3A_267 = arith.constant 0 : i32
    %dma_wait3A_268 = arith.constant 0 : i32
    %dma_wait3A_269 = tpu.memref_slice %arg18[%dma_wait3A_265, %dma_wait3A_267, %dma_wait3A_268] : memref<2x128x16xf32, #tpu.memory_space<vmem>> -> memref<1x128x16xf32, #tpu.memory_space<vmem>>
    %dma_wait3A_270 = tpu.memref_squeeze %dma_wait3A_269 : memref<1x128x16xf32, #tpu.memory_space<vmem>> -> memref<128x16xf32, #tpu.memory_space<vmem>>
    %dma_wait3A_271 = arith.constant 0 : i32
    %dma_wait3A_272 = arith.constant 0 : i32
    %dma_wait3A_273 = tpu.memref_slice %arg13[%dma_wait3A_271, %dma_wait3A_272] : memref<10240x16xf32, #tpu.memory_space<vmem_shared>> -> memref<128x16xf32, #tpu.memory_space<vmem_shared>>
    %dma_wait3A_274 = tpu.memref_slice %arg24[%dma_wait3A_266] : memref<2x!tpu.dma_semaphore, #tpu.memory_space<semaphore_mem>> -> memref<1x!tpu.dma_semaphore, #tpu.memory_space<semaphore_mem>>
    %dma_wait3A_275 = tpu.memref_squeeze %dma_wait3A_274 : memref<1x!tpu.dma_semaphore, #tpu.memory_space<semaphore_mem>> -> memref<!tpu.dma_semaphore, #tpu.memory_space<semaphore_mem>>
    %dma_wait3A_276 = arith.constant 0 : i32
    %dma_wait3A_277 = arith.constant 0 : i32
    %dma_wait3A_278 = tpu.memref_slice %arg13[%dma_wait3A_276, %dma_wait3A_277] : memref<10240x16xf32, #tpu.memory_space<vmem_shared>> -> memref<128x16xf32, #tpu.memory_space<vmem_shared>>
    %dma_wait3A_279 = arith.constant 0 : i32
    %dma_wait3A_280 = arith.constant 0 : i32
    %dma_wait3A_281 = tpu.memref_slice %arg18[%dma_wait3A_265, %dma_wait3A_279, %dma_wait3A_280] : memref<2x128x16xf32, #tpu.memory_space<vmem>> -> memref<1x128x16xf32, #tpu.memory_space<vmem>>
    %dma_wait3A_282 = tpu.memref_squeeze %dma_wait3A_281 : memref<1x128x16xf32, #tpu.memory_space<vmem>> -> memref<128x16xf32, #tpu.memory_space<vmem>>
    tpu.wait_dma2 semaphore(%dma_wait3A_275 : memref<!tpu.dma_semaphore, #tpu.memory_space<semaphore_mem>>) src(%dma_wait3A_282 : memref<128x16xf32, #tpu.memory_space<vmem>>) dst(%dma_wait3A_278 : memref<128x16xf32, #tpu.memory_space<vmem_shared>>)
    %dma_wait3A_283 = arith.constant 0 : i32
    %dma_wait3A_284 = arith.constant 0 : i32
    %dma_wait3A_285 = tpu.memref_slice %arg14[%dma_wait3A_283, %dma_wait3A_284] : memref<10240x16xf32, #tpu.memory_space<vmem_shared>> -> memref<128x16xf32, #tpu.memory_space<vmem_shared>>
    tpu.wait_dma2 semaphore(%arg25 : memref<!tpu.dma_semaphore, #tpu.memory_space<semaphore_mem>>) src(%arg6 : memref<128x16xf32, #tpu.memory_space<hbm>>) dst(%dma_wait3A_285 : memref<128x16xf32, #tpu.memory_space<vmem_shared>>)
    %barrier3A_286 = arith.constant 0 : index
    tpu.barrier barrier_id(%barrier3A_286)
    "tpu.region"() ({
      %run_scoped3A_287 = tpu.sem_alloc : memref<!tpu.dma_semaphore, #tpu.memory_space<semaphore_mem>>
      %dma_start3A_288 = arith.constant 0 : i32
      %dma_start3A_289 = tpu.memref_slice %arg9[%arg0, %mul3A_0, %dma_start3A_288] : memref<2x10240x64xf32, #tpu.memory_space<hbm>> -> memref<1x640x64xf32, #tpu.memory_space<hbm>>
      %dma_start3A_290 = tpu.memref_squeeze %dma_start3A_289 : memref<1x640x64xf32, #tpu.memory_space<hbm>> -> memref<640x64xf32, #tpu.memory_space<hbm>>
      %dma_start3A_291 = arith.constant 0 : i32
      %dma_start3A_292 = tpu.memref_slice %arg12[%mul3A_0, %dma_start3A_291] : memref<10240x64xf32, #tpu.memory_space<vmem_shared>> -> memref<640x64xf32, #tpu.memory_space<vmem_shared>>
      tpu.enqueue_dma source(%dma_start3A_292 : memref<640x64xf32, #tpu.memory_space<vmem_shared>>) target(%dma_start3A_290 : memref<640x64xf32, #tpu.memory_space<hbm>>) target_semaphore(%run_scoped3A_287 : memref<!tpu.dma_semaphore, #tpu.memory_space<semaphore_mem>>)
      %dma_wait3A_293 = arith.constant 0 : i32
      %dma_wait3A_294 = tpu.memref_slice %arg9[%arg0, %mul3A_0, %dma_wait3A_293] : memref<2x10240x64xf32, #tpu.memory_space<hbm>> -> memref<1x640x64xf32, #tpu.memory_space<hbm>>
      %dma_wait3A_295 = tpu.memref_squeeze %dma_wait3A_294 : memref<1x640x64xf32, #tpu.memory_space<hbm>> -> memref<640x64xf32, #tpu.memory_space<hbm>>
      %dma_wait3A_296 = arith.constant 0 : i32
      %dma_wait3A_297 = tpu.memref_slice %arg12[%mul3A_0, %dma_wait3A_296] : memref<10240x64xf32, #tpu.memory_space<vmem_shared>> -> memref<640x64xf32, #tpu.memory_space<vmem_shared>>
      tpu.wait_dma2 semaphore(%run_scoped3A_287 : memref<!tpu.dma_semaphore, #tpu.memory_space<semaphore_mem>>) src(%dma_wait3A_297 : memref<640x64xf32, #tpu.memory_space<vmem_shared>>) dst(%dma_wait3A_295 : memref<640x64xf32, #tpu.memory_space<hbm>>)
      tpu.yield
    }) : () -> ()
    "tpu.region"() ({
      %run_scoped3A_287 = tpu.sem_alloc : memref<!tpu.dma_semaphore, #tpu.memory_space<semaphore_mem>>
      %dma_start3A_288 = arith.constant 0 : i32
      %dma_start3A_289 = tpu.memref_slice %arg10[%arg0, %mul3A_0, %dma_start3A_288] : memref<2x10240x16xf32, #tpu.memory_space<hbm>> -> memref<1x640x16xf32, #tpu.memory_space<hbm>>
      %dma_start3A_290 = tpu.memref_squeeze %dma_start3A_289 : memref<1x640x16xf32, #tpu.memory_space<hbm>> -> memref<640x16xf32, #tpu.memory_space<hbm>>
      %dma_start3A_291 = arith.constant 0 : i32
      %dma_start3A_292 = tpu.memref_slice %arg13[%mul3A_0, %dma_start3A_291] : memref<10240x16xf32, #tpu.memory_space<vmem_shared>> -> memref<640x16xf32, #tpu.memory_space<vmem_shared>>
      tpu.enqueue_dma source(%dma_start3A_292 : memref<640x16xf32, #tpu.memory_space<vmem_shared>>) target(%dma_start3A_290 : memref<640x16xf32, #tpu.memory_space<hbm>>) target_semaphore(%run_scoped3A_287 : memref<!tpu.dma_semaphore, #tpu.memory_space<semaphore_mem>>)
      %dma_wait3A_293 = arith.constant 0 : i32
      %dma_wait3A_294 = tpu.memref_slice %arg10[%arg0, %mul3A_0, %dma_wait3A_293] : memref<2x10240x16xf32, #tpu.memory_space<hbm>> -> memref<1x640x16xf32, #tpu.memory_space<hbm>>
      %dma_wait3A_295 = tpu.memref_squeeze %dma_wait3A_294 : memref<1x640x16xf32, #tpu.memory_space<hbm>> -> memref<640x16xf32, #tpu.memory_space<hbm>>
      %dma_wait3A_296 = arith.constant 0 : i32
      %dma_wait3A_297 = tpu.memref_slice %arg13[%mul3A_0, %dma_wait3A_296] : memref<10240x16xf32, #tpu.memory_space<vmem_shared>> -> memref<640x16xf32, #tpu.memory_space<vmem_shared>>
      tpu.wait_dma2 semaphore(%run_scoped3A_287 : memref<!tpu.dma_semaphore, #tpu.memory_space<semaphore_mem>>) src(%dma_wait3A_297 : memref<640x16xf32, #tpu.memory_space<vmem_shared>>) dst(%dma_wait3A_295 : memref<640x16xf32, #tpu.memory_space<hbm>>)
      tpu.yield
    }) : () -> ()
    "tpu.region"() ({
      %run_scoped3A_287 = tpu.sem_alloc : memref<!tpu.dma_semaphore, #tpu.memory_space<semaphore_mem>>
      %dma_start3A_288 = arith.constant 0 : i32
      %dma_start3A_289 = tpu.memref_slice %arg11[%arg0, %mul3A_0, %dma_start3A_288] : memref<2x10240x16xf32, #tpu.memory_space<hbm>> -> memref<1x640x16xf32, #tpu.memory_space<hbm>>
      %dma_start3A_290 = tpu.memref_squeeze %dma_start3A_289 : memref<1x640x16xf32, #tpu.memory_space<hbm>> -> memref<640x16xf32, #tpu.memory_space<hbm>>
      %dma_start3A_291 = arith.constant 0 : i32
      %dma_start3A_292 = tpu.memref_slice %arg14[%mul3A_0, %dma_start3A_291] : memref<10240x16xf32, #tpu.memory_space<vmem_shared>> -> memref<640x16xf32, #tpu.memory_space<vmem_shared>>
      tpu.enqueue_dma source(%dma_start3A_292 : memref<640x16xf32, #tpu.memory_space<vmem_shared>>) target(%dma_start3A_290 : memref<640x16xf32, #tpu.memory_space<hbm>>) target_semaphore(%run_scoped3A_287 : memref<!tpu.dma_semaphore, #tpu.memory_space<semaphore_mem>>)
      %dma_wait3A_293 = arith.constant 0 : i32
      %dma_wait3A_294 = tpu.memref_slice %arg11[%arg0, %mul3A_0, %dma_wait3A_293] : memref<2x10240x16xf32, #tpu.memory_space<hbm>> -> memref<1x640x16xf32, #tpu.memory_space<hbm>>
      %dma_wait3A_295 = tpu.memref_squeeze %dma_wait3A_294 : memref<1x640x16xf32, #tpu.memory_space<hbm>> -> memref<640x16xf32, #tpu.memory_space<hbm>>
      %dma_wait3A_296 = arith.constant 0 : i32
      %dma_wait3A_297 = tpu.memref_slice %arg14[%mul3A_0, %dma_wait3A_296] : memref<10240x16xf32, #tpu.memory_space<vmem_shared>> -> memref<640x16xf32, #tpu.memory_space<vmem_shared>>
      tpu.wait_dma2 semaphore(%run_scoped3A_287 : memref<!tpu.dma_semaphore, #tpu.memory_space<semaphore_mem>>) src(%dma_wait3A_297 : memref<640x16xf32, #tpu.memory_space<vmem_shared>>) dst(%dma_wait3A_295 : memref<640x16xf32, #tpu.memory_space<hbm>>)
      tpu.yield
    }) : () -> ()
    return
  }
}

module attributes {stable_mosaic.version = 14 : i64} {
  func.func @_tc_dense_body(%arg0: i32, %arg1: memref<2x1000x64xf32, #tpu.memory_space<vmem>>, %arg2: memref<2x1000x16xf32, #tpu.memory_space<vmem>>, %arg3: memref<2x1000x16xf32, #tpu.memory_space<vmem>>, %arg4: memref<1000x128xf32, #tpu.memory_space<vmem>>, %arg5: memref<128x128xf32, #tpu.memory_space<vmem>>, %arg6: memref<16x128xf32, #tpu.memory_space<vmem>>, %arg7: memref<128x128xf32, #tpu.memory_space<vmem>>, %arg8: memref<128x128xf32, #tpu.memory_space<vmem>>, %arg9: memref<1x128xf32, #tpu.memory_space<vmem>>, %arg10: memref<1x128xf32, #tpu.memory_space<vmem>>, %arg11: memref<1000x128xf32, #tpu.memory_space<vmem>>) attributes {dimension_semantics = [#tpu.dimension_semantics<arbitrary>], iteration_bounds = array<i64: 10>, scalar_prefetch = 0 : i64, scratch_operands = 0 : i64, tpu.core_type = #tpu.core_type<tc>, window_params = [{transform_indices = @transform_0, window_bounds = array<i64: 2, 1000, 64>}, {transform_indices = @transform_1, window_bounds = array<i64: 2, 1000, 16>}, {transform_indices = @transform_2, window_bounds = array<i64: 2, 1000, 16>}, {transform_indices = @transform_3, window_bounds = array<i64: 1000, 128>}, {pipeline_mode = #tpu.pipeline_mode<synchronous>, transform_indices = @transform_4, window_bounds = array<i64: 128, 128>}, {pipeline_mode = #tpu.pipeline_mode<synchronous>, transform_indices = @transform_5, window_bounds = array<i64: 16, 128>}, {pipeline_mode = #tpu.pipeline_mode<synchronous>, transform_indices = @transform_6, window_bounds = array<i64: 128, 128>}, {pipeline_mode = #tpu.pipeline_mode<synchronous>, transform_indices = @transform_7, window_bounds = array<i64: 128, 128>}, {pipeline_mode = #tpu.pipeline_mode<synchronous>, transform_indices = @transform_8, window_bounds = array<i64: 1, 128>}, {pipeline_mode = #tpu.pipeline_mode<synchronous>, transform_indices = @transform_9, window_bounds = array<i64: 1, 128>}, {transform_indices = @transform_10, window_bounds = array<i64: 1000, 128>}]} {
    %get3A = arith.constant 0 : index
    %get3A_0 = arith.constant 0 : index
    %get3A_1 = arith.constant 0 : index
    %get3A_2 = vector.load %arg1[%get3A, %get3A_0, %get3A_1] : memref<2x1000x64xf32, #tpu.memory_space<vmem>>, vector<1x1000x64xf32>
    %get3A_3 = vector.shape_cast %get3A_2 : vector<1x1000x64xf32> to vector<1000x64xf32>
    %get3A_4 = arith.constant 1 : index
    %get3A_5 = arith.constant 0 : index
    %get3A_6 = arith.constant 0 : index
    %get3A_7 = vector.load %arg1[%get3A_4, %get3A_5, %get3A_6] : memref<2x1000x64xf32, #tpu.memory_space<vmem>>, vector<1x1000x64xf32>
    %get3A_8 = vector.shape_cast %get3A_7 : vector<1x1000x64xf32> to vector<1000x64xf32>
    %concatenate3A = tpu.concatenate %get3A_3, %get3A_8 in 1 : vector<1000x64xf32>, vector<1000x64xf32> -> vector<1000x128xf32>
    %get3A_9 = arith.constant 0 : index
    %get3A_10 = arith.constant 0 : index
    %get3A_11 = arith.constant 0 : index
    %get3A_12 = vector.load %arg2[%get3A_9, %get3A_10, %get3A_11] : memref<2x1000x16xf32, #tpu.memory_space<vmem>>, vector<1x1000x16xf32>
    %get3A_13 = vector.shape_cast %get3A_12 : vector<1x1000x16xf32> to vector<1000x16xf32>
    %get3A_14 = arith.constant 1 : index
    %get3A_15 = arith.constant 0 : index
    %get3A_16 = arith.constant 0 : index
    %get3A_17 = vector.load %arg2[%get3A_14, %get3A_15, %get3A_16] : memref<2x1000x16xf32, #tpu.memory_space<vmem>>, vector<1x1000x16xf32>
    %get3A_18 = vector.shape_cast %get3A_17 : vector<1x1000x16xf32> to vector<1000x16xf32>
    %add3A = arith.addf %get3A_13, %get3A_18 : vector<1000x16xf32>
    %get3A_19 = arith.constant 0 : index
    %get3A_20 = arith.constant 0 : index
    %get3A_21 = arith.constant 0 : index
    %get3A_22 = vector.load %arg3[%get3A_19, %get3A_20, %get3A_21] : memref<2x1000x16xf32, #tpu.memory_space<vmem>>, vector<1x1000x16xf32>
    %get3A_23 = vector.shape_cast %get3A_22 : vector<1x1000x16xf32> to vector<1000x16xf32>
    %get3A_24 = arith.constant 1 : index
    %get3A_25 = arith.constant 0 : index
    %get3A_26 = arith.constant 0 : index
    %get3A_27 = vector.load %arg3[%get3A_24, %get3A_25, %get3A_26] : memref<2x1000x16xf32, #tpu.memory_space<vmem>>, vector<1x1000x16xf32>
    %get3A_28 = vector.shape_cast %get3A_27 : vector<1x1000x16xf32> to vector<1000x16xf32>
    %add3A_29 = arith.addf %get3A_23, %get3A_28 : vector<1000x16xf32>
    %slice3A = vector.extract_strided_slice %add3A_29 {offsets = [0, 0], sizes = [1000, 1], strides = [1, 1]} : vector<1000x16xf32> to vector<1000x1xf32>
    %get3A_30 = arith.constant 0 : index
    %get3A_31 = arith.constant 0 : index
    %get3A_32 = vector.load %arg5[%get3A_30, %get3A_31] : memref<128x128xf32, #tpu.memory_space<vmem>>, vector<128x128xf32>
    %dot_general3A = arith.constant dense<0.000000e+00> : vector<1000x128xf32>
    %dot_general3A_33 = tpu.matmul %concatenate3A, %get3A_32, %dot_general3A {dimension_numbers = #tpu.dot_dimension_numbers<[1], [0], [0], [1], [0, 0, 1, 1], [], []>, transpose_lhs_hint = false} : vector<1000x128xf32>, vector<128x128xf32>, vector<1000x128xf32> -> vector<1000x128xf32>
    %get3A_34 = arith.constant 0 : index
    %get3A_35 = arith.constant 0 : index
    %get3A_36 = vector.load %arg6[%get3A_34, %get3A_35] : memref<16x128xf32, #tpu.memory_space<vmem>>, vector<16x128xf32>
    %dot_general3A_37 = arith.constant dense<0.000000e+00> : vector<1000x128xf32>
    %dot_general3A_38 = tpu.matmul %add3A, %get3A_36, %dot_general3A_37 {dimension_numbers = #tpu.dot_dimension_numbers<[1], [0], [0], [1], [0, 0, 1, 1], [], []>, transpose_lhs_hint = false} : vector<1000x16xf32>, vector<16x128xf32>, vector<1000x128xf32> -> vector<1000x128xf32>
    %add3A_39 = arith.addf %dot_general3A_33, %dot_general3A_38 : vector<1000x128xf32>
    %get3A_40 = arith.constant 0 : index
    %get3A_41 = arith.constant 0 : index
    %get3A_42 = vector.load %arg9[%get3A_40, %get3A_41] : memref<1x128xf32, #tpu.memory_space<vmem>>, vector<1x128xf32>
    %mul3A = vector.broadcast %slice3A : vector<1000x1xf32> to vector<1000x128xf32>
    %mul3A_43 = vector.broadcast %get3A_42 : vector<1x128xf32> to vector<1000x128xf32>
    %mul3A_44 = arith.mulf %mul3A, %mul3A_43 : vector<1000x128xf32>
    %add3A_45 = arith.addf %add3A_39, %mul3A_44 : vector<1000x128xf32>
    %max3A = arith.constant 1.000000e+00 : f32
    %max3A_46 = vector.broadcast %max3A : f32 to vector<1000x1xf32>
    %max3A_47 = arith.maximumf %slice3A, %max3A_46 : vector<1000x1xf32>
    %div3A = vector.broadcast %max3A_47 : vector<1000x1xf32> to vector<1000x128xf32>
    %div3A_48 = arith.divf %add3A_45, %div3A : vector<1000x128xf32>
    %get3A_49 = arith.constant 0 : index
    %get3A_50 = arith.constant 0 : index
    %get3A_51 = vector.load %arg4[%get3A_49, %get3A_50] : memref<1000x128xf32, #tpu.memory_space<vmem>>, vector<1000x128xf32>
    %get3A_52 = arith.constant 0 : index
    %get3A_53 = arith.constant 0 : index
    %get3A_54 = vector.load %arg7[%get3A_52, %get3A_53] : memref<128x128xf32, #tpu.memory_space<vmem>>, vector<128x128xf32>
    %dot_general3A_55 = arith.constant dense<0.000000e+00> : vector<1000x128xf32>
    %dot_general3A_56 = tpu.matmul %get3A_51, %get3A_54, %dot_general3A_55 {dimension_numbers = #tpu.dot_dimension_numbers<[1], [0], [0], [1], [0, 0, 1, 1], [], []>, transpose_lhs_hint = false} : vector<1000x128xf32>, vector<128x128xf32>, vector<1000x128xf32> -> vector<1000x128xf32>
    %get3A_57 = arith.constant 0 : index
    %get3A_58 = arith.constant 0 : index
    %get3A_59 = vector.load %arg8[%get3A_57, %get3A_58] : memref<128x128xf32, #tpu.memory_space<vmem>>, vector<128x128xf32>
    %dot_general3A_60 = arith.constant dense<0.000000e+00> : vector<1000x128xf32>
    %dot_general3A_61 = tpu.matmul %div3A_48, %get3A_59, %dot_general3A_60 {dimension_numbers = #tpu.dot_dimension_numbers<[1], [0], [0], [1], [0, 0, 1, 1], [], []>, transpose_lhs_hint = false} : vector<1000x128xf32>, vector<128x128xf32>, vector<1000x128xf32> -> vector<1000x128xf32>
    %add3A_62 = arith.addf %dot_general3A_56, %dot_general3A_61 : vector<1000x128xf32>
    %get3A_63 = arith.constant 0 : index
    %get3A_64 = arith.constant 0 : index
    %get3A_65 = vector.load %arg10[%get3A_63, %get3A_64] : memref<1x128xf32, #tpu.memory_space<vmem>>, vector<1x128xf32>
    %add3A_66 = vector.broadcast %get3A_65 : vector<1x128xf32> to vector<1000x128xf32>
    %add3A_67 = arith.addf %add3A_62, %add3A_66 : vector<1000x128xf32>
    %max3A_68 = arith.constant 0.000000e+00 : f32
    %max3A_69 = vector.broadcast %max3A_68 : f32 to vector<1000x128xf32>
    %max3A_70 = arith.maximumf %add3A_67, %max3A_69 : vector<1000x128xf32>
    %swap3A = arith.constant 0 : index
    %swap3A_71 = arith.constant 0 : index
    %swap3A_72 = vector.load %arg11[%swap3A, %swap3A_71] : memref<1000x128xf32, #tpu.memory_space<vmem>>, vector<1000x128xf32>
    tpu.vector_store %arg11[%swap3A, %swap3A_71], %max3A_70 {strides = array<i32>} : memref<1000x128xf32, #tpu.memory_space<vmem>>, vector<1000x128xf32>,
    return
  }
  func.func @transform_0(%arg0: i32) -> (i32, i32, i32) {
    %c0_i32 = arith.constant 0 : i32
    %c0_i32_0 = arith.constant 0 : i32
    %c0_i32_1 = arith.constant 0 : i32
    return %c0_i32, %arg0, %c0_i32_0 : i32, i32, i32
  }
  func.func @transform_1(%arg0: i32) -> (i32, i32, i32) {
    %c0_i32 = arith.constant 0 : i32
    %c0_i32_0 = arith.constant 0 : i32
    %c0_i32_1 = arith.constant 0 : i32
    return %c0_i32, %arg0, %c0_i32_0 : i32, i32, i32
  }
  func.func @transform_2(%arg0: i32) -> (i32, i32, i32) {
    %c0_i32 = arith.constant 0 : i32
    %c0_i32_0 = arith.constant 0 : i32
    %c0_i32_1 = arith.constant 0 : i32
    return %c0_i32, %arg0, %c0_i32_0 : i32, i32, i32
  }
  func.func @transform_3(%arg0: i32) -> (i32, i32) {
    %c0_i32 = arith.constant 0 : i32
    %c0_i32_0 = arith.constant 0 : i32
    return %arg0, %c0_i32 : i32, i32
  }
  func.func @transform_4(%arg0: i32) -> (i32, i32) {
    %c0_i32 = arith.constant 0 : i32
    %c0_i32_0 = arith.constant 0 : i32
    %c0_i32_1 = arith.constant 0 : i32
    return %c0_i32, %c0_i32_0 : i32, i32
  }
  func.func @transform_5(%arg0: i32) -> (i32, i32) {
    %c0_i32 = arith.constant 0 : i32
    %c0_i32_0 = arith.constant 0 : i32
    %c0_i32_1 = arith.constant 0 : i32
    return %c0_i32, %c0_i32_0 : i32, i32
  }
  func.func @transform_6(%arg0: i32) -> (i32, i32) {
    %c0_i32 = arith.constant 0 : i32
    %c0_i32_0 = arith.constant 0 : i32
    %c0_i32_1 = arith.constant 0 : i32
    return %c0_i32, %c0_i32_0 : i32, i32
  }
  func.func @transform_7(%arg0: i32) -> (i32, i32) {
    %c0_i32 = arith.constant 0 : i32
    %c0_i32_0 = arith.constant 0 : i32
    %c0_i32_1 = arith.constant 0 : i32
    return %c0_i32, %c0_i32_0 : i32, i32
  }
  func.func @transform_8(%arg0: i32) -> (i32, i32) {
    %c0_i32 = arith.constant 0 : i32
    %c0_i32_0 = arith.constant 0 : i32
    %c0_i32_1 = arith.constant 0 : i32
    return %c0_i32, %c0_i32_0 : i32, i32
  }
  func.func @transform_9(%arg0: i32) -> (i32, i32) {
    %c0_i32 = arith.constant 0 : i32
    %c0_i32_0 = arith.constant 0 : i32
    %c0_i32_1 = arith.constant 0 : i32
    return %c0_i32, %c0_i32_0 : i32, i32
  }
  func.func @transform_10(%arg0: i32) -> (i32, i32) {
    %c0_i32 = arith.constant 0 : i32
    %c0_i32_0 = arith.constant 0 : i32
    return %arg0, %c0_i32 : i32, i32
  }
}

</mosaic_0001>

<sc_bundles>
// kernel: kernel.4.cloned.1.call-start
scs
__scs_entry_jumppad:
0x0: {  	(pc) =	sbr.rel $0x88, $3  }
0x1: {  	(tag) =	ssettag $0x0;
	lr =	simm.s32 $0x1  }
0x2: {  	[smem:$0x3F9A] =	sst lr;
	_ =	strace $0xD0000000  }
0x3: {  	_ = 	snop  }
0x4: {  	_ = 	snop  }
0x5: {  	_ = 	snop  }
0x6: {  	_ = 	snop  }
0x7: {  	_ = 	snop  }
__scs_overlays_trampoline_lowered:
0x8: {  	[smem:$0x3FA9] =	sst s0  }
0x9: {  	[smem:$0x3FAA] =	sst s1  }
0xa: {  	[smem:$0x3FAB] =	sst s2  }
0xb: {  	[smem:$0x3FAC] =	sst s3  }
0xc: {  	[smem:$0x3FAD] =	sst s4  }
0xd: {  	[smem:$0x3FAE] =	sst s5  }
0xe: {  	[smem:$0x3FAF] =	sst s6  }
0xf: {  	[smem:$0x3FB0] =	sst s7  }
0x10: {  	[smem:$0x3FB1] =	sst s8  }
0x11: {  	[smem:$0x3FB2] =	sst s9;
	s0 =	simm.s32 @!p0 $0x0  }
0x12: {  	s1 =	sld [smem:$0x3F98];
	s0 =	simm.s32 @p0 $0x1  }
0x13: {  	[smem:$0x3FB3] =	sst s0;
	s0 =	simm.s32 @!p1 $0x0  }
0x14: {  	s2 =	sld [smem:$0x3F97];
	s0 =	simm.s32 @p1 $0x1  }
0x15: {  	[smem:$0x3FB4] =	sst s0;
	s0 =	simm.s32 @!p2 $0x0  }
0x16: {  	s3 =	sld [smem:$0x3FDB];
	s0 =	simm.s32 @p2 $0x1  }
0x17: {  	s4 =	simm.s32 $0x1BF5;
	[smem:$0x3FB6] =	sst s0  }
0x18: {  	s0 =	sld [smem:$0x3F99];
	_ =	swait.ge [sflag:s4], $0x0  }
0x19: {  	s7 =	sld [smem:$0x3F9A]  }
0x1a: {  	s8 =	sadd.s32 $0xFFFFE003, lr  }
0x1b: {  	s9 =	sadd.s32 $0xFFFFFEF7, lr;
	s5 =	simm.s32 $0xFFFFFFFF;
	p2 =	slt.u32 s8, $0xFFFFF086  }
0x1c: {  	p1 =	slt.u32 s9, $0xF7A;
	s5 =	simm.s32 @!p2 $0x0  }
0x1d: {  	s5 =	simm.s32 @p1 $0x1;
	p0 =	seq.s32 s7, s2  }
0x1e: {  	s7 =	smul.u32 @!p0 $0xF7A, s2;
	p2 =	seq.s32 @!p0 s5, $0x0  }
0x1f: {  	s9 =	smul.u32 $0xF7A, s1;
	s8 =	simm.s32 @!p0 $0x1BF5;
	p2 =	por !p2, p0  }
0x20: {  	[sflag:s8] =	ssyncset.s32 @!p0 $0xFFFFF086;
	s6 =	sadd.s32 @!p0 s3, s7;
	s7 =	simm.s32 @!p0 $0x108  }
0x21: {  	s3 =	sadd.s32 s3, s9;
	s6 =	sadd.s32 @!p0 $0x88, s6;
	s7 =	simm.s32 @p2 $0x1082  }
0x22: {  	[simem:s7], [sflag:s8] =	dma.local @!p0 [hbm:s6], $0xF7A  }
0x23: {  	s9 =	sor.u32 $0xD0000000, s2;
	s6 =	simm.s32 $0x108;
	_ =	swait.ge @!p0 [sflag:s8], $0x0  }
0x24: {  	s3 =	sadd.s32 $0x88, s3;
	s6 =	simm.s32 @!p1 $0x1082;
	[sflag:s4] =	ssyncset.s32 $0xFFFFF086  }
0x25: {  	[simem:s6], [sflag:s4] =	dma.local [hbm:s3], $0xF7A  }
0x26: {  	[smem:$0x3F9A] =	sst s1;
	(tag) =	ssettag s2;
	_ =	strace s9  }
0x27: {  	s1 =	sld [smem:$0x3FAA]  }
0x28: {  	s2 =	sld [smem:$0x3FAB]  }
0x29: {  	s4 =	sld [smem:$0x3FAD]  }
0x2a: {  	p0 =	seq.s32 s5, $0x0;
	s5 =	sld [smem:$0x3FAE]  }
0x2b: {  	s6 =	sld [smem:$0x3FAF]  }
0x2c: {  	s7 =	sld [smem:$0x3FB0]  }
0x2d: {  	s3 =	simm.s32 $0x108;
	s8 =	sld [smem:$0x3FB1]  }
0x2e: {  	s3 =	simm.s32 @!p0 $0x1082;
	s9 =	sld [smem:$0x3FB2]  }
0x2f: {  	lr =	sadd.s32 s0, s3;
	s0 =	sld [smem:$0x3FA9]  }
0x30: {  	s3 =	sld [smem:$0x3FAC]  }
0x31: {  	[smem:$0x3FB5] =	sst s10  }
0x32: {  	s10 =	sld [smem:$0x3FB3];
	_ =	sdelay $0x3  }
0x33: {  	p0 =	seq.s32 s10, $0x1;
	s10 =	sld [smem:$0x3FB5];
	_ =	sdelay $0x3  }
0x34: {  	[smem:$0x3FB5] =	sst s10  }
0x35: {  	s10 =	sld [smem:$0x3FB4];
	_ =	sdelay $0x3  }
0x36: {  	p1 =	seq.s32 s10, $0x1;
	s10 =	sld [smem:$0x3FB5];
	_ =	sdelay $0x3  }
0x37: {  	[smem:$0x3FB5] =	sst s10  }
0x38: {  	s10 =	sld [smem:$0x3FB6]  }
0x39: {  	_ = 	snop;
	(pc) =	sbr.ind lr, $3  }
0x3a: {  	_ = 	snop  }
0x3b: {  	_ = 	snop  }
0x3c: {  	p2 =	seq.s32 s10, $0x1;
	s10 =	sld [smem:$0x3FB5]  }
0x3d: {  	_ =	shalt  }
0x3e: {  	_ =	shalt  }
0x3f: {  	_ =	shalt  }
0x40: {  	_ =	shalt  }
0x41: {  	_ =	shalt  }
0x42: {  	_ =	shalt  }
0x43: {  	_ =	shalt  }
0x44: {  	_ =	shalt  }
0x45: {  	_ =	shalt  }
0x46: {  	_ =	shalt  }
0x47: {  	_ =	shalt  }
0x48: {  	_ =	shalt  }
0x49: {  	_ =	shalt  }
0x4a: {  	_ =	shalt  }
0x4b: {  	_ =	shalt  }
0x4c: {  	_ =	shalt  }
0x4d: {  	_ =	shalt  }
0x4e: {  	_ =	shalt  }
0x4f: {  	_ =	shalt  }
0x50: {  	_ =	shalt  }
0x51: {  	_ =	shalt  }
0x52: {  	_ =	shalt  }
0x53: {  	_ =	shalt  }
0x54: {  	_ =	shalt  }
0x55: {  	_ =	shalt  }
0x56: {  	_ =	shalt  }
0x57: {  	_ =	shalt  }
0x58: {  	_ =	shalt  }
0x59: {  	_ =	shalt  }
0x5a: {  	_ =	shalt  }
0x5b: {  	_ =	shalt  }
0x5c: {  	_ =	shalt  }
0x5d: {  	_ =	shalt  }
0x5e: {  	_ =	shalt  }
0x5f: {  	_ =	shalt  }
0x60: {  	_ =	shalt  }
0x61: {  	_ =	shalt  }
0x62: {  	_ =	shalt  }
0x63: {  	_ =	shalt  }
0x64: {  	_ =	shalt  }
0x65: {  	_ =	shalt  }
0x66: {  	_ =	shalt  }
0x67: {  	_ =	shalt  }
0x68: {  	_ =	shalt  }
0x69: {  	_ =	shalt  }
0x6a: {  	_ =	shalt  }
0x6b: {  	_ =	shalt  }
0x6c: {  	_ =	shalt  }
0x6d: {  	_ =	shalt  }
0x6e: {  	_ =	shalt  }
0x6f: {  	_ =	shalt  }
0x70: {  	_ =	shalt  }
0x71: {  	_ =	shalt  }
0x72: {  	_ =	shalt  }
0x73: {  	_ =	shalt  }
0x74: {  	_ =	shalt  }
0x75: {  	_ =	shalt  }
0x76: {  	_ =	shalt  }
0x77: {  	_ =	shalt  }
0x78: {  	_ =	shalt  }
0x79: {  	_ =	shalt  }
0x7a: {  	_ =	shalt  }
0x7b: {  	_ =	shalt  }
0x7c: {  	_ =	shalt  }
0x7d: {  	_ =	shalt  }
0x7e: {  	_ =	shalt  }
0x7f: {  	_ =	shalt  }
0x80: {  	_ =	shalt  }
0x81: {  	_ =	shalt  }
0x82: {  	_ =	shalt  }
0x83: {  	_ =	shalt  }
0x84: {  	_ =	shalt  }
0x85: {  	_ =	shalt  }
0x86: {  	_ =	shalt  }
0x87: {  	_ =	shalt  }
.Lfunc_end0:
.L_simem_size_0:
called_computation_lowered:
.L_overlay_start_0:
0x88: {  	s2 =	sld [smem:$0x3FD9]  }
0x89: {  	s3 =	sld [smem:$0x3FFE];
	_ =	sdelay $0x1  }
0x8a: {  	s1 =	srdreg.scid  }
0x8b: {  	s0 =	sand.u32 $0x1, s1  }
0x8c: {  	s17 =	sshll.u32 s0, $0xA;
	s2 =	sadd.s32 s3, s2  }
0x8d: {  	s2 =	sadd.s32 s2, s17  }
0x8e: {  	[smem:$0x3FC1] =	sst s2  }
0x8f: {  	_ = 	snop  }
0x90: {  	s2 =	sld [smem:$0x3FD0];
	(tm) =	ssettm $0x1  }
0x91: {  	s18 =	sld [smem:$0x3FFB];
	_ =	sdelay $0x3  }
0x92: {  	_ =	strace s18  }
0x93: {  	s3 =	sld [smem:$0x3FFC];
	_ =	sdelay $0x3  }
0x94: {  	_ =	strace s3  }
0x95: {  	s3 =	sld [smem:$0x3FFD];
	_ =	sdelay $0x3  }
0x96: {  	_ =	strace s3  }
0x97: {  	_ =	strace $0x8FFFFFFF  }
0x98: {  	s19 =	sld [smem:$0x3FDB];
	_ =	sdelay $0x1  }
0x99: {  	s4 =	simm.s32 $_scs_section_size  }
0x9a: {  	s5 =	simm.s32 $_size__tile_overlayer_lowered;
	s6 =	simm.s32 $_tile_overlayer_lowered  }
0x9b: {  	s22 =	simm.s32 $0x1BFF;
	s21 =	sshll.u32 s6, $0x1;
	s3 =	sadd.s32 s4, s19  }
0x9c: {  	s7 =	simm.s32 $0x0;
	s20 =	sshll.u32 s5, $0x1;
	s5 =	sadd.s32 s21, s3  }
0x9d: {  	[timem:s7], [sflag:s22] =	dma.local [hbm:s5], s20  }
0x9e: {  	_ =	swait.ge [sflag:s22], s20  }
0x9f: {  	s4 =	ssub.s32 $0x0, s20;
	[sflag:s22] =	ssyncset.done $0x0  }
0xa0: {  	[sflag:s22] =	ssyncadd.s32 s4;
	_ =	sdelay $0x1  }
0xa1: {  	s23 =	simm.s32 $0x1B8B  }
0xa2: {  	_ =	swait.ge [sflag:s23], $0x1  }
0xa3: {  	[sflag:s23] =	ssyncset.done $0x0  }
0xa4: {  	s25 =	simm.s32 $0x1B8E;
	s24 =	sld [smem:$0x3FFE];
	[sflag:s23] =	ssyncadd.s32 $0xFFFFFFFF  }
0xa5: {  	s26 =	simm.s32 $execute0_lowered;
	[smem:$0x3FD2] =	sst s25  }
0xa6: {  	s5 =	sshll.u32 s26, $0x1;
	_ =	strace $0x80000046;
	[dreg:$0x1] =	wrdreg $0xFFFFFFFF  }
0xa7: {  	s28 =	simm.s32 $_size_execute0_lowered;
	s3 =	sadd.s32 s3, s5;
	[dreg:$0x0] =	wrdreg $0x0  }
0xa8: {  	s5 =	sshll.u32 s28, $0x1;
	[dreg:$0x2] =	wrdreg s3  }
0xa9: {  	[dreg:$0x3] =	wrdreg s5  }
0xaa: {  	[dreg:$0x4] =	wrdreg $0xC0  }
0xab: {  	_ =	task [dreg:s7], $0x5FFFF  }
0xac: {  	[dreg:$0x1] =	wrdreg $0xFFFFFFFF  }
0xad: {  	[dreg:$0x0] =	wrdreg $0x60  }
0xae: {  	[dreg:$0x2] =	wrdreg s2  }
0xaf: {  	[dreg:$0x3] =	wrdreg s24  }
0xb0: {  	[dreg:$0x4] =	wrdreg $0x0  }
0xb1: {  	[dreg:$0x5] =	wrdreg $0xA0000  }
0xb2: {  	[dreg:$0x6] =	wrdreg $0xC8000  }
0xb3: {  	[dreg:$0x7] =	wrdreg $0x9  }
0xb4: {  	_ =	task.clear_ibuf [dreg:s7], $0x8FFFF;
	_ =	strace $0x90000046  }
0xb5: {  	s29 =	simm.s32 $0x9;
	_ =	strace $0x80000048  }
0xb6: {  	_ =	swait.ge [sflag:s29], $0x1  }
0xb7: {  	[sflag:s29] =	ssyncadd.s32 $0xFFFFFFFF  }
0xb8: {  	_ =	strace $0x90000048  }
0xb9: {  	_ =	sfence  }
0xba: {  	s30 =	sld [smem:$0x0];
	_ =	sdelay $0x2  }
0xbb: {  	s31 =	sshll.u32 s1, $0xD;
	s1 =	sshrl.u32 s1, $0x2  }
0xbc: {  	s3 =	sand.u32 $0x4000, s31;
	s1 =	sadd.s32 s1, s30  }
0xbd: {  	s0 =	sor.u32 s3, s0;
	s1 =	sshll.u32 s1, $0x11  }
0xbe: {  	s0 =	sor.u32 s1, s0  }
0xbf: {  	s0 =	sadd.s32 $0x8F2B, s0  }
0xc0: {  	[sflag:s0] =	ssyncadd.remote.s32 $0x1  }
0xc1: {  	_ =	sfence.sel $0xFFFF  }
0xc2: {  	[dreg:$0x0] =	wrdreg $0xFFFFFFFF;
	(pc) =	sbr.abs _section_cstart, $3  }
0xc3: {  	[dreg:$0x1] =	wrdreg $0xFFFFFFFF  }
0xc4: {  	_ =	task.clear_ibuf [dreg:s7], $0x2FFFF;
	_ =	strace $0x9FFFFFFF  }
0xc5: {  	(tm) =	ssettm $0x7FFFFFFF  }
tec
execute0_lowered:
.L_overlay_start_1:
0x0: {  	(tag) =	ssettag $0x1  }
0x1: {  	s0 =	rddreg [dreg:$0x0]  }
0x2: {  	s1 =	rddreg [dreg:$0x1]  }
0x3: {  	s2 =	rddreg [dreg:$0x2]  }
0x4: {  	s3 =	rddreg [dreg:$0x3]  }
0x5: {  	s4 =	rddreg [dreg:$0x4]  }
0x6: {  	s5 =	stileid.u32;
	s6 =	srdreg.scid  }
0x7: {  	s8 =	simm.s32 $0x0;
	s29 =	simm.s32 $0x6;
	s30 =	simm.s32 $0x80  }
0x8: {  	s31 =	simm.s32 $0x11000;
	s7 =	smul.u32 $0xA000, s5;
	s6 =	sand.u32 $0x1, s6  }
0x9: {  	[smem:$0x7FF] =	sst s8;
	s9 =	sadd.s32 $0x1400, s1;
	s10 =	smul.u32 $0x2800, s5  }
0xa: {  	s11 =	sadd.s32 $0xB5000, s1;
	s14 =	sadd.s32 $0xCE00, s1;
	s19 =	sadd.s32 $0xB400, s1  }
0xb: {  	s20 =	sadd.s32 $0xC800, s1;
	s15 =	smul.u32 $0x5000, s5;
	s23 =	sshll.u32 s5, $0x6  }
0xc: {  	s16 =	smul.u32 $0xA00, s5;
	_ =	strace $0x80000047;
	[dreg:$0x6] =	wrdreg s14  }
0xd: {  	s5 =	simm.s32 $0x0;
	s18 =	smul.u32 $0xA0000, s6;
	[dreg:$0x7] =	wrdreg s19  }
0xe: {  	s13 =	smul.u32 $0x28000, s6;
	[dreg:$0x8] =	wrdreg s20;
	s21 =	ssub.s32 $0x2, s6  }
0xf: {  	s28 =	smul.u32 $0x13880, s6;
	p0 =	seq.s32 s6, $0x0;
	p1 =	sne.s32 s6, $0x0  }
0x10: {  	s14 =	simm.s32 $0x5;
	s12 =	sadd.s32 s7, s1;
	s22 =	sshrl.u32 s21, $0x1  }
0x11: {  	s24 =	sadd.s32 s10, s3;
	s25 =	sshrl.u32 s15, $0x3;
	s20 =	sadd.s32 s16, s11  }
0x12: {  	s8 =	sadd.s32 s7, s18;
	s7 =	sadd.s32 s7, s2;
	[dreg:$0xb] =	wrdreg s24  }
0x13: {  	s13 =	sadd.s32 s10, s13;
	s10 =	sadd.s32 s10, s4;
	[dreg:$0x9] =	wrdreg s7  }
0x14: {  	s18 =	sor.u32 $0x1C0F, s23;
	s26 =	sadd.s32 s9, s25;
	[dreg:$0xc] =	wrdreg s10  }
0x15: {  	s15 =	sadd.s32 s11, s25;
	s8 =	sshrl.u32 s8, $0x3;
	[dreg:$0xd] =	wrdreg s26  }
0x16: {  	s13 =	sshrl.u32 s13, $0x3;
	[dreg:$0xe] =	wrdreg s15;
	s7 =	sor.u32 $0x80, s25  }
0x17: {  	s15 =	sadd.s32 s0, s28;
	s0 =	sadd.s32 $0x80, s20;
	s10 =	simm.s32 $0x1A000  }
0x18: {  	[dreg:$0xa] =	wrdreg s18;
	s8 =	sadd.s32 s8, s1;
	s1 =	sadd.s32 s13, s1  }
0x19: {  	s13 =	ssub.s32 s21, s22;
	s17 =	sadd.s32 s9, s7;
	s19 =	sadd.s32 s11, s7  }
0x1a: {  	s21 =	sadd.s32 s16, s9;
	s22 =	sshll.u32 s6, $0x7;
	[dreg:$0x16] =	wrdreg s0  }
0x1b: {  	s6 =	simm.s32 $0x13000;
	s7 =	simm.s32 $0x15000;
	[dreg:$0xf] =	wrdreg s17  }
0x1c: {  	s9 =	simm.s32 $0x2;
	[dreg:$0x10] =	wrdreg s19;
	s23 =	sor.u32 $0x10F00, s22  }
0x1d: {  	s11 =	simm.s32 $0x17000;
	s24 =	sadd.s32 $0xD3000, s8;
	[dreg:$0x11] =	wrdreg s23  }
0x1e: {  	s16 =	simm.s32 $0x7;
	s25 =	sadd.s32 $0xC9000, s1;
	[dreg:$0x12] =	wrdreg s24  }
.Ltmp0:
0x1f: {  	s1 =	sadd.s32 $0xBF000, s1;
	[dreg:$0x13] =	wrdreg s25;
	(pc) =	sbr.rel .LBB2_1-.Ltmp0, $4  }
0x20: {  	s26 =	smax.u32 s13, $0x1;
	s28 =	sadd.s32 $0x80, s21;
	[dreg:$0x14] =	wrdreg s1  }
0x21: {  	s8 =	simm.s32 $0xF;
	s13 =	simm.s32 $0x4;
	[dreg:$0x15] =	wrdreg s26  }
0x22: {  	s17 =	simm.s32 $0x8;
	[dreg:$0x17] =	wrdreg s28;
	s25 =	sadd.s32 $0x15000, s12  }
0x23: {  	s1 =	simm.s32 $0x1;
	s12 =	simm.s32 $0x3;
	s23 =	simm.s32 $0x0  }
.LBB2_17:
0x24: {  	_ =	swait.ge [sflag:s13], $0x2000  }
0x25: {  	[sflag:s13] =	ssyncset.done $0x0  }
0x26: {  	s0 =	simm.s32 $0x10F00;
	[sflag:s13] =	ssyncadd.s32 $0xFFFFE000  }
0x27: {  	[spmem:s2] =	stream.indirect.scatter.add.f32 [tilespmem:s7], [sflag:$0x8], $0x40, s0, s30, $0xb8;
	[tilespmem:$0x1A800] =	vst v63  }
0x28: {  	_ =	swait.ge [sflag:s14], $0x2000  }
0x29: {  	[sflag:s14] =	ssyncset.done $0x0  }
0x2a: {  	s19 =	simm.s32 $0x10F80;
	[sflag:s14] =	ssyncadd.s32 $0xFFFFE000  }
0x2b: {  	[spmem:s2] =	stream.indirect.scatter.add.f32 [tilespmem:s11], [sflag:$0x9], $0x40, s19, s30, $0xb8;
	[tilespmem:$0x1A800] =	vst v63  }
0x2c: {  	_ =	swait.ge [sflag:s29], $0x2000  }
0x2d: {  	[sflag:s29] =	ssyncset.done $0x0  }
0x2e: {  	[sflag:s29] =	ssyncadd.s32 $0xFFFFE000  }
0x2f: {  	_ =	swait.ge [sflag:s16], $0x2000  }
0x30: {  	[sflag:s16] =	ssyncset.done $0x0  }
0x31: {  	[sflag:s16] =	ssyncadd.s32 $0xFFFFE000  }
0x32: {  	_ =	swait.ge [sflag:s17], $0x2000  }
0x33: {  	[sflag:s17] =	ssyncset.done $0x0  }
0x34: {  	s20 =	simm.s32 $0x9;
	[sflag:s17] =	ssyncadd.s32 $0xFFFFE000  }
0x35: {  	_ =	swait.ge [sflag:s20], $0x2000  }
0x36: {  	[sflag:s20] =	ssyncset.done $0x0  }
0x37: {  	s21 =	simm.s32 $0xB;
	[sflag:s20] =	ssyncadd.s32 $0xFFFFE000  }
0x38: {  	_ =	swait.ge [sflag:s21], $0x800  }
0x39: {  	s5 =	simm.s32 $0x19800;
	[sflag:s21] =	ssyncset.done $0x0  }
0x3a: {  	s24 =	simm.s32 $0xE;
	s22 =	rddreg [dreg:$0x11];
	[sflag:s21] =	ssyncadd.s32 $0xFFFFF800  }
0x3b: {  	[spmem:s3] =	stream.indirect.scatter.add.f32 [tilespmem:s5], [sflag:$0xD], $0x10, s22, s30, $0xb8;
	[tilespmem:$0x1A800] =	vst v63  }
0x3c: {  	_ =	swait.ge [sflag:s24], $0x100  }
0x3d: {  	[sflag:s24] =	ssyncset.done $0x0  }
0x3e: {  	s10 =	simm.s32 $0x1A000;
	s26 =	simm.s32 $0xC;
	[sflag:s24] =	ssyncadd.s32 $0xFFFFFF00  }
0x3f: {  	[spmem:s4] =	stream.indirect.scatter.add.f32 [tilespmem:s10], [sflag:$0xE], $0x10, s22, s30, $0xb8;
	[tilespmem:$0x1A800] =	vst v63  }
0x40: {  	_ =	swait.ge [sflag:s26], $0x800  }
0x41: {  	[sflag:s26] =	ssyncset.done $0x0  }
0x42: {  	[sflag:s26] =	ssyncadd.s32 $0xFFFFF800  }
0x43: {  	_ =	swait.ge [sflag:s24], $0x100  }
0x44: {  	[sflag:s24] =	ssyncset.done $0x0  }
0x45: {  	s28 =	simm.s32 $0xD;
	[sflag:s24] =	ssyncadd.s32 $0xFFFFFF00  }
0x46: {  	_ =	swait.ge [sflag:s28], $0x800  }
0x47: {  	[sflag:s28] =	ssyncset.done $0x0  }
0x48: {  	[sflag:s28] =	ssyncadd.s32 $0xFFFFF800  }
0x49: {  	_ =	swait.ge [sflag:s24], $0x100  }
0x4a: {  	[sflag:s24] =	ssyncset.done $0x0  }
0x4b: {  	[sflag:s24] =	ssyncadd.s32 $0xFFFFFF00  }
0x4c: {  	[bflag:$0x0] =	sbarrier.arrive $0xFFFF  }
0x4d: {  	s18 =	rddreg [dreg:$0xa]  }
0x4e: {  	s8 =	rddreg [dreg:$0x12]  }
0x4f: {  	s19 =	rddreg [dreg:$0x19]  }
0x50: {  	[hbm:s8], [sflag:s18] =	dma.local [spmem:s19], $0x1400  }
0x51: {  	s8 =	simm.s32 $0xF  }
0x52: {  	_ =	swait.ge [sflag:s8], $0x1400  }
0x53: {  	[sflag:s8] =	ssyncset.done $0x0;
	s20 =	rddreg [dreg:$0x13]  }
0x54: {  	s21 =	rddreg [dreg:$0x1a];
	[sflag:s8] =	ssyncadd.s32 $0xFFFFEC00  }
0x55: {  	[hbm:s20], [sflag:s18] =	dma.local [spmem:s21], $0x500  }
0x56: {  	_ =	swait.ge [sflag:s8], $0x500  }
0x57: {  	[sflag:s8] =	ssyncset.done $0x0;
	s22 =	rddreg [dreg:$0x14]  }
0x58: {  	s24 =	rddreg [dreg:$0x1b];
	[sflag:s8] =	ssyncadd.s32 $0xFFFFFB00  }
0x59: {  	[hbm:s22], [sflag:s18] =	dma.local [spmem:s24], $0x500  }
0x5a: {  	_ =	swait.ge [sflag:s8], $0x500  }
0x5b: {  	s26 =	rddreg [dreg:$0x18]  }
0x5c: {  	s28 =	rddreg [dreg:$0x15];
	s5 =	sadd.s32 $0x1, s26  }
0x5d: {  	p2 =	sne.s32 s5, s28  }
.Ltmp1:
0x5e: {  	_ = 	snop;
	(pc) =	sbr.rel @!p2 .LBB2_18-.Ltmp1, $3  }
0x5f: {  	_ =	sdelay $0x1  }
0x60: {  	[sflag:s8] =	ssyncset.done $0x0  }
0x61: {  	[sflag:s8] =	ssyncadd.s32 $0xFFFFFB00  }
.LBB2_1:
0x62: {  	[dreg:$0x18] =	wrdreg s5  }
0x63: {  	s0 =	rddreg [dreg:$0x9]  }
0x64: {  	s19 =	rddreg [dreg:$0x7];
	s0 =	sshrl.u32 s0, $0x3  }
0x65: {  	[dreg:$0x19] =	wrdreg s0  }
0x66: {  	[spmem:s0], [sflag:s18] =	dma.local [hbm:s19], $0x1400  }
0x67: {  	_ =	swait.ge [sflag:s8], $0x1400  }
0x68: {  	s20 =	rddreg [dreg:$0xb]  }
0x69: {  	[sflag:s8] =	ssyncset.done $0x0;
	s22 =	rddreg [dreg:$0x8];
	s21 =	sshrl.u32 s20, $0x3  }
0x6a: {  	[sflag:s8] =	ssyncadd.s32 $0xFFFFEC00;
	[dreg:$0x1a] =	wrdreg s21  }
0x6b: {  	[spmem:s21], [sflag:s18] =	dma.local [hbm:s22], $0x500  }
0x6c: {  	_ =	swait.ge [sflag:s8], $0x500  }
0x6d: {  	s24 =	rddreg [dreg:$0xc]  }
0x6e: {  	[sflag:s8] =	ssyncset.done $0x0;
	s5 =	sshrl.u32 s24, $0x3  }
0x6f: {  	[sflag:s8] =	ssyncadd.s32 $0xFFFFFB00;
	[dreg:$0x1b] =	wrdreg s5  }
0x70: {  	[spmem:s5], [sflag:s18] =	dma.local [hbm:s22], $0x500  }
0x71: {  	_ =	swait.ge [sflag:s8], $0x500  }
0x72: {  	[sflag:s8] =	ssyncset.done $0x0  }
0x73: {  	s0 =	simm.s32 $0x0;
	s26 =	rddreg [dreg:$0x6];
	[sflag:s8] =	ssyncadd.s32 $0xFFFFFB00  }
0x74: {  	[tilespmem:s10], [sflag:$0xF] =	stream.linear.gather [hbm4b:s26+s0], $0x800, $0x38;
	[tilespmem:$0x1A800] =	vst v63  }
0x75: {  	_ =	swait.ge [sflag:s8], $0x800  }
0x76: {  	[sflag:s8] =	ssyncset.done $0x0  }
0x77: {  	[sflag:s8] =	ssyncadd.s32 $0xFFFFF800  }
0x78: {  	[bflag:$0x0] =	sbarrier.arrive $0xFFFF  }
0x79: {  	s18 =	simm.s32 $0xF000;
	s10 =	rddreg [dreg:$0xd]  }
0x7a: {  	[tilespmem:s18], [sflag:$0xF] =	stream.linear.gather [hbm4b:s10+s0], $0x400, $0x38;
	[tilespmem:$0x1A800] =	vst v63  }
0x7b: {  	_ =	swait.ge [sflag:s8], $0x400  }
0x7c: {  	[sflag:s8] =	ssyncset.done $0x0  }
0x7d: {  	s20 =	simm.s32 $0x10000;
	s19 =	rddreg [dreg:$0xe];
	[sflag:s8] =	ssyncadd.s32 $0xFFFFFC00  }
0x7e: {  	[tilespmem:s20], [sflag:$0xF] =	stream.linear.gather [hbm4b:s19+s0], $0x400, $0x38;
	[tilespmem:$0x1A800] =	vst v63  }
0x7f: {  	s28 =	simm.s32 $0x0;
	s22 =	simm.s32 $0xF400;
	_ =	swait.ge [sflag:s8], $0x400  }
0x80: {  	s26 =	simm.s32 $0x10400;
	[sflag:s8] =	ssyncset.done $0x0;
	s21 =	rddreg [dreg:$0xf]  }
.Ltmp2:
0x81: {  	s24 =	rddreg [dreg:$0x10];
	[sflag:s8] =	ssyncadd.s32 $0xFFFFFC00;
	(pc) =	sbr.rel .LBB2_2-.Ltmp2, $4  }
0x82: {  	[tilespmem:s22], [sflag:$0x1] =	stream.linear.gather [hbm4b:s21+s0], $0x400, $0x38;
	[tilespmem:$0x1A800] =	vst v63  }
0x83: {  	s18 =	simm.s32 $0x0;
	s10 =	simm.s32 $0x0;
	s21 =	rddreg [dreg:$0x17]  }
0x84: {  	[tilespmem:s26], [sflag:$0x1] =	stream.linear.gather [hbm4b:s24+s0], $0x400, $0x38;
	[tilespmem:$0x1A800] =	vst v63  }
0x85: {  	s8 =	simm.s32 $0x0;
	s22 =	rddreg [dreg:$0x16];
	s24 =	simm.s32 $0x400  }
.LBB2_15:
0x86: {  	_ =	swait.ge [sflag:s17], $0x2000  }
0x87: {  	[sflag:s17] =	ssyncset.done $0x0  }
0x88: {  	[sflag:s17] =	ssyncadd.s32 $0xFFFFE000  }
.LBB2_16:
0x89: {  	s0 =	sadd.s32 $0x100, s19  }
0x8a: {  	[tilespmem:s7], [sflag:$0x4] =	stream.indirect.gather [hbm4b:s15+s30], $0x40, s0, s30, $0xb8;
	[tilespmem:$0x1A800] =	vst v63  }
0x8b: {  	s20 =	sand.u32 $0x3800, s8;
	_ =	swait.ge [sflag:s9], $0x2000  }
0x8c: {  	p4 =	por !p2, !p3;
	s0 =	sshrl.u32 s20, $0x2;
	[sflag:s9] =	ssyncset.done $0x0  }
0x8d: {  	s5 =	sadd.s32 @!p4 s18, s25;
	s0 =	sor.u32 $0x10000, s0;
	[sflag:s9] =	ssyncadd.s32 $0xFFFFE000  }
0x8e: {  	[spmem:s2] =	stream.indirect.scatter.add.f32 [tilespmem:s31], [sflag:$0x6], $0x40, s0, s30, $0xb8;
	[tilespmem:$0x1A800] =	vst v63  }
0x8f: {  	s20 =	simm.s32 @!p4 $0x0;
	s26 =	simm.s32 @!p4 $0x19800;
	s5 =	sadd.s32 @!p4 $0x200, s5  }
0x90: {  	[tilespmem:s26], [sflag:$0xB] =	stream.linear.gather @!p4 [hbm4b:s5+s20], $0x800, $0x38;
	[tilespmem:$0x1A800] =	vst v63  }
0x91: {  	s5 =	simm.s32 @!p4 $0xA  }
0x92: {  	_ =	swait.ge @!p4 [sflag:s5], $0x800  }
0x93: {  	[sflag:s5] =	ssyncset.done @!p4 $0x0  }
0x94: {  	s20 =	simm.s32 @!p4 $0x19000;
	[sflag:s5] =	ssyncadd.s32 @!p4 $0xFFFFF800;
	s5 =	simm.s32 @!p4 $0x80  }
0x95: {  	[spmem:s3] =	stream.indirect.scatter.add.f32 @!p4 [tilespmem:s20], [sflag:$0xC], $0x10, s0, s5, $0xb8;
	[tilespmem:$0x1A800] =	vst v63  }
0x96: {  	p4 =	por p2, !p3  }
0x97: {  	s5 =	simm.s32 @!p4 $0xD  }
0x98: {  	_ =	swait.ge @!p4 [sflag:s5], $0x800  }
0x99: {  	[sflag:s5] =	ssyncset.done @!p4 $0x0  }
0x9a: {  	[sflag:s5] =	ssyncadd.s32 @!p4 $0xFFFFF800;
	s5 =	sadd.s32 @!p4 s18, s25  }
0x9b: {  	s20 =	simm.s32 @!p4 $0x0;
	s26 =	simm.s32 @!p4 $0x19800;
	s5 =	sadd.s32 @!p4 $0x200, s5  }
0x9c: {  	[tilespmem:s26], [sflag:$0xB] =	stream.linear.gather @!p4 [hbm4b:s5+s20], $0x800, $0x38;
	[tilespmem:$0x1A800] =	vst v63  }
0x9d: {  	s5 =	simm.s32 @!p4 $0xA  }
0x9e: {  	_ =	swait.ge @!p4 [sflag:s5], $0x800  }
0x9f: {  	[sflag:s5] =	ssyncset.done @!p4 $0x0  }
0xa0: {  	s20 =	simm.s32 @!p4 $0x19000;
	[sflag:s5] =	ssyncadd.s32 @!p4 $0xFFFFF800;
	s5 =	simm.s32 @!p4 $0x80  }
0xa1: {  	[spmem:s3] =	stream.indirect.scatter.add.f32 @!p4 [tilespmem:s20], [sflag:$0xC], $0x10, s0, s5, $0xb8;
	[tilespmem:$0x1A800] =	vst v63  }
0xa2: {  	s5 =	simm.s32 @!p4 $0xE  }
0xa3: {  	_ =	swait.ge @!p4 [sflag:s5], $0x100  }
0xa4: {  	[sflag:s5] =	ssyncset.done @!p4 $0x0  }
0xa5: {  	s20 =	simm.s32 @p3 $0x1A000;
	[sflag:s5] =	ssyncadd.s32 @!p4 $0xFFFFFF00;
	s5 =	simm.s32 @p3 $0x80  }
0xa6: {  	[spmem:s4] =	stream.indirect.scatter.add.f32 @p3 [tilespmem:s20], [sflag:$0xE], $0x10, s0, s5, $0xb8;
	[tilespmem:$0x1A800] =	vst v63  }
0xa7: {  	s5 =	simm.s32 @!p2 $0x9  }
0xa8: {  	_ =	swait.ge @!p2 [sflag:s5], $0x2000  }
0xa9: {  	[sflag:s5] =	ssyncset.done @!p2 $0x0  }
0xaa: {  	s26 =	sadd.s32 $0x180, s19;
	[sflag:s5] =	ssyncadd.s32 @!p2 $0xFFFFE000  }
0xab: {  	[tilespmem:s11], [sflag:$0x5] =	stream.indirect.gather [hbm4b:s15+s30], $0x40, s26, s30, $0xb8;
	[tilespmem:$0x1A800] =	vst v63  }
0xac: {  	_ =	swait.ge [sflag:s12], $0x2000  }
0xad: {  	p4 =	por !p2, p3;
	[sflag:s12] =	ssyncset.done $0x0  }
0xae: {  	s0 =	sadd.s32 $0x80, s0;
	s5 =	sadd.s32 @!p4 s18, s25;
	[sflag:s12] =	ssyncadd.s32 $0xFFFFE000  }
0xaf: {  	[spmem:s2] =	stream.indirect.scatter.add.f32 [tilespmem:s6], [sflag:$0x7], $0x40, s0, s30, $0xb8;
	[tilespmem:$0x1A800] =	vst v63  }
0xb0: {  	s19 =	simm.s32 @!p4 $0x0;
	s20 =	simm.s32 @!p4 $0x19800;
	s5 =	sadd.s32 @!p4 $0x300, s5  }
0xb1: {  	[tilespmem:s20], [sflag:$0xB] =	stream.linear.gather @!p4 [hbm4b:s5+s19], $0x800, $0x38;
	[tilespmem:$0x1A800] =	vst v63  }
0xb2: {  	s5 =	simm.s32 @!p4 $0xA  }
0xb3: {  	_ =	swait.ge @!p4 [sflag:s5], $0x800  }
0xb4: {  	p2 =	por p2, p3;
	[sflag:s5] =	ssyncset.done @!p4 $0x0  }
0xb5: {  	s19 =	simm.s32 @!p4 $0x19000;
	[sflag:s5] =	ssyncadd.s32 @!p4 $0xFFFFF800;
	s5 =	simm.s32 @!p4 $0x80  }
0xb6: {  	[spmem:s3] =	stream.indirect.scatter.add.f32 @!p4 [tilespmem:s19], [sflag:$0xC], $0x10, s0, s5, $0xb8;
	[tilespmem:$0x1A800] =	vst v63  }
0xb7: {  	s5 =	simm.s32 @!p2 $0xD  }
0xb8: {  	_ =	swait.ge @!p2 [sflag:s5], $0x800  }
0xb9: {  	[sflag:s5] =	ssyncset.done @!p2 $0x0  }
0xba: {  	[sflag:s5] =	ssyncadd.s32 @!p2 $0xFFFFF800;
	s5 =	sadd.s32 @!p2 s18, s25  }
0xbb: {  	s20 =	simm.s32 @!p2 $0x19800;
	s19 =	simm.s32 @!p2 $0x0;
	s5 =	sadd.s32 @!p2 $0x300, s5  }
0xbc: {  	[tilespmem:s20], [sflag:$0xB] =	stream.linear.gather @!p2 [hbm4b:s5+s19], $0x800, $0x38;
	[tilespmem:$0x1A800] =	vst v63  }
0xbd: {  	s5 =	simm.s32 @!p2 $0xA  }
0xbe: {  	_ =	swait.ge @!p2 [sflag:s5], $0x800  }
0xbf: {  	[sflag:s5] =	ssyncset.done @!p2 $0x0  }
0xc0: {  	s19 =	simm.s32 @!p2 $0x19000;
	[sflag:s5] =	ssyncadd.s32 @!p2 $0xFFFFF800;
	s5 =	simm.s32 @!p2 $0x80  }
0xc1: {  	[spmem:s3] =	stream.indirect.scatter.add.f32 @!p2 [tilespmem:s19], [sflag:$0xC], $0x10, s0, s5, $0xb8;
	[tilespmem:$0x1A800] =	vst v63  }
0xc2: {  	s5 =	simm.s32 @!p2 $0xE  }
0xc3: {  	_ =	swait.ge @!p2 [sflag:s5], $0x100  }
0xc4: {  	s18 =	sadd.s32 $0x400, s18;
	[sflag:s5] =	ssyncset.done @!p2 $0x0  }
0xc5: {  	[sflag:s5] =	ssyncadd.s32 @!p2 $0xFFFFFF00;
	p2 =	sne.s32 s18, $0xA000  }
.Ltmp3:
0xc6: {  	_ = 	snop;
	(pc) =	sbr.rel @!p2 .LBB2_17-.Ltmp3, $4  }
0xc7: {  	s10 =	sadd.s32 $0x1, s10;
	s28 =	sadd.s32 $0x4, s28  }
0xc8: {  	s22 =	sadd.s32 $0x40, s22;
	s21 =	sadd.s32 $0x40, s21;
	s24 =	sadd.s32 $0x200, s24  }
0xc9: {  	s8 =	sadd.s32 $0x800, s8;
	s19 =	simm.s32 @!p3 $0x1A000;
	s5 =	simm.s32 @!p3 $0x80  }
0xca: {  	[spmem:s4] =	stream.indirect.scatter.add.f32 @!p3 [tilespmem:s19], [sflag:$0xE], $0x10, s0, s5, $0xb8;
	[tilespmem:$0x1A800] =	vst v63  }
.LBB2_2:
0xcb: {  	s19 =	sand.u32 $0x1, s10;
	p2 =	seq.s32 s18, $0x0  }
0xcc: {  	p3 =	sne.s32 @!p2 s19, $0x0  }
0xcd: {  	p3 =	por p2, p3  }
.Ltmp4:
0xce: {  	_ = 	snop;
	(pc) =	sbr.rel @p3 .LBB2_5-.Ltmp4, $1  }
0xcf: {  	_ =	sdelay $0x3  }
0xd0: {  	_ =	swait.ge [sflag:s1], $0x400  }
0xd1: {  	[sflag:s1] =	ssyncset.done $0x0  }
0xd2: {  	[sflag:s1] =	ssyncadd.s32 $0xFFFFFC00  }
0xd3: {  	p2 =	sgt.u32 s10, $0x25;
	_ =	swait.ge [sflag:s1], $0x400  }
.Ltmp5:
0xd4: {  	s0 =	sand.u32 @!p2 $0xC00, s24;
	[sflag:s1] =	ssyncset.done $0x0;
	(pc) =	sbr.rel .LBB2_4-.Ltmp5, $4  }
0xd5: {  	s26 =	simm.s32 @!p2 $0x0;
	s5 =	sor.u32 @!p2 $0xF000, s0;
	[sflag:s1] =	ssyncadd.s32 $0xFFFFFC00  }
0xd6: {  	[tilespmem:s5], [sflag:$0x1] =	stream.linear.gather @!p2 [hbm4b:s21+s26], $0x400, $0x38;
	[tilespmem:$0x1A800] =	vst v63  }
0xd7: {  	s0 =	sor.u32 @!p2 $0x10000, s0  }
0xd8: {  	[tilespmem:s0], [sflag:$0x1] =	stream.linear.gather @!p2 [hbm4b:s22+s26], $0x400, $0x38;
	[tilespmem:$0x1A800] =	vst v63  }
.LBB2_5:
.Ltmp6:
0xd9: {  	(pc) =	sbr.rel @p2 .LBB2_6-.Ltmp6, $1  }
0xda: {  	_ =	sdelay $0x3  }
.LBB2_4:
0xdb: {  	_ =	swait.ge [sflag:s29], $0x2000  }
0xdc: {  	[sflag:s29] =	ssyncset.done $0x0  }
0xdd: {  	p2 =	por $0x0, $0x0;
	[sflag:s29] =	ssyncadd.s32 $0xFFFFE000  }
.LBB2_7:
.Ltmp7:
0xde: {  	s0 =	sadd.s32 $0xFFFFFC00, s24;
	(pc) =	sbr.rel @!p2 .LBB2_11-.Ltmp7, $4  }
0xdf: {  	s5 =	sshll.u32 s19, $0x9;
	s0 =	sand.u32 $0xC00, s0  }
0xe0: {  	s0 =	sor.u32 s5, s0  }
0xe1: {  	s19 =	sor.u32 $0xF000, s0  }
0xe2: {  	[tilespmem:s31], [sflag:$0x2] =	stream.indirect.gather [hbm4b:s15+s30], $0x40, s19, s30, $0xb8;
	[tilespmem:$0x1A800] =	vst v63  }
.Ltmp8:
0xe3: {  	(pc) =	sbr.rel @!p0 .LBB2_10-.Ltmp8, $1  }
0xe4: {  	_ =	sdelay $0x3  }
.Ltmp9:
0xe5: {  	(pc) =	sbr.rel .LBB2_16-.Ltmp9, $4  }
0xe6: {  	s0 =	sadd.s32 s18, s25;
	s5 =	simm.s32 $0x19000  }
0xe7: {  	[tilespmem:s5], [sflag:$0xA] =	stream.linear.gather [hbm4b:s0+s23], $0x800, $0x38;
	[tilespmem:$0x1A800] =	vst v63  }
0xe8: {  	s26 =	sadd.s32 $0x80, s19;
	p3 =	por $0x1, $0x1  }
0xe9: {  	[tilespmem:s6], [sflag:$0x3] =	stream.indirect.gather [hbm4b:s15+s30], $0x40, s26, s30, $0xb8;
	[tilespmem:$0x1A800] =	vst v63  }
.LBB2_11:
0xea: {  	s0 =	sadd.s32 $0xFFFFFFFE, s28  }
0xeb: {  	s5 =	sshll.u32 s0, $0x10  }
0xec: {  	s5 =	sshra.s32 s5, $0x1F  }
0xed: {  	s5 =	sand.u32 $0x7, s5  }
0xee: {  	s5 =	sadd.s32 s5, s0  }
0xef: {  	s26 =	sshll.u32 s5, $0x10  }
0xf0: {  	s20 =	sshra.s32 s0, $0x1F;
	s26 =	sshra.s32 s26, $0x13  }
0xf1: {  	s20 =	sadd.s32 s26, s20  }
0xf2: {  	s26 =	sshll.u32 s20, $0x18  }
0xf3: {  	s26 =	sshra.s32 s26, $0x1F  }
0xf4: {  	s26 =	sand.u32 $0x3, s26  }
0xf5: {  	s26 =	sadd.s32 s26, s20  }
0xf6: {  	s5 =	sand.u32 $0xFFF8, s5;
	s26 =	sand.u32 $0xFC, s26  }
0xf7: {  	s0 =	ssub.s32 s0, s5;
	s26 =	ssub.s32 s20, s26  }
0xf8: {  	s0 =	sshll.u32 s0, $0x10;
	s5 =	sshll.u32 s26, $0x18  }
0xf9: {  	s0 =	sshra.s32 s0, $0x10;
	s5 =	sshra.s32 s5, $0x18  }
0xfa: {  	s0 =	sshll.u32 s0, $0x9;
	s5 =	sshll.u32 s5, $0xC  }
0xfb: {  	_ =	swait.ge [sflag:s13], $0x2000;
	s0 =	sshra.s32 s0, $0x2;
	s5 =	sshra.s32 s5, $0x2  }
0xfc: {  	[sflag:s13] =	ssyncset.done $0x0;
	s0 =	sadd.s32 s0, s5  }
0xfd: {  	[sflag:s13] =	ssyncadd.s32 $0xFFFFE000;
	s5 =	simm.s32 @!p1 $0xC;
	s0 =	sadd.s32 $0x10000, s0  }
0xfe: {  	[spmem:s2] =	stream.indirect.scatter.add.f32 [tilespmem:s7], [sflag:$0x8], $0x40, s0, s30, $0xb8;
	[tilespmem:$0x1A800] =	vst v63  }
0xff: {  	_ =	swait.ge @!p1 [sflag:s5], $0x800  }
0x100: {  	s20 =	simm.s32 @!p1 $0x0;
	[sflag:s5] =	ssyncset.done @!p1 $0x0  }
0x101: {  	s26 =	simm.s32 @!p1 $0x19000;
	[sflag:s5] =	ssyncadd.s32 @!p1 $0xFFFFF800;
	s5 =	sadd.s32 @!p1 s18, s25  }
0x102: {  	[tilespmem:s26], [sflag:$0xA] =	stream.linear.gather @!p1 [hbm4b:s5+s20], $0x800, $0x38;
	[tilespmem:$0x1A800] =	vst v63  }
0x103: {  	s5 =	simm.s32 @!p1 $0xB  }
0x104: {  	p3 =	seq.s32 @!p1 s18, $0x400;
	_ =	swait.ge @!p1 [sflag:s5], $0x800  }
0x105: {  	p3 =	por p3, p1;
	[sflag:s5] =	ssyncset.done @!p1 $0x0  }
0x106: {  	s20 =	simm.s32 @!p1 $0x19800;
	[sflag:s5] =	ssyncadd.s32 @!p1 $0xFFFFF800;
	s5 =	simm.s32 @!p1 $0x80  }
0x107: {  	[spmem:s3] =	stream.indirect.scatter.add.f32 @!p1 [tilespmem:s20], [sflag:$0xD], $0x10, s0, s5, $0xb8;
	[tilespmem:$0x1A800] =	vst v63  }
0x108: {  	s20 =	simm.s32 @!p3 $0xE  }
0x109: {  	_ =	swait.ge @!p3 [sflag:s20], $0x100  }
0x10a: {  	[sflag:s20] =	ssyncset.done @!p3 $0x0  }
0x10b: {  	[sflag:s20] =	ssyncadd.s32 @!p3 $0xFFFFFF00;
	s20 =	simm.s32 @!p1 $0x1A000  }
0x10c: {  	[spmem:s4] =	stream.indirect.scatter.add.f32 @!p1 [tilespmem:s20], [sflag:$0xE], $0x10, s0, s5, $0xb8;
	[tilespmem:$0x1A800] =	vst v63  }
0x10d: {  	_ =	swait.ge [sflag:s16], $0x2000  }
0x10e: {  	s0 =	sadd.s32 $0xFFFFFFFF, s28;
	[sflag:s16] =	ssyncset.done $0x0  }
0x10f: {  	s5 =	sadd.s32 $0x80, s19;
	s20 =	sshll.u32 s0, $0x10;
	[sflag:s16] =	ssyncadd.s32 $0xFFFFE000  }
0x110: {  	[tilespmem:s6], [sflag:$0x3] =	stream.indirect.gather [hbm4b:s15+s30], $0x40, s5, s30, $0xb8;
	[tilespmem:$0x1A800] =	vst v63  }
0x111: {  	s5 =	sshra.s32 s20, $0x1F  }
0x112: {  	s5 =	sand.u32 $0x7, s5  }
0x113: {  	s5 =	sadd.s32 s5, s0  }
0x114: {  	s26 =	sshll.u32 s5, $0x10  }
0x115: {  	s20 =	sshra.s32 s26, $0x13;
	s26 =	sshra.s32 s0, $0x1F  }
0x116: {  	s20 =	sadd.s32 s20, s26  }
0x117: {  	s26 =	sshll.u32 s20, $0x18  }
0x118: {  	s26 =	sshra.s32 s26, $0x1F  }
0x119: {  	s26 =	sand.u32 $0x3, s26  }
0x11a: {  	s26 =	sadd.s32 s26, s20  }
0x11b: {  	s5 =	sand.u32 $0xFFF8, s5;
	s26 =	sand.u32 $0xFC, s26  }
0x11c: {  	s0 =	ssub.s32 s0, s5;
	s26 =	ssub.s32 s20, s26  }
0x11d: {  	s0 =	sshll.u32 s0, $0x10;
	s5 =	sshll.u32 s26, $0x18  }
0x11e: {  	s0 =	sshra.s32 s0, $0x10;
	s5 =	sshra.s32 s5, $0x18  }
.Ltmp10:
0x11f: {  	s0 =	sshll.u32 s0, $0x9;
	s5 =	sshll.u32 s5, $0xC;
	(pc) =	sbr.rel @p0 .LBB2_15-.Ltmp10, $4  }
0x120: {  	_ =	swait.ge [sflag:s14], $0x2000;
	s0 =	sshra.s32 s0, $0x2;
	s5 =	sshra.s32 s5, $0x2  }
0x121: {  	[sflag:s14] =	ssyncset.done $0x0;
	s0 =	sadd.s32 s0, s5  }
0x122: {  	p3 =	por $0x1, $0x1;
	[sflag:s14] =	ssyncadd.s32 $0xFFFFE000;
	s0 =	sadd.s32 $0x10000, s0  }
0x123: {  	[spmem:s2] =	stream.indirect.scatter.add.f32 [tilespmem:s11], [sflag:$0x9], $0x40, s0, s30, $0xb8;
	[tilespmem:$0x1A800] =	vst v63  }
.Ltmp11:
0x124: {  	(pc) =	sbr.rel .LBB2_13-.Ltmp11, $4  }
0x125: {  	s0 =	simm.s32 $0xC  }
0x126: {  	_ =	swait.ge [sflag:s0], $0x800  }
0x127: {  	[sflag:s0] =	ssyncset.done $0x0  }
0x128: {  	[sflag:s0] =	ssyncadd.s32 $0xFFFFF800  }
.LBB2_10:
0x129: {  	s0 =	sadd.s32 $0x80, s19  }
0x12a: {  	[tilespmem:s6], [sflag:$0x3] =	stream.indirect.gather [hbm4b:s15+s30], $0x40, s0, s30, $0xb8;
	[tilespmem:$0x1A800] =	vst v63  }
.LBB2_13:
.Ltmp12:
0x12b: {  	(pc) =	sbr.rel @p2 .LBB2_16-.Ltmp12, $4  }
0x12c: {  	_ = 	snop  }
0x12d: {  	s0 =	sadd.s32 s18, s25  }
0x12e: {  	s5 =	simm.s32 $0x19000;
	p3 =	por $0x0, $0x0;
	s0 =	sadd.s32 $0x100, s0  }
0x12f: {  	[tilespmem:s5], [sflag:$0xA] =	stream.linear.gather [hbm4b:s0+s23], $0x800, $0x38;
	[tilespmem:$0x1A800] =	vst v63  }
0x130: {  	s0 =	sadd.s32 $0xFFFFFFFF, s28  }
0x131: {  	s5 =	sshll.u32 s0, $0x10  }
0x132: {  	s5 =	sshra.s32 s5, $0x1F  }
0x133: {  	s5 =	sand.u32 $0x7, s5  }
0x134: {  	s5 =	sadd.s32 s5, s0  }
0x135: {  	s20 =	sshll.u32 s5, $0x10  }
0x136: {  	s26 =	sshra.s32 s0, $0x1F;
	s20 =	sshra.s32 s20, $0x13  }
0x137: {  	s20 =	sadd.s32 s20, s26  }
0x138: {  	s26 =	sshll.u32 s20, $0x18  }
0x139: {  	s26 =	sshra.s32 s26, $0x1F  }
0x13a: {  	s26 =	sand.u32 $0x3, s26  }
0x13b: {  	s26 =	sadd.s32 s26, s20  }
0x13c: {  	s5 =	sand.u32 $0xFFF8, s5;
	s26 =	sand.u32 $0xFC, s26  }
0x13d: {  	s0 =	ssub.s32 s0, s5;
	s20 =	ssub.s32 s20, s26  }
0x13e: {  	s0 =	sshll.u32 s0, $0x10;
	s5 =	sshll.u32 s20, $0x18  }
0x13f: {  	s0 =	sshra.s32 s0, $0x10;
	s5 =	sshra.s32 s5, $0x18  }
0x140: {  	s0 =	sshll.u32 s0, $0x9;
	s26 =	simm.s32 $0xB;
	s5 =	sshll.u32 s5, $0xC  }
0x141: {  	s0 =	sshra.s32 s0, $0x2;
	_ =	swait.ge [sflag:s26], $0x800;
	s5 =	sshra.s32 s5, $0x2  }
0x142: {  	p3 =	seq.s32 s18, $0x400;
	[sflag:s26] =	ssyncset.done $0x0;
	s0 =	sadd.s32 s0, s5  }
0x143: {  	s20 =	simm.s32 $0x19800;
	[sflag:s26] =	ssyncadd.s32 $0xFFFFF800;
	s0 =	sadd.s32 $0x10000, s0  }
0x144: {  	[spmem:s3] =	stream.indirect.scatter.add.f32 [tilespmem:s20], [sflag:$0xD], $0x10, s0, s30, $0xb8;
	[tilespmem:$0x1A800] =	vst v63  }
.Ltmp13:
0x145: {  	s5 =	simm.s32 @!p3 $0xE;
	(pc) =	sbr.rel .LBB2_15-.Ltmp13, $4  }
0x146: {  	_ =	swait.ge @!p3 [sflag:s5], $0x100  }
0x147: {  	[sflag:s5] =	ssyncset.done @!p3 $0x0  }
0x148: {  	s26 =	simm.s32 $0x1A000;
	[sflag:s5] =	ssyncadd.s32 @!p3 $0xFFFFFF00;
	p3 =	por $0x0, $0x0  }
0x149: {  	[spmem:s4] =	stream.indirect.scatter.add.f32 [tilespmem:s26], [sflag:$0xE], $0x10, s0, s30, $0xb8;
	[tilespmem:$0x1A800] =	vst v63  }
.LBB2_6:
.Ltmp14:
0x14a: {  	(pc) =	sbr.rel .LBB2_7-.Ltmp14, $2  }
0x14b: {  	_ =	sdelay $0x2  }
0x14c: {  	p2 =	por $0x1, $0x1  }
.LBB2_18:
0x14d: {  	_ =	sfence.sel $0x180000  }
0x14e: {  	[bflag:$0x0] =	sbarrier.arrive $0xFFFF  }
0x14f: {  	_ =	strace $0x90000047  }
0x150: {  	s0 =	stileid.u32;
	[bflag:$0x2] =	sbarrier.arrive $0xFFFF  }
0x151: {  	p0 =	sne.s32 s0, $0x0;
	s0 =	rddreg [dreg:$0x5]  }
0x152: {  	s0 =	sadd.s32 @!p0 $0x100000, s0  }
0x153: {  	[sflag:s0] =	ssyncadd.tile.s32 @!p0 $0x1;
	_ =	shalt  }
.Lfunc_end2:
_tile_overlayer_lowered:
.L_overlay_start_2:
0x154: {  	(tag) =	ssettag $0x2  }
0x155: {  	s0 =	rddreg [dreg:$0x0];
	s2 =	stileid.u32  }
0x156: {  	s1 =	rddreg [dreg:$0x1];
	p0 =	sne.s32 s2, $0x0  }
0x157: {  	s3 =	rddreg [dreg:$0x2];
	[bflag:$0x3] =	sbarrier.arrive $0xFFFF;
	s2 =	simm.s32 @!p0 $0x1C0F  }
0x158: {  	[timem:s3], [sflag:s2] =	dma.local @!p0 [hbm:s0], s1  }
0x159: {  	s0 =	simm.s32 @!p0 $0xF  }
0x15a: {  	_ =	swait.ge @!p0 [sflag:s0], s1  }
0x15b: {  	s1 =	ssub.s32 @!p0 $0x0, s1;
	[sflag:s0] =	ssyncset.done @!p0 $0x0  }
0x15c: {  	[sflag:s0] =	ssyncadd.s32 @!p0 s1  }
0x15d: {  	[bflag:$0x3] =	sbarrier.arrive $0xFFFF  }
0x15e: {  	_ =	shalt  }

</sc_bundles>
